<compile_context>
chip_gen: v7x
topology: tpu7x:2x2x1
jax: 0.10.2.dev20260603
libtpu: 0.0.44.dev20260713+nightly
codegen_flags: <defaults>
</compile_context>

<pallas_src>
import functools

import jax
import jax.numpy as jnp
from jax import lax
from jax.experimental import pallas as pl
from jax.experimental.pallas import tpu as pltpu
from jax.experimental.pallas import tpu_sc as plsc

B = 16384
D = 64
V = 1000
NA = 5
NC = 2
NS = 16
NW = NC * NS
ROWS_PER_W = B // NW
CHUNK = 256
NCHUNKS = ROWS_PER_W // CHUNK
LANE = 16

_ROW_OFFS = (0, 1, 2000, 2001, 4000)


def _project_body(t0, t1, t2, t3, t4, wT_ref, b_ref, out_ref):
    def proj(tref, j):
        return lax.dot_general(tref[...], wT_ref[:, j * D:(j + 1) * D],
                               (((0,), (1,)), ((), ())),
                               preferred_element_type=jnp.float32)

    p0 = proj(t0, 0) + b_ref[...]
    p1 = proj(t1, 1)
    p2 = proj(t2, 2)
    p3 = proj(t3, 3)
    p4 = proj(t4, 4)
    out_ref[pl.ds(0, V), :] = jnp.concatenate([p0, p1], axis=1)
    out_ref[pl.ds(V, V), :] = jnp.concatenate([p2, p3], axis=1)
    out_ref[pl.ds(2 * V, V), :] = jnp.concatenate([p4, p4], axis=1)


def _project_tables(tabTs, wT, b2):
    return pl.pallas_call(
        _project_body,
        out_shape=jax.ShapeDtypeStruct((3 * V, 2 * D), jnp.float32),
    )(*tabTs, wT, b2)


@functools.cache
def _get_sc_encode():
    mesh = plsc.VectorSubcoreMesh(core_axis_name="c", subcore_axis_name="s",
                                  num_cores=NC, num_subcores=NS)
    return functools.partial(
        pl.kernel,
        out_type=jax.ShapeDtypeStruct((D, B), jnp.float32),
        mesh=mesh,
        compiler_params=pltpu.CompilerParams(use_tc_tiling_on_sc=False,
                                             needs_layout_passes=False),
        scratch_types=[
            [pltpu.VMEM((CHUNK,), jnp.int32) for _ in range(NA)],
            pltpu.VMEM((NA, CHUNK, D), jnp.float32),
            pltpu.VMEM((D, CHUNK), jnp.float32),
            pltpu.VMEM((D,), jnp.float32),
            pltpu.VMEM((D,), jnp.float32),
            pltpu.SemaphoreType.DMA,
        ],
    )(_sc_encode_body)


def _sc_encode_body(idx_hbm, table_hbm, gamma_hbm, beta_hbm, out_hbm,
                    idx_v, gbuf, tbuf, gam_v, bet_v, sem):
    wid = lax.axis_index("s") * NC + lax.axis_index("c")

    pltpu.sync_copy(gamma_hbm, gam_v)
    pltpu.sync_copy(beta_hbm, bet_v)
    gam = [gam_v[pl.ds(v * LANE, LANE)] for v in range(D // LANE)]
    bet = [bet_v[pl.ds(v * LANE, LANE)] for v in range(D // LANE)]
    lane_iota = lax.iota(jnp.int32, LANE)
    scat_rows = [lane_iota + v * LANE for v in range(D // LANE)]

    for c in range(NCHUNKS):
        base = wid * ROWS_PER_W + c * CHUNK
        for j in range(NA):
            pltpu.sync_copy(idx_hbm.at[pl.ds(j * B + base, CHUNK)], idx_v[j])
        copies = [
            pltpu.async_copy(table_hbm.at[idx_v[j]], gbuf.at[j], sem)
            for j in range(NA)
        ]
        for cp in copies:
            cp.wait()

        @plsc.parallel_loop(0, CHUNK, 1, unroll=4)
        def _(r):
            acc = []
            for v in range(D // LANE):
                s = gbuf[0, r, pl.ds(v * LANE, LANE)]
                for j in range(1, NA):
                    s = s + gbuf[j, r, pl.ds(v * LANE, LANE)]
                acc.append(s)
            tot = (acc[0] + acc[1]) + (acc[2] + acc[3])
            sq = (acc[0] * acc[0] + acc[1] * acc[1]) + \
                 (acc[2] * acc[2] + acc[3] * acc[3])
            mean_s = jnp.sum(tot) * (1.0 / D)
            var_s = jnp.sum(sq) * (1.0 / D) - mean_s * mean_s + 1e-5
            bits = lax.bitcast_convert_type(var_s, jnp.int32)
            y = lax.bitcast_convert_type(
                jnp.int32(0x5F3759DF) - (bits >> 1), jnp.float32)
            for _ in range(3):
                y = y * (1.5 - 0.5 * var_s * y * y)
            mean = jnp.broadcast_to(mean_s, (LANE,))
            rstd = jnp.broadcast_to(y, (LANE,))
            col = jnp.broadcast_to(r, (LANE,))
            for v in range(D // LANE):
                o = (acc[v] - mean) * rstd * gam[v] + bet[v]
                plsc.store_scatter(tbuf, [scat_rows[v], col],
                                   jnp.maximum(o, 0.0))

        pltpu.sync_copy(tbuf, out_hbm.at[:, pl.ds(base, CHUNK)])


def kernel(attributes, cat_table, col_table, mat_table, pat_table, sea_table,
           W, b, gamma, beta):
    at = attributes.astype(jnp.int32)
    offs = jnp.array(_ROW_OFFS, jnp.int32)
    idx = (at * 2 + offs[None, :]).T.reshape(-1)
    tabTs = [t.T for t in (cat_table, col_table, mat_table, pat_table,
                           sea_table)]
    p_all = _project_tables(tabTs, W.T, b.reshape(1, D))
    table = p_all.reshape(6 * V, D)
    out_t = _get_sc_encode()(idx, table, gamma, beta)
    return out_t.T

# --- scband reference (transcript-rebuilt; emitter-appended) ---
"""Pipeline reference for scband-attribute-encoder-23570780520477 (READ-ONLY COPY).

The authoritative reference and input builder live on the scoring server;
editing this copy changes nothing except your own understanding.
"""

import jax, jax.numpy as jnp
import numpy as np

B = 16384
D = 64
V = 1000

def setup_inputs(seed: int = 0) -> dict:
    key = jax.random.key(seed)
    ks = jax.random.split(key, 10)
    attributes = jax.random.randint(ks[0], (B, 5), 0, V, dtype=jnp.int64)
    def xavier(k, shape):
        fan_in, fan_out = shape[0], shape[1]
        limit = float(np.sqrt(6.0 / (fan_in + fan_out)))
        return jax.random.uniform(k, shape, jnp.float32, -limit, limit)
    cat_table = xavier(ks[1], (V, D))
    col_table = xavier(ks[2], (V, D))
    mat_table = xavier(ks[3], (V, D))
    pat_table = xavier(ks[4], (V, D))
    sea_table = xavier(ks[5], (V, D))
    W = xavier(ks[6], (5 * D, D))
    b = jnp.zeros((D,), jnp.float32)
    gamma = jnp.ones((D,), jnp.float32)
    beta = jnp.zeros((D,), jnp.float32)
    return {"attributes": attributes, "cat_table": cat_table, "col_table": col_table,
            "mat_table": mat_table, "pat_table": pat_table, "sea_table": sea_table,
            "W": W, "b": b, "gamma": gamma, "beta": beta}

def reference(attributes, cat_table, col_table, mat_table, pat_table, sea_table, W, b, gamma, beta):
    cat_emb = jnp.take(cat_table, attributes[:, 0], axis=0)
    col_emb = jnp.take(col_table, attributes[:, 1], axis=0)
    mat_emb = jnp.take(mat_table, attributes[:, 2], axis=0)
    pat_emb = jnp.take(pat_table, attributes[:, 3], axis=0)
    sea_emb = jnp.take(sea_table, attributes[:, 4], axis=0)
    combined = jnp.concatenate([cat_emb, col_emb, mat_emb, pat_emb, sea_emb], axis=-1)
    x = combined @ W + b
    mean = jnp.mean(x, axis=-1, keepdims=True)
    var = jnp.var(x, axis=-1, keepdims=True)
    x = (x - mean) / jnp.sqrt(var + 1e-5)
    x = x * gamma + beta
    x = jnp.maximum(x, 0.0)
    # Dropout is identity in eval mode
    return x

if __name__ == "__main__":
    import jax
    _d = setup_inputs()
    print(jax.jit(kernel)(*tuple(_d.values())))

</pallas_src>

<mosaic_0001>
#map = affine_map<(d0, d1) -> (0)>
#map1 = affine_map<(d0, d1) -> (0, 0)>
module attributes {stable_mosaic.version = 14 : i64} {
  func.func @_sc_encode_body(%arg0: i32, %arg1: i32, %arg2: memref<81920xi32, #tpu.memory_space<hbm>>, %arg3: memref<6000x64xf32, #tpu.memory_space<hbm>>, %arg4: memref<64xf32, #tpu.memory_space<hbm>>, %arg5: memref<64xf32, #tpu.memory_space<hbm>>, %arg6: memref<64x16384xf32, #tpu.memory_space<hbm>>, %arg7: memref<256xi32, #tpu.memory_space<vmem>>, %arg8: memref<256xi32, #tpu.memory_space<vmem>>, %arg9: memref<256xi32, #tpu.memory_space<vmem>>, %arg10: memref<256xi32, #tpu.memory_space<vmem>>, %arg11: memref<256xi32, #tpu.memory_space<vmem>>, %arg12: memref<5x256x64xf32, #tpu.memory_space<vmem>>, %arg13: memref<64x256xf32, #tpu.memory_space<vmem>>, %arg14: memref<64xf32, #tpu.memory_space<vmem>>, %arg15: memref<64xf32, #tpu.memory_space<vmem>>, %arg16: memref<!tpu.dma_semaphore, #tpu.memory_space<semaphore_mem>>) attributes {dimension_semantics = [#tpu.dimension_semantics<core_parallel>, #tpu.dimension_semantics<subcore_parallel>], iteration_bounds = array<i64: 2, 16>, scalar_prefetch = 0 : i64, scratch_operands = 10 : i64, tpu.core_type = #tpu.core_type<sc_vector_subcore>, window_params = [{transform_indices = #map}, {transform_indices = #map1}, {transform_indices = #map}, {transform_indices = #map}, {transform_indices = #map1}]} {
    %mul3A = arith.constant 2 : i32
    %mul3A_0 = arith.muli %arg1, %mul3A : i32
    %add3A = arith.addi %mul3A_0, %arg0 : i32
    "tpu.region"() ({
      %run_scoped3A = tpu.sem_alloc : memref<!tpu.dma_semaphore, #tpu.memory_space<semaphore_mem>>
      tpu.enqueue_dma source(%arg4 : memref<64xf32, #tpu.memory_space<hbm>>) target(%arg14 : memref<64xf32, #tpu.memory_space<vmem>>) target_semaphore(%run_scoped3A : memref<!tpu.dma_semaphore, #tpu.memory_space<semaphore_mem>>)
      tpu.wait_dma2 semaphore(%run_scoped3A : memref<!tpu.dma_semaphore, #tpu.memory_space<semaphore_mem>>) src(%arg4 : memref<64xf32, #tpu.memory_space<hbm>>) dst(%arg14 : memref<64xf32, #tpu.memory_space<vmem>>)
      tpu.yield
    }) : () -> ()
    "tpu.region"() ({
      %run_scoped3A = tpu.sem_alloc : memref<!tpu.dma_semaphore, #tpu.memory_space<semaphore_mem>>
      tpu.enqueue_dma source(%arg5 : memref<64xf32, #tpu.memory_space<hbm>>) target(%arg15 : memref<64xf32, #tpu.memory_space<vmem>>) target_semaphore(%run_scoped3A : memref<!tpu.dma_semaphore, #tpu.memory_space<semaphore_mem>>)
      tpu.wait_dma2 semaphore(%run_scoped3A : memref<!tpu.dma_semaphore, #tpu.memory_space<semaphore_mem>>) src(%arg5 : memref<64xf32, #tpu.memory_space<hbm>>) dst(%arg15 : memref<64xf32, #tpu.memory_space<vmem>>)
      tpu.yield
    }) : () -> ()
    %get3A = arith.constant 0 : index
    %get3A_1 = tpu.vector_load %arg14[%get3A] {strides = array<i32>} : memref<64xf32, #tpu.memory_space<vmem>>, vector<16xf32>,
    %get3A_2 = arith.constant 16 : index
    %get3A_3 = tpu.vector_load %arg14[%get3A_2] {strides = array<i32>} : memref<64xf32, #tpu.memory_space<vmem>>, vector<16xf32>,
    %get3A_4 = arith.constant 32 : index
    %get3A_5 = tpu.vector_load %arg14[%get3A_4] {strides = array<i32>} : memref<64xf32, #tpu.memory_space<vmem>>, vector<16xf32>,
    %get3A_6 = arith.constant 48 : index
    %get3A_7 = tpu.vector_load %arg14[%get3A_6] {strides = array<i32>} : memref<64xf32, #tpu.memory_space<vmem>>, vector<16xf32>,
    %get3A_8 = arith.constant 0 : index
    %get3A_9 = tpu.vector_load %arg15[%get3A_8] {strides = array<i32>} : memref<64xf32, #tpu.memory_space<vmem>>, vector<16xf32>,
    %get3A_10 = arith.constant 16 : index
    %get3A_11 = tpu.vector_load %arg15[%get3A_10] {strides = array<i32>} : memref<64xf32, #tpu.memory_space<vmem>>, vector<16xf32>,
    %get3A_12 = arith.constant 32 : index
    %get3A_13 = tpu.vector_load %arg15[%get3A_12] {strides = array<i32>} : memref<64xf32, #tpu.memory_space<vmem>>, vector<16xf32>,
    %get3A_14 = arith.constant 48 : index
    %get3A_15 = tpu.vector_load %arg15[%get3A_14] {strides = array<i32>} : memref<64xf32, #tpu.memory_space<vmem>>, vector<16xf32>,
    %iota3A = tpu.iota {dimensions = array<i32: 0>} : vector<16xi32>
    %add3A_16 = arith.constant 0 : i32
    %add3A_17 = vector.broadcast %add3A_16 : i32 to vector<16xi32>
    %add3A_18 = arith.addi %iota3A, %add3A_17 : vector<16xi32>
    %add3A_19 = arith.constant 16 : i32
    %add3A_20 = vector.broadcast %add3A_19 : i32 to vector<16xi32>
    %add3A_21 = arith.addi %iota3A, %add3A_20 : vector<16xi32>
    %add3A_22 = arith.constant 32 : i32
    %add3A_23 = vector.broadcast %add3A_22 : i32 to vector<16xi32>
    %add3A_24 = arith.addi %iota3A, %add3A_23 : vector<16xi32>
    %add3A_25 = arith.constant 48 : i32
    %add3A_26 = vector.broadcast %add3A_25 : i32 to vector<16xi32>
    %add3A_27 = arith.addi %iota3A, %add3A_26 : vector<16xi32>
    %mul3A_28 = arith.constant 512 : i32
    %mul3A_29 = arith.muli %add3A, %mul3A_28 : i32
    %add3A_30 = arith.constant 0 : i32
    %add3A_31 = arith.addi %mul3A_29, %add3A_30 : i32
    %add3A_32 = arith.constant 0 : i32
    %add3A_33 = arith.addi %add3A_32, %add3A_31 : i32
    "tpu.region"() ({
      %run_scoped3A = tpu.sem_alloc : memref<!tpu.dma_semaphore, #tpu.memory_space<semaphore_mem>>
      %dma_start3A_219 = tpu.memref_slice %arg2[%add3A_33] : memref<81920xi32, #tpu.memory_space<hbm>> -> memref<256xi32, #tpu.memory_space<hbm>>
      %dma_start3A_220 = tpu.memref_slice %arg2[%add3A_33] : memref<81920xi32, #tpu.memory_space<hbm>> -> memref<256xi32, #tpu.memory_space<hbm>>
      tpu.enqueue_dma source(%dma_start3A_220 : memref<256xi32, #tpu.memory_space<hbm>>) target(%arg7 : memref<256xi32, #tpu.memory_space<vmem>>) target_semaphore(%run_scoped3A : memref<!tpu.dma_semaphore, #tpu.memory_space<semaphore_mem>>)
      %dma_wait3A_221 = tpu.memref_slice %arg2[%add3A_33] : memref<81920xi32, #tpu.memory_space<hbm>> -> memref<256xi32, #tpu.memory_space<hbm>>
      %dma_wait3A_222 = tpu.memref_slice %arg2[%add3A_33] : memref<81920xi32, #tpu.memory_space<hbm>> -> memref<256xi32, #tpu.memory_space<hbm>>
      tpu.wait_dma2 semaphore(%run_scoped3A : memref<!tpu.dma_semaphore, #tpu.memory_space<semaphore_mem>>) src(%dma_wait3A_222 : memref<256xi32, #tpu.memory_space<hbm>>) dst(%arg7 : memref<256xi32, #tpu.memory_space<vmem>>)
      tpu.yield
    }) : () -> ()
    %add3A_34 = arith.constant 16384 : i32
    %add3A_35 = arith.addi %add3A_34, %add3A_31 : i32
    "tpu.region"() ({
      %run_scoped3A = tpu.sem_alloc : memref<!tpu.dma_semaphore, #tpu.memory_space<semaphore_mem>>
      %dma_start3A_219 = tpu.memref_slice %arg2[%add3A_35] : memref<81920xi32, #tpu.memory_space<hbm>> -> memref<256xi32, #tpu.memory_space<hbm>>
      %dma_start3A_220 = tpu.memref_slice %arg2[%add3A_35] : memref<81920xi32, #tpu.memory_space<hbm>> -> memref<256xi32, #tpu.memory_space<hbm>>
      tpu.enqueue_dma source(%dma_start3A_220 : memref<256xi32, #tpu.memory_space<hbm>>) target(%arg8 : memref<256xi32, #tpu.memory_space<vmem>>) target_semaphore(%run_scoped3A : memref<!tpu.dma_semaphore, #tpu.memory_space<semaphore_mem>>)
      %dma_wait3A_221 = tpu.memref_slice %arg2[%add3A_35] : memref<81920xi32, #tpu.memory_space<hbm>> -> memref<256xi32, #tpu.memory_space<hbm>>
      %dma_wait3A_222 = tpu.memref_slice %arg2[%add3A_35] : memref<81920xi32, #tpu.memory_space<hbm>> -> memref<256xi32, #tpu.memory_space<hbm>>
      tpu.wait_dma2 semaphore(%run_scoped3A : memref<!tpu.dma_semaphore, #tpu.memory_space<semaphore_mem>>) src(%dma_wait3A_222 : memref<256xi32, #tpu.memory_space<hbm>>) dst(%arg8 : memref<256xi32, #tpu.memory_space<vmem>>)
      tpu.yield
    }) : () -> ()
    %add3A_36 = arith.constant 32768 : i32
    %add3A_37 = arith.addi %add3A_36, %add3A_31 : i32
    "tpu.region"() ({
      %run_scoped3A = tpu.sem_alloc : memref<!tpu.dma_semaphore, #tpu.memory_space<semaphore_mem>>
      %dma_start3A_219 = tpu.memref_slice %arg2[%add3A_37] : memref<81920xi32, #tpu.memory_space<hbm>> -> memref<256xi32, #tpu.memory_space<hbm>>
      %dma_start3A_220 = tpu.memref_slice %arg2[%add3A_37] : memref<81920xi32, #tpu.memory_space<hbm>> -> memref<256xi32, #tpu.memory_space<hbm>>
      tpu.enqueue_dma source(%dma_start3A_220 : memref<256xi32, #tpu.memory_space<hbm>>) target(%arg9 : memref<256xi32, #tpu.memory_space<vmem>>) target_semaphore(%run_scoped3A : memref<!tpu.dma_semaphore, #tpu.memory_space<semaphore_mem>>)
      %dma_wait3A_221 = tpu.memref_slice %arg2[%add3A_37] : memref<81920xi32, #tpu.memory_space<hbm>> -> memref<256xi32, #tpu.memory_space<hbm>>
      %dma_wait3A_222 = tpu.memref_slice %arg2[%add3A_37] : memref<81920xi32, #tpu.memory_space<hbm>> -> memref<256xi32, #tpu.memory_space<hbm>>
      tpu.wait_dma2 semaphore(%run_scoped3A : memref<!tpu.dma_semaphore, #tpu.memory_space<semaphore_mem>>) src(%dma_wait3A_222 : memref<256xi32, #tpu.memory_space<hbm>>) dst(%arg9 : memref<256xi32, #tpu.memory_space<vmem>>)
      tpu.yield
    }) : () -> ()
    %add3A_38 = arith.constant 49152 : i32
    %add3A_39 = arith.addi %add3A_38, %add3A_31 : i32
    "tpu.region"() ({
      %run_scoped3A = tpu.sem_alloc : memref<!tpu.dma_semaphore, #tpu.memory_space<semaphore_mem>>
      %dma_start3A_219 = tpu.memref_slice %arg2[%add3A_39] : memref<81920xi32, #tpu.memory_space<hbm>> -> memref<256xi32, #tpu.memory_space<hbm>>
      %dma_start3A_220 = tpu.memref_slice %arg2[%add3A_39] : memref<81920xi32, #tpu.memory_space<hbm>> -> memref<256xi32, #tpu.memory_space<hbm>>
      tpu.enqueue_dma source(%dma_start3A_220 : memref<256xi32, #tpu.memory_space<hbm>>) target(%arg10 : memref<256xi32, #tpu.memory_space<vmem>>) target_semaphore(%run_scoped3A : memref<!tpu.dma_semaphore, #tpu.memory_space<semaphore_mem>>)
      %dma_wait3A_221 = tpu.memref_slice %arg2[%add3A_39] : memref<81920xi32, #tpu.memory_space<hbm>> -> memref<256xi32, #tpu.memory_space<hbm>>
      %dma_wait3A_222 = tpu.memref_slice %arg2[%add3A_39] : memref<81920xi32, #tpu.memory_space<hbm>> -> memref<256xi32, #tpu.memory_space<hbm>>
      tpu.wait_dma2 semaphore(%run_scoped3A : memref<!tpu.dma_semaphore, #tpu.memory_space<semaphore_mem>>) src(%dma_wait3A_222 : memref<256xi32, #tpu.memory_space<hbm>>) dst(%arg10 : memref<256xi32, #tpu.memory_space<vmem>>)
      tpu.yield
    }) : () -> ()
    %add3A_40 = arith.constant 65536 : i32
    %add3A_41 = arith.addi %add3A_40, %add3A_31 : i32
    "tpu.region"() ({
      %run_scoped3A = tpu.sem_alloc : memref<!tpu.dma_semaphore, #tpu.memory_space<semaphore_mem>>
      %dma_start3A_219 = tpu.memref_slice %arg2[%add3A_41] : memref<81920xi32, #tpu.memory_space<hbm>> -> memref<256xi32, #tpu.memory_space<hbm>>
      %dma_start3A_220 = tpu.memref_slice %arg2[%add3A_41] : memref<81920xi32, #tpu.memory_space<hbm>> -> memref<256xi32, #tpu.memory_space<hbm>>
      tpu.enqueue_dma source(%dma_start3A_220 : memref<256xi32, #tpu.memory_space<hbm>>) target(%arg11 : memref<256xi32, #tpu.memory_space<vmem>>) target_semaphore(%run_scoped3A : memref<!tpu.dma_semaphore, #tpu.memory_space<semaphore_mem>>)
      %dma_wait3A_221 = tpu.memref_slice %arg2[%add3A_41] : memref<81920xi32, #tpu.memory_space<hbm>> -> memref<256xi32, #tpu.memory_space<hbm>>
      %dma_wait3A_222 = tpu.memref_slice %arg2[%add3A_41] : memref<81920xi32, #tpu.memory_space<hbm>> -> memref<256xi32, #tpu.memory_space<hbm>>
      tpu.wait_dma2 semaphore(%run_scoped3A : memref<!tpu.dma_semaphore, #tpu.memory_space<semaphore_mem>>) src(%dma_wait3A_222 : memref<256xi32, #tpu.memory_space<hbm>>) dst(%arg11 : memref<256xi32, #tpu.memory_space<vmem>>)
      tpu.yield
    }) : () -> ()
    %dma_start3A = arith.constant 0 : i32
    %dma_start3A_42 = arith.constant 0 : i32
    %dma_start3A_43 = arith.constant 0 : i32
    %dma_start3A_44 = tpu.memref_slice %arg12[%dma_start3A, %dma_start3A_42, %dma_start3A_43] : memref<5x256x64xf32, #tpu.memory_space<vmem>> -> memref<1x256x64xf32, #tpu.memory_space<vmem>>
    %dma_start3A_45 = tpu.memref_squeeze %dma_start3A_44 : memref<1x256x64xf32, #tpu.memory_space<vmem>> -> memref<256x64xf32, #tpu.memory_space<vmem>>
    %dma_start3A_46 = arith.constant 0 : i32
    %dma_start3A_47 = arith.constant 0 : i32
    %dma_start3A_48 = tpu.memref_slice %arg3[%dma_start3A_46, %dma_start3A_47] : memref<6000x64xf32, #tpu.memory_space<hbm>> -> memref<6000x64xf32, #tpu.memory_space<hbm>>
    tpu.enqueue_indirect_dma source(%dma_start3A_48 : memref<6000x64xf32, #tpu.memory_space<hbm>>) target(%dma_start3A_45 : memref<256x64xf32, #tpu.memory_space<vmem>>) offsets(%arg7 : memref<256xi32, #tpu.memory_space<vmem>>) semaphore(%arg16 : memref<!tpu.dma_semaphore, #tpu.memory_space<semaphore_mem>>)
    %dma_start3A_49 = arith.constant 1 : i32
    %dma_start3A_50 = arith.constant 0 : i32
    %dma_start3A_51 = arith.constant 0 : i32
    %dma_start3A_52 = tpu.memref_slice %arg12[%dma_start3A_49, %dma_start3A_50, %dma_start3A_51] : memref<5x256x64xf32, #tpu.memory_space<vmem>> -> memref<1x256x64xf32, #tpu.memory_space<vmem>>
    %dma_start3A_53 = tpu.memref_squeeze %dma_start3A_52 : memref<1x256x64xf32, #tpu.memory_space<vmem>> -> memref<256x64xf32, #tpu.memory_space<vmem>>
    %dma_start3A_54 = arith.constant 0 : i32
    %dma_start3A_55 = arith.constant 0 : i32
    %dma_start3A_56 = tpu.memref_slice %arg3[%dma_start3A_54, %dma_start3A_55] : memref<6000x64xf32, #tpu.memory_space<hbm>> -> memref<6000x64xf32, #tpu.memory_space<hbm>>
    tpu.enqueue_indirect_dma source(%dma_start3A_56 : memref<6000x64xf32, #tpu.memory_space<hbm>>) target(%dma_start3A_53 : memref<256x64xf32, #tpu.memory_space<vmem>>) offsets(%arg8 : memref<256xi32, #tpu.memory_space<vmem>>) semaphore(%arg16 : memref<!tpu.dma_semaphore, #tpu.memory_space<semaphore_mem>>)
    %dma_start3A_57 = arith.constant 2 : i32
    %dma_start3A_58 = arith.constant 0 : i32
    %dma_start3A_59 = arith.constant 0 : i32
    %dma_start3A_60 = tpu.memref_slice %arg12[%dma_start3A_57, %dma_start3A_58, %dma_start3A_59] : memref<5x256x64xf32, #tpu.memory_space<vmem>> -> memref<1x256x64xf32, #tpu.memory_space<vmem>>
    %dma_start3A_61 = tpu.memref_squeeze %dma_start3A_60 : memref<1x256x64xf32, #tpu.memory_space<vmem>> -> memref<256x64xf32, #tpu.memory_space<vmem>>
    %dma_start3A_62 = arith.constant 0 : i32
    %dma_start3A_63 = arith.constant 0 : i32
    %dma_start3A_64 = tpu.memref_slice %arg3[%dma_start3A_62, %dma_start3A_63] : memref<6000x64xf32, #tpu.memory_space<hbm>> -> memref<6000x64xf32, #tpu.memory_space<hbm>>
    tpu.enqueue_indirect_dma source(%dma_start3A_64 : memref<6000x64xf32, #tpu.memory_space<hbm>>) target(%dma_start3A_61 : memref<256x64xf32, #tpu.memory_space<vmem>>) offsets(%arg9 : memref<256xi32, #tpu.memory_space<vmem>>) semaphore(%arg16 : memref<!tpu.dma_semaphore, #tpu.memory_space<semaphore_mem>>)
    %dma_start3A_65 = arith.constant 3 : i32
    %dma_start3A_66 = arith.constant 0 : i32
    %dma_start3A_67 = arith.constant 0 : i32
    %dma_start3A_68 = tpu.memref_slice %arg12[%dma_start3A_65, %dma_start3A_66, %dma_start3A_67] : memref<5x256x64xf32, #tpu.memory_space<vmem>> -> memref<1x256x64xf32, #tpu.memory_space<vmem>>
    %dma_start3A_69 = tpu.memref_squeeze %dma_start3A_68 : memref<1x256x64xf32, #tpu.memory_space<vmem>> -> memref<256x64xf32, #tpu.memory_space<vmem>>
    %dma_start3A_70 = arith.constant 0 : i32
    %dma_start3A_71 = arith.constant 0 : i32
    %dma_start3A_72 = tpu.memref_slice %arg3[%dma_start3A_70, %dma_start3A_71] : memref<6000x64xf32, #tpu.memory_space<hbm>> -> memref<6000x64xf32, #tpu.memory_space<hbm>>
    tpu.enqueue_indirect_dma source(%dma_start3A_72 : memref<6000x64xf32, #tpu.memory_space<hbm>>) target(%dma_start3A_69 : memref<256x64xf32, #tpu.memory_space<vmem>>) offsets(%arg10 : memref<256xi32, #tpu.memory_space<vmem>>) semaphore(%arg16 : memref<!tpu.dma_semaphore, #tpu.memory_space<semaphore_mem>>)
    %dma_start3A_73 = arith.constant 4 : i32
    %dma_start3A_74 = arith.constant 0 : i32
    %dma_start3A_75 = arith.constant 0 : i32
    %dma_start3A_76 = tpu.memref_slice %arg12[%dma_start3A_73, %dma_start3A_74, %dma_start3A_75] : memref<5x256x64xf32, #tpu.memory_space<vmem>> -> memref<1x256x64xf32, #tpu.memory_space<vmem>>
    %dma_start3A_77 = tpu.memref_squeeze %dma_start3A_76 : memref<1x256x64xf32, #tpu.memory_space<vmem>> -> memref<256x64xf32, #tpu.memory_space<vmem>>
    %dma_start3A_78 = arith.constant 0 : i32
    %dma_start3A_79 = arith.constant 0 : i32
    %dma_start3A_80 = tpu.memref_slice %arg3[%dma_start3A_78, %dma_start3A_79] : memref<6000x64xf32, #tpu.memory_space<hbm>> -> memref<6000x64xf32, #tpu.memory_space<hbm>>
    tpu.enqueue_indirect_dma source(%dma_start3A_80 : memref<6000x64xf32, #tpu.memory_space<hbm>>) target(%dma_start3A_77 : memref<256x64xf32, #tpu.memory_space<vmem>>) offsets(%arg11 : memref<256xi32, #tpu.memory_space<vmem>>) semaphore(%arg16 : memref<!tpu.dma_semaphore, #tpu.memory_space<semaphore_mem>>)
    %dma_wait3A = arith.constant 0 : i32
    %dma_wait3A_81 = arith.constant 0 : i32
    %dma_wait3A_82 = arith.constant 0 : i32
    %dma_wait3A_83 = tpu.memref_slice %arg12[%dma_wait3A, %dma_wait3A_81, %dma_wait3A_82] : memref<5x256x64xf32, #tpu.memory_space<vmem>> -> memref<1x256x64xf32, #tpu.memory_space<vmem>>
    %dma_wait3A_84 = tpu.memref_squeeze %dma_wait3A_83 : memref<1x256x64xf32, #tpu.memory_space<vmem>> -> memref<256x64xf32, #tpu.memory_space<vmem>>
    %dma_wait3A_85 = arith.constant 0 : i32
    %dma_wait3A_86 = arith.constant 0 : i32
    %dma_wait3A_87 = tpu.memref_slice %arg3[%dma_wait3A_85, %dma_wait3A_86] : memref<6000x64xf32, #tpu.memory_space<hbm>> -> memref<6000x64xf32, #tpu.memory_space<hbm>>
    tpu.wait_indirect_dma semaphore(%arg16 : memref<!tpu.dma_semaphore, #tpu.memory_space<semaphore_mem>>) src(%dma_wait3A_87 : memref<6000x64xf32, #tpu.memory_space<hbm>>) dst(%dma_wait3A_84 : memref<256x64xf32, #tpu.memory_space<vmem>>)
    %dma_wait3A_88 = arith.constant 1 : i32
    %dma_wait3A_89 = arith.constant 0 : i32
    %dma_wait3A_90 = arith.constant 0 : i32
    %dma_wait3A_91 = tpu.memref_slice %arg12[%dma_wait3A_88, %dma_wait3A_89, %dma_wait3A_90] : memref<5x256x64xf32, #tpu.memory_space<vmem>> -> memref<1x256x64xf32, #tpu.memory_space<vmem>>
    %dma_wait3A_92 = tpu.memref_squeeze %dma_wait3A_91 : memref<1x256x64xf32, #tpu.memory_space<vmem>> -> memref<256x64xf32, #tpu.memory_space<vmem>>
    %dma_wait3A_93 = arith.constant 0 : i32
    %dma_wait3A_94 = arith.constant 0 : i32
    %dma_wait3A_95 = tpu.memref_slice %arg3[%dma_wait3A_93, %dma_wait3A_94] : memref<6000x64xf32, #tpu.memory_space<hbm>> -> memref<6000x64xf32, #tpu.memory_space<hbm>>
    tpu.wait_indirect_dma semaphore(%arg16 : memref<!tpu.dma_semaphore, #tpu.memory_space<semaphore_mem>>) src(%dma_wait3A_95 : memref<6000x64xf32, #tpu.memory_space<hbm>>) dst(%dma_wait3A_92 : memref<256x64xf32, #tpu.memory_space<vmem>>)
    %dma_wait3A_96 = arith.constant 2 : i32
    %dma_wait3A_97 = arith.constant 0 : i32
    %dma_wait3A_98 = arith.constant 0 : i32
    %dma_wait3A_99 = tpu.memref_slice %arg12[%dma_wait3A_96, %dma_wait3A_97, %dma_wait3A_98] : memref<5x256x64xf32, #tpu.memory_space<vmem>> -> memref<1x256x64xf32, #tpu.memory_space<vmem>>
    %dma_wait3A_100 = tpu.memref_squeeze %dma_wait3A_99 : memref<1x256x64xf32, #tpu.memory_space<vmem>> -> memref<256x64xf32, #tpu.memory_space<vmem>>
    %dma_wait3A_101 = arith.constant 0 : i32
    %dma_wait3A_102 = arith.constant 0 : i32
    %dma_wait3A_103 = tpu.memref_slice %arg3[%dma_wait3A_101, %dma_wait3A_102] : memref<6000x64xf32, #tpu.memory_space<hbm>> -> memref<6000x64xf32, #tpu.memory_space<hbm>>
    tpu.wait_indirect_dma semaphore(%arg16 : memref<!tpu.dma_semaphore, #tpu.memory_space<semaphore_mem>>) src(%dma_wait3A_103 : memref<6000x64xf32, #tpu.memory_space<hbm>>) dst(%dma_wait3A_100 : memref<256x64xf32, #tpu.memory_space<vmem>>)
    %dma_wait3A_104 = arith.constant 3 : i32
    %dma_wait3A_105 = arith.constant 0 : i32
    %dma_wait3A_106 = arith.constant 0 : i32
    %dma_wait3A_107 = tpu.memref_slice %arg12[%dma_wait3A_104, %dma_wait3A_105, %dma_wait3A_106] : memref<5x256x64xf32, #tpu.memory_space<vmem>> -> memref<1x256x64xf32, #tpu.memory_space<vmem>>
    %dma_wait3A_108 = tpu.memref_squeeze %dma_wait3A_107 : memref<1x256x64xf32, #tpu.memory_space<vmem>> -> memref<256x64xf32, #tpu.memory_space<vmem>>
    %dma_wait3A_109 = arith.constant 0 : i32
    %dma_wait3A_110 = arith.constant 0 : i32
    %dma_wait3A_111 = tpu.memref_slice %arg3[%dma_wait3A_109, %dma_wait3A_110] : memref<6000x64xf32, #tpu.memory_space<hbm>> -> memref<6000x64xf32, #tpu.memory_space<hbm>>
    tpu.wait_indirect_dma semaphore(%arg16 : memref<!tpu.dma_semaphore, #tpu.memory_space<semaphore_mem>>) src(%dma_wait3A_111 : memref<6000x64xf32, #tpu.memory_space<hbm>>) dst(%dma_wait3A_108 : memref<256x64xf32, #tpu.memory_space<vmem>>)
    %dma_wait3A_112 = arith.constant 4 : i32
    %dma_wait3A_113 = arith.constant 0 : i32
    %dma_wait3A_114 = arith.constant 0 : i32
    %dma_wait3A_115 = tpu.memref_slice %arg12[%dma_wait3A_112, %dma_wait3A_113, %dma_wait3A_114] : memref<5x256x64xf32, #tpu.memory_space<vmem>> -> memref<1x256x64xf32, #tpu.memory_space<vmem>>
    %dma_wait3A_116 = tpu.memref_squeeze %dma_wait3A_115 : memref<1x256x64xf32, #tpu.memory_space<vmem>> -> memref<256x64xf32, #tpu.memory_space<vmem>>
    %dma_wait3A_117 = arith.constant 0 : i32
    %dma_wait3A_118 = arith.constant 0 : i32
    %dma_wait3A_119 = tpu.memref_slice %arg3[%dma_wait3A_117, %dma_wait3A_118] : memref<6000x64xf32, #tpu.memory_space<hbm>> -> memref<6000x64xf32, #tpu.memory_space<hbm>>
    tpu.wait_indirect_dma semaphore(%arg16 : memref<!tpu.dma_semaphore, #tpu.memory_space<semaphore_mem>>) src(%dma_wait3A_119 : memref<6000x64xf32, #tpu.memory_space<hbm>>) dst(%dma_wait3A_116 : memref<256x64xf32, #tpu.memory_space<vmem>>)
    %parallel_loop3A = arith.constant 0 : i32
    %parallel_loop3A_120 = arith.constant 256 : i32
    %parallel_loop3A_121 = arith.constant 1 : i32
    scf.for %parallel_loop3A_219 = %parallel_loop3A to %parallel_loop3A_120 step %parallel_loop3A_121  : i32 {
      %parallel_loop3A_220 = arith.constant 0 : i32
      %parallel_loop3A_221 = arith.index_cast %parallel_loop3A_220 : i32 to index
      %parallel_loop3A_222 = arith.index_cast %parallel_loop3A_219 : i32 to index
      %parallel_loop3A_223 = arith.constant 0 : index
      %parallel_loop3A_224 = tpu.vector_load %arg12[%parallel_loop3A_221, %parallel_loop3A_222, %parallel_loop3A_223] {strides = array<i32>} : memref<5x256x64xf32, #tpu.memory_space<vmem>>, vector<16xf32>,
      %parallel_loop3A_225 = arith.constant 1 : i32
      %parallel_loop3A_226 = arith.index_cast %parallel_loop3A_225 : i32 to index
      %parallel_loop3A_227 = arith.index_cast %parallel_loop3A_219 : i32 to index
      %parallel_loop3A_228 = arith.constant 0 : index
      %parallel_loop3A_229 = tpu.vector_load %arg12[%parallel_loop3A_226, %parallel_loop3A_227, %parallel_loop3A_228] {strides = array<i32>} : memref<5x256x64xf32, #tpu.memory_space<vmem>>, vector<16xf32>,
      %parallel_loop3A_230 = arith.addf %parallel_loop3A_224, %parallel_loop3A_229 : vector<16xf32>
      %parallel_loop3A_231 = arith.constant 2 : i32
      %parallel_loop3A_232 = arith.index_cast %parallel_loop3A_231 : i32 to index
      %parallel_loop3A_233 = arith.index_cast %parallel_loop3A_219 : i32 to index
      %parallel_loop3A_234 = arith.constant 0 : index
      %parallel_loop3A_235 = tpu.vector_load %arg12[%parallel_loop3A_232, %parallel_loop3A_233, %parallel_loop3A_234] {strides = array<i32>} : memref<5x256x64xf32, #tpu.memory_space<vmem>>, vector<16xf32>,
      %parallel_loop3A_236 = arith.addf %parallel_loop3A_230, %parallel_loop3A_235 : vector<16xf32>
      %parallel_loop3A_237 = arith.constant 3 : i32
      %parallel_loop3A_238 = arith.index_cast %parallel_loop3A_237 : i32 to index
      %parallel_loop3A_239 = arith.index_cast %parallel_loop3A_219 : i32 to index
      %parallel_loop3A_240 = arith.constant 0 : index
      %parallel_loop3A_241 = tpu.vector_load %arg12[%parallel_loop3A_238, %parallel_loop3A_239, %parallel_loop3A_240] {strides = array<i32>} : memref<5x256x64xf32, #tpu.memory_space<vmem>>, vector<16xf32>,
      %parallel_loop3A_242 = arith.addf %parallel_loop3A_236, %parallel_loop3A_241 : vector<16xf32>
      %parallel_loop3A_243 = arith.constant 4 : i32
      %parallel_loop3A_244 = arith.index_cast %parallel_loop3A_243 : i32 to index
      %parallel_loop3A_245 = arith.index_cast %parallel_loop3A_219 : i32 to index
      %parallel_loop3A_246 = arith.constant 0 : index
      %parallel_loop3A_247 = tpu.vector_load %arg12[%parallel_loop3A_244, %parallel_loop3A_245, %parallel_loop3A_246] {strides = array<i32>} : memref<5x256x64xf32, #tpu.memory_space<vmem>>, vector<16xf32>,
      %parallel_loop3A_248 = arith.addf %parallel_loop3A_242, %parallel_loop3A_247 : vector<16xf32>
      %parallel_loop3A_249 = arith.constant 0 : i32
      %parallel_loop3A_250 = arith.index_cast %parallel_loop3A_249 : i32 to index
      %parallel_loop3A_251 = arith.index_cast %parallel_loop3A_219 : i32 to index
      %parallel_loop3A_252 = arith.constant 16 : index
      %parallel_loop3A_253 = tpu.vector_load %arg12[%parallel_loop3A_250, %parallel_loop3A_251, %parallel_loop3A_252] {strides = array<i32>} : memref<5x256x64xf32, #tpu.memory_space<vmem>>, vector<16xf32>,
      %parallel_loop3A_254 = arith.constant 1 : i32
      %parallel_loop3A_255 = arith.index_cast %parallel_loop3A_254 : i32 to index
      %parallel_loop3A_256 = arith.index_cast %parallel_loop3A_219 : i32 to index
      %parallel_loop3A_257 = arith.constant 16 : index
      %parallel_loop3A_258 = tpu.vector_load %arg12[%parallel_loop3A_255, %parallel_loop3A_256, %parallel_loop3A_257] {strides = array<i32>} : memref<5x256x64xf32, #tpu.memory_space<vmem>>, vector<16xf32>,
      %parallel_loop3A_259 = arith.addf %parallel_loop3A_253, %parallel_loop3A_258 : vector<16xf32>
      %parallel_loop3A_260 = arith.constant 2 : i32
      %parallel_loop3A_261 = arith.index_cast %parallel_loop3A_260 : i32 to index
      %parallel_loop3A_262 = arith.index_cast %parallel_loop3A_219 : i32 to index
      %parallel_loop3A_263 = arith.constant 16 : index
      %parallel_loop3A_264 = tpu.vector_load %arg12[%parallel_loop3A_261, %parallel_loop3A_262, %parallel_loop3A_263] {strides = array<i32>} : memref<5x256x64xf32, #tpu.memory_space<vmem>>, vector<16xf32>,
      %parallel_loop3A_265 = arith.addf %parallel_loop3A_259, %parallel_loop3A_264 : vector<16xf32>
      %parallel_loop3A_266 = arith.constant 3 : i32
      %parallel_loop3A_267 = arith.index_cast %parallel_loop3A_266 : i32 to index
      %parallel_loop3A_268 = arith.index_cast %parallel_loop3A_219 : i32 to index
      %parallel_loop3A_269 = arith.constant 16 : index
      %parallel_loop3A_270 = tpu.vector_load %arg12[%parallel_loop3A_267, %parallel_loop3A_268, %parallel_loop3A_269] {strides = array<i32>} : memref<5x256x64xf32, #tpu.memory_space<vmem>>, vector<16xf32>,
      %parallel_loop3A_271 = arith.addf %parallel_loop3A_265, %parallel_loop3A_270 : vector<16xf32>
      %parallel_loop3A_272 = arith.constant 4 : i32
      %parallel_loop3A_273 = arith.index_cast %parallel_loop3A_272 : i32 to index
      %parallel_loop3A_274 = arith.index_cast %parallel_loop3A_219 : i32 to index
      %parallel_loop3A_275 = arith.constant 16 : index
      %parallel_loop3A_276 = tpu.vector_load %arg12[%parallel_loop3A_273, %parallel_loop3A_274, %parallel_loop3A_275] {strides = array<i32>} : memref<5x256x64xf32, #tpu.memory_space<vmem>>, vector<16xf32>,
      %parallel_loop3A_277 = arith.addf %parallel_loop3A_271, %parallel_loop3A_276 : vector<16xf32>
      %parallel_loop3A_278 = arith.constant 0 : i32
      %parallel_loop3A_279 = arith.index_cast %parallel_loop3A_278 : i32 to index
      %parallel_loop3A_280 = arith.index_cast %parallel_loop3A_219 : i32 to index
      %parallel_loop3A_281 = arith.constant 32 : index
      %parallel_loop3A_282 = tpu.vector_load %arg12[%parallel_loop3A_279, %parallel_loop3A_280, %parallel_loop3A_281] {strides = array<i32>} : memref<5x256x64xf32, #tpu.memory_space<vmem>>, vector<16xf32>,
      %parallel_loop3A_283 = arith.constant 1 : i32
      %parallel_loop3A_284 = arith.index_cast %parallel_loop3A_283 : i32 to index
      %parallel_loop3A_285 = arith.index_cast %parallel_loop3A_219 : i32 to index
      %parallel_loop3A_286 = arith.constant 32 : index
      %parallel_loop3A_287 = tpu.vector_load %arg12[%parallel_loop3A_284, %parallel_loop3A_285, %parallel_loop3A_286] {strides = array<i32>} : memref<5x256x64xf32, #tpu.memory_space<vmem>>, vector<16xf32>,
      %parallel_loop3A_288 = arith.addf %parallel_loop3A_282, %parallel_loop3A_287 : vector<16xf32>
      %parallel_loop3A_289 = arith.constant 2 : i32
      %parallel_loop3A_290 = arith.index_cast %parallel_loop3A_289 : i32 to index
      %parallel_loop3A_291 = arith.index_cast %parallel_loop3A_219 : i32 to index
      %parallel_loop3A_292 = arith.constant 32 : index
      %parallel_loop3A_293 = tpu.vector_load %arg12[%parallel_loop3A_290, %parallel_loop3A_291, %parallel_loop3A_292] {strides = array<i32>} : memref<5x256x64xf32, #tpu.memory_space<vmem>>, vector<16xf32>,
      %parallel_loop3A_294 = arith.addf %parallel_loop3A_288, %parallel_loop3A_293 : vector<16xf32>
      %parallel_loop3A_295 = arith.constant 3 : i32
      %parallel_loop3A_296 = arith.index_cast %parallel_loop3A_295 : i32 to index
      %parallel_loop3A_297 = arith.index_cast %parallel_loop3A_219 : i32 to index
      %parallel_loop3A_298 = arith.constant 32 : index
      %parallel_loop3A_299 = tpu.vector_load %arg12[%parallel_loop3A_296, %parallel_loop3A_297, %parallel_loop3A_298] {strides = array<i32>} : memref<5x256x64xf32, #tpu.memory_space<vmem>>, vector<16xf32>,
      %parallel_loop3A_300 = arith.addf %parallel_loop3A_294, %parallel_loop3A_299 : vector<16xf32>
      %parallel_loop3A_301 = arith.constant 4 : i32
      %parallel_loop3A_302 = arith.index_cast %parallel_loop3A_301 : i32 to index
      %parallel_loop3A_303 = arith.index_cast %parallel_loop3A_219 : i32 to index
      %parallel_loop3A_304 = arith.constant 32 : index
      %parallel_loop3A_305 = tpu.vector_load %arg12[%parallel_loop3A_302, %parallel_loop3A_303, %parallel_loop3A_304] {strides = array<i32>} : memref<5x256x64xf32, #tpu.memory_space<vmem>>, vector<16xf32>,
      %parallel_loop3A_306 = arith.addf %parallel_loop3A_300, %parallel_loop3A_305 : vector<16xf32>
      %parallel_loop3A_307 = arith.constant 0 : i32
      %parallel_loop3A_308 = arith.index_cast %parallel_loop3A_307 : i32 to index
      %parallel_loop3A_309 = arith.index_cast %parallel_loop3A_219 : i32 to index
      %parallel_loop3A_310 = arith.constant 48 : index
      %parallel_loop3A_311 = tpu.vector_load %arg12[%parallel_loop3A_308, %parallel_loop3A_309, %parallel_loop3A_310] {strides = array<i32>} : memref<5x256x64xf32, #tpu.memory_space<vmem>>, vector<16xf32>,
      %parallel_loop3A_312 = arith.constant 1 : i32
      %parallel_loop3A_313 = arith.index_cast %parallel_loop3A_312 : i32 to index
      %parallel_loop3A_314 = arith.index_cast %parallel_loop3A_219 : i32 to index
      %parallel_loop3A_315 = arith.constant 48 : index
      %parallel_loop3A_316 = tpu.vector_load %arg12[%parallel_loop3A_313, %parallel_loop3A_314, %parallel_loop3A_315] {strides = array<i32>} : memref<5x256x64xf32, #tpu.memory_space<vmem>>, vector<16xf32>,
      %parallel_loop3A_317 = arith.addf %parallel_loop3A_311, %parallel_loop3A_316 : vector<16xf32>
      %parallel_loop3A_318 = arith.constant 2 : i32
      %parallel_loop3A_319 = arith.index_cast %parallel_loop3A_318 : i32 to index
      %parallel_loop3A_320 = arith.index_cast %parallel_loop3A_219 : i32 to index
      %parallel_loop3A_321 = arith.constant 48 : index
      %parallel_loop3A_322 = tpu.vector_load %arg12[%parallel_loop3A_319, %parallel_loop3A_320, %parallel_loop3A_321] {strides = array<i32>} : memref<5x256x64xf32, #tpu.memory_space<vmem>>, vector<16xf32>,
      %parallel_loop3A_323 = arith.addf %parallel_loop3A_317, %parallel_loop3A_322 : vector<16xf32>
      %parallel_loop3A_324 = arith.constant 3 : i32
      %parallel_loop3A_325 = arith.index_cast %parallel_loop3A_324 : i32 to index
      %parallel_loop3A_326 = arith.index_cast %parallel_loop3A_219 : i32 to index
      %parallel_loop3A_327 = arith.constant 48 : index
      %parallel_loop3A_328 = tpu.vector_load %arg12[%parallel_loop3A_325, %parallel_loop3A_326, %parallel_loop3A_327] {strides = array<i32>} : memref<5x256x64xf32, #tpu.memory_space<vmem>>, vector<16xf32>,
      %parallel_loop3A_329 = arith.addf %parallel_loop3A_323, %parallel_loop3A_328 : vector<16xf32>
      %parallel_loop3A_330 = arith.constant 4 : i32
      %parallel_loop3A_331 = arith.index_cast %parallel_loop3A_330 : i32 to index
      %parallel_loop3A_332 = arith.index_cast %parallel_loop3A_219 : i32 to index
      %parallel_loop3A_333 = arith.constant 48 : index
      %parallel_loop3A_334 = tpu.vector_load %arg12[%parallel_loop3A_331, %parallel_loop3A_332, %parallel_loop3A_333] {strides = array<i32>} : memref<5x256x64xf32, #tpu.memory_space<vmem>>, vector<16xf32>,
      %parallel_loop3A_335 = arith.addf %parallel_loop3A_329, %parallel_loop3A_334 : vector<16xf32>
      %parallel_loop3A_336 = arith.addf %parallel_loop3A_248, %parallel_loop3A_277 : vector<16xf32>
      %parallel_loop3A_337 = arith.addf %parallel_loop3A_306, %parallel_loop3A_335 : vector<16xf32>
      %parallel_loop3A_338 = arith.addf %parallel_loop3A_336, %parallel_loop3A_337 : vector<16xf32>
      %parallel_loop3A_339 = arith.mulf %parallel_loop3A_248, %parallel_loop3A_248 : vector<16xf32>
      %parallel_loop3A_340 = arith.mulf %parallel_loop3A_277, %parallel_loop3A_277 : vector<16xf32>
      %parallel_loop3A_341 = arith.addf %parallel_loop3A_339, %parallel_loop3A_340 : vector<16xf32>
      %parallel_loop3A_342 = arith.mulf %parallel_loop3A_306, %parallel_loop3A_306 : vector<16xf32>
      %parallel_loop3A_343 = arith.mulf %parallel_loop3A_335, %parallel_loop3A_335 : vector<16xf32>
      %parallel_loop3A_344 = arith.addf %parallel_loop3A_342, %parallel_loop3A_343 : vector<16xf32>
      %parallel_loop3A_345 = arith.addf %parallel_loop3A_341, %parallel_loop3A_344 : vector<16xf32>
      %parallel_loop3A_346 = arith.constant true
      %parallel_loop3A_347 = vector.broadcast %parallel_loop3A_346 : i1 to vector<16xi1>
      %parallel_loop3A_348 = tpu.scan <sum>, %parallel_loop3A_338 masked %parallel_loop3A_347 : vector<16xf32>, vector<16xi1> -> vector<16xf32>
      %parallel_loop3A_349 = vector.extract %parallel_loop3A_348[15] : f32 from vector<16xf32>
      %parallel_loop3A_350 = arith.constant 1.562500e-02 : f32
      %parallel_loop3A_351 = arith.mulf %parallel_loop3A_349, %parallel_loop3A_350 : f32
      %parallel_loop3A_352 = arith.constant true
      %parallel_loop3A_353 = vector.broadcast %parallel_loop3A_352 : i1 to vector<16xi1>
      %parallel_loop3A_354 = tpu.scan <sum>, %parallel_loop3A_345 masked %parallel_loop3A_353 : vector<16xf32>, vector<16xi1> -> vector<16xf32>
      %parallel_loop3A_355 = vector.extract %parallel_loop3A_354[15] : f32 from vector<16xf32>
      %parallel_loop3A_356 = arith.constant 1.562500e-02 : f32
      %parallel_loop3A_357 = arith.mulf %parallel_loop3A_355, %parallel_loop3A_356 : f32
      %parallel_loop3A_358 = arith.mulf %parallel_loop3A_351, %parallel_loop3A_351 : f32
      %parallel_loop3A_359 = arith.subf %parallel_loop3A_357, %parallel_loop3A_358 : f32
      %parallel_loop3A_360 = arith.constant 9.99999974E-6 : f32
      %parallel_loop3A_361 = arith.addf %parallel_loop3A_359, %parallel_loop3A_360 : f32
      %parallel_loop3A_362 = arith.bitcast %parallel_loop3A_361 : f32 to i32
      %parallel_loop3A_363 = arith.constant 1 : i32
      %parallel_loop3A_364 = arith.shrsi %parallel_loop3A_362, %parallel_loop3A_363 : i32
      %parallel_loop3A_365 = arith.constant 1597463007 : i32
      %parallel_loop3A_366 = arith.subi %parallel_loop3A_365, %parallel_loop3A_364 : i32
      %parallel_loop3A_367 = arith.bitcast %parallel_loop3A_366 : i32 to f32
      %parallel_loop3A_368 = arith.constant 5.000000e-01 : f32
      %parallel_loop3A_369 = arith.mulf %parallel_loop3A_368, %parallel_loop3A_361 : f32
      %parallel_loop3A_370 = arith.mulf %parallel_loop3A_369, %parallel_loop3A_367 : f32
      %parallel_loop3A_371 = arith.mulf %parallel_loop3A_370, %parallel_loop3A_367 : f32
      %parallel_loop3A_372 = arith.constant 1.500000e+00 : f32
      %parallel_loop3A_373 = arith.subf %parallel_loop3A_372, %parallel_loop3A_371 : f32
      %parallel_loop3A_374 = arith.mulf %parallel_loop3A_367, %parallel_loop3A_373 : f32
      %parallel_loop3A_375 = arith.constant 5.000000e-01 : f32
      %parallel_loop3A_376 = arith.mulf %parallel_loop3A_375, %parallel_loop3A_361 : f32
      %parallel_loop3A_377 = arith.mulf %parallel_loop3A_376, %parallel_loop3A_374 : f32
      %parallel_loop3A_378 = arith.mulf %parallel_loop3A_377, %parallel_loop3A_374 : f32
      %parallel_loop3A_379 = arith.constant 1.500000e+00 : f32
      %parallel_loop3A_380 = arith.subf %parallel_loop3A_379, %parallel_loop3A_378 : f32
      %parallel_loop3A_381 = arith.mulf %parallel_loop3A_374, %parallel_loop3A_380 : f32
      %parallel_loop3A_382 = arith.constant 5.000000e-01 : f32
      %parallel_loop3A_383 = arith.mulf %parallel_loop3A_382, %parallel_loop3A_361 : f32
      %parallel_loop3A_384 = arith.mulf %parallel_loop3A_383, %parallel_loop3A_381 : f32
      %parallel_loop3A_385 = arith.mulf %parallel_loop3A_384, %parallel_loop3A_381 : f32
      %parallel_loop3A_386 = arith.constant 1.500000e+00 : f32
      %parallel_loop3A_387 = arith.subf %parallel_loop3A_386, %parallel_loop3A_385 : f32
      %parallel_loop3A_388 = arith.mulf %parallel_loop3A_381, %parallel_loop3A_387 : f32
      %parallel_loop3A_389 = vector.broadcast %parallel_loop3A_351 : f32 to vector<16xf32>
      %parallel_loop3A_390 = vector.broadcast %parallel_loop3A_388 : f32 to vector<16xf32>
      %parallel_loop3A_391 = vector.broadcast %parallel_loop3A_219 : i32 to vector<16xi32>
      %parallel_loop3A_392 = arith.subf %parallel_loop3A_248, %parallel_loop3A_389 : vector<16xf32>
      %parallel_loop3A_393 = arith.mulf %parallel_loop3A_392, %parallel_loop3A_390 : vector<16xf32>
      %parallel_loop3A_394 = arith.mulf %parallel_loop3A_393, %get3A_1 : vector<16xf32>
      %parallel_loop3A_395 = arith.addf %parallel_loop3A_394, %get3A_9 : vector<16xf32>
      %parallel_loop3A_396 = arith.constant 0.000000e+00 : f32
      %parallel_loop3A_397 = vector.broadcast %parallel_loop3A_396 : f32 to vector<16xf32>
      %parallel_loop3A_398 = arith.maximumf %parallel_loop3A_395, %parallel_loop3A_397 : vector<16xf32>
      tpu.vector_store_idx %arg13[%add3A_18, %parallel_loop3A_391], %parallel_loop3A_398 : memref<64x256xf32, #tpu.memory_space<vmem>>[vector<16xi32>, vector<16xi32>], vector<16xf32>,
      %parallel_loop3A_399 = arith.subf %parallel_loop3A_277, %parallel_loop3A_389 : vector<16xf32>
      %parallel_loop3A_400 = arith.mulf %parallel_loop3A_399, %parallel_loop3A_390 : vector<16xf32>
      %parallel_loop3A_401 = arith.mulf %parallel_loop3A_400, %get3A_3 : vector<16xf32>
      %parallel_loop3A_402 = arith.addf %parallel_loop3A_401, %get3A_11 : vector<16xf32>
      %parallel_loop3A_403 = arith.constant 0.000000e+00 : f32
      %parallel_loop3A_404 = vector.broadcast %parallel_loop3A_403 : f32 to vector<16xf32>
      %parallel_loop3A_405 = arith.maximumf %parallel_loop3A_402, %parallel_loop3A_404 : vector<16xf32>
      tpu.vector_store_idx %arg13[%add3A_21, %parallel_loop3A_391], %parallel_loop3A_405 : memref<64x256xf32, #tpu.memory_space<vmem>>[vector<16xi32>, vector<16xi32>], vector<16xf32>,
      %parallel_loop3A_406 = arith.subf %parallel_loop3A_306, %parallel_loop3A_389 : vector<16xf32>
      %parallel_loop3A_407 = arith.mulf %parallel_loop3A_406, %parallel_loop3A_390 : vector<16xf32>
      %parallel_loop3A_408 = arith.mulf %parallel_loop3A_407, %get3A_5 : vector<16xf32>
      %parallel_loop3A_409 = arith.addf %parallel_loop3A_408, %get3A_13 : vector<16xf32>
      %parallel_loop3A_410 = arith.constant 0.000000e+00 : f32
      %parallel_loop3A_411 = vector.broadcast %parallel_loop3A_410 : f32 to vector<16xf32>
      %parallel_loop3A_412 = arith.maximumf %parallel_loop3A_409, %parallel_loop3A_411 : vector<16xf32>
      tpu.vector_store_idx %arg13[%add3A_24, %parallel_loop3A_391], %parallel_loop3A_412 : memref<64x256xf32, #tpu.memory_space<vmem>>[vector<16xi32>, vector<16xi32>], vector<16xf32>,
      %parallel_loop3A_413 = arith.subf %parallel_loop3A_335, %parallel_loop3A_389 : vector<16xf32>
      %parallel_loop3A_414 = arith.mulf %parallel_loop3A_413, %parallel_loop3A_390 : vector<16xf32>
      %parallel_loop3A_415 = arith.mulf %parallel_loop3A_414, %get3A_7 : vector<16xf32>
      %parallel_loop3A_416 = arith.addf %parallel_loop3A_415, %get3A_15 : vector<16xf32>
      %parallel_loop3A_417 = arith.constant 0.000000e+00 : f32
      %parallel_loop3A_418 = vector.broadcast %parallel_loop3A_417 : f32 to vector<16xf32>
      %parallel_loop3A_419 = arith.maximumf %parallel_loop3A_416, %parallel_loop3A_418 : vector<16xf32>
      tpu.vector_store_idx %arg13[%add3A_27, %parallel_loop3A_391], %parallel_loop3A_419 : memref<64x256xf32, #tpu.memory_space<vmem>>[vector<16xi32>, vector<16xi32>], vector<16xf32>,
    } {sc.loop_unroll_factor = 4 : i64, sc.parallel_access}
    "tpu.region"() ({
      %run_scoped3A = tpu.sem_alloc : memref<!tpu.dma_semaphore, #tpu.memory_space<semaphore_mem>>
      %dma_start3A_219 = arith.constant 0 : i32
      %dma_start3A_220 = tpu.memref_slice %arg6[%dma_start3A_219, %add3A_31] : memref<64x16384xf32, #tpu.memory_space<hbm>> -> memref<64x256xf32, #tpu.memory_space<hbm>>
      %dma_start3A_221 = arith.constant 0 : i32
      %dma_start3A_222 = tpu.memref_slice %arg6[%dma_start3A_221, %add3A_31] : memref<64x16384xf32, #tpu.memory_space<hbm>> -> memref<64x256xf32, #tpu.memory_space<hbm>>
      tpu.enqueue_dma source(%arg13 : memref<64x256xf32, #tpu.memory_space<vmem>>) target(%dma_start3A_222 : memref<64x256xf32, #tpu.memory_space<hbm>>) target_semaphore(%run_scoped3A : memref<!tpu.dma_semaphore, #tpu.memory_space<semaphore_mem>>)
      %dma_wait3A_223 = arith.constant 0 : i32
      %dma_wait3A_224 = tpu.memref_slice %arg6[%dma_wait3A_223, %add3A_31] : memref<64x16384xf32, #tpu.memory_space<hbm>> -> memref<64x256xf32, #tpu.memory_space<hbm>>
      %dma_wait3A_225 = arith.constant 0 : i32
      %dma_wait3A_226 = tpu.memref_slice %arg6[%dma_wait3A_225, %add3A_31] : memref<64x16384xf32, #tpu.memory_space<hbm>> -> memref<64x256xf32, #tpu.memory_space<hbm>>
      tpu.wait_dma2 semaphore(%run_scoped3A : memref<!tpu.dma_semaphore, #tpu.memory_space<semaphore_mem>>) src(%arg13 : memref<64x256xf32, #tpu.memory_space<vmem>>) dst(%dma_wait3A_226 : memref<64x256xf32, #tpu.memory_space<hbm>>)
      tpu.yield
    }) : () -> ()
    %mul3A_122 = arith.constant 512 : i32
    %mul3A_123 = arith.muli %add3A, %mul3A_122 : i32
    %add3A_124 = arith.constant 256 : i32
    %add3A_125 = arith.addi %mul3A_123, %add3A_124 : i32
    %add3A_126 = arith.constant 0 : i32
    %add3A_127 = arith.addi %add3A_126, %add3A_125 : i32
    "tpu.region"() ({
      %run_scoped3A = tpu.sem_alloc : memref<!tpu.dma_semaphore, #tpu.memory_space<semaphore_mem>>
      %dma_start3A_219 = tpu.memref_slice %arg2[%add3A_127] : memref<81920xi32, #tpu.memory_space<hbm>> -> memref<256xi32, #tpu.memory_space<hbm>>
      %dma_start3A_220 = tpu.memref_slice %arg2[%add3A_127] : memref<81920xi32, #tpu.memory_space<hbm>> -> memref<256xi32, #tpu.memory_space<hbm>>
      tpu.enqueue_dma source(%dma_start3A_220 : memref<256xi32, #tpu.memory_space<hbm>>) target(%arg7 : memref<256xi32, #tpu.memory_space<vmem>>) target_semaphore(%run_scoped3A : memref<!tpu.dma_semaphore, #tpu.memory_space<semaphore_mem>>)
      %dma_wait3A_221 = tpu.memref_slice %arg2[%add3A_127] : memref<81920xi32, #tpu.memory_space<hbm>> -> memref<256xi32, #tpu.memory_space<hbm>>
      %dma_wait3A_222 = tpu.memref_slice %arg2[%add3A_127] : memref<81920xi32, #tpu.memory_space<hbm>> -> memref<256xi32, #tpu.memory_space<hbm>>
      tpu.wait_dma2 semaphore(%run_scoped3A : memref<!tpu.dma_semaphore, #tpu.memory_space<semaphore_mem>>) src(%dma_wait3A_222 : memref<256xi32, #tpu.memory_space<hbm>>) dst(%arg7 : memref<256xi32, #tpu.memory_space<vmem>>)
      tpu.yield
    }) : () -> ()
    %add3A_128 = arith.constant 16384 : i32
    %add3A_129 = arith.addi %add3A_128, %add3A_125 : i32
    "tpu.region"() ({
      %run_scoped3A = tpu.sem_alloc : memref<!tpu.dma_semaphore, #tpu.memory_space<semaphore_mem>>
      %dma_start3A_219 = tpu.memref_slice %arg2[%add3A_129] : memref<81920xi32, #tpu.memory_space<hbm>> -> memref<256xi32, #tpu.memory_space<hbm>>
      %dma_start3A_220 = tpu.memref_slice %arg2[%add3A_129] : memref<81920xi32, #tpu.memory_space<hbm>> -> memref<256xi32, #tpu.memory_space<hbm>>
      tpu.enqueue_dma source(%dma_start3A_220 : memref<256xi32, #tpu.memory_space<hbm>>) target(%arg8 : memref<256xi32, #tpu.memory_space<vmem>>) target_semaphore(%run_scoped3A : memref<!tpu.dma_semaphore, #tpu.memory_space<semaphore_mem>>)
      %dma_wait3A_221 = tpu.memref_slice %arg2[%add3A_129] : memref<81920xi32, #tpu.memory_space<hbm>> -> memref<256xi32, #tpu.memory_space<hbm>>
      %dma_wait3A_222 = tpu.memref_slice %arg2[%add3A_129] : memref<81920xi32, #tpu.memory_space<hbm>> -> memref<256xi32, #tpu.memory_space<hbm>>
      tpu.wait_dma2 semaphore(%run_scoped3A : memref<!tpu.dma_semaphore, #tpu.memory_space<semaphore_mem>>) src(%dma_wait3A_222 : memref<256xi32, #tpu.memory_space<hbm>>) dst(%arg8 : memref<256xi32, #tpu.memory_space<vmem>>)
      tpu.yield
    }) : () -> ()
    %add3A_130 = arith.constant 32768 : i32
    %add3A_131 = arith.addi %add3A_130, %add3A_125 : i32
    "tpu.region"() ({
      %run_scoped3A = tpu.sem_alloc : memref<!tpu.dma_semaphore, #tpu.memory_space<semaphore_mem>>
      %dma_start3A_219 = tpu.memref_slice %arg2[%add3A_131] : memref<81920xi32, #tpu.memory_space<hbm>> -> memref<256xi32, #tpu.memory_space<hbm>>
      %dma_start3A_220 = tpu.memref_slice %arg2[%add3A_131] : memref<81920xi32, #tpu.memory_space<hbm>> -> memref<256xi32, #tpu.memory_space<hbm>>
      tpu.enqueue_dma source(%dma_start3A_220 : memref<256xi32, #tpu.memory_space<hbm>>) target(%arg9 : memref<256xi32, #tpu.memory_space<vmem>>) target_semaphore(%run_scoped3A : memref<!tpu.dma_semaphore, #tpu.memory_space<semaphore_mem>>)
      %dma_wait3A_221 = tpu.memref_slice %arg2[%add3A_131] : memref<81920xi32, #tpu.memory_space<hbm>> -> memref<256xi32, #tpu.memory_space<hbm>>
      %dma_wait3A_222 = tpu.memref_slice %arg2[%add3A_131] : memref<81920xi32, #tpu.memory_space<hbm>> -> memref<256xi32, #tpu.memory_space<hbm>>
      tpu.wait_dma2 semaphore(%run_scoped3A : memref<!tpu.dma_semaphore, #tpu.memory_space<semaphore_mem>>) src(%dma_wait3A_222 : memref<256xi32, #tpu.memory_space<hbm>>) dst(%arg9 : memref<256xi32, #tpu.memory_space<vmem>>)
      tpu.yield
    }) : () -> ()
    %add3A_132 = arith.constant 49152 : i32
    %add3A_133 = arith.addi %add3A_132, %add3A_125 : i32
    "tpu.region"() ({
      %run_scoped3A = tpu.sem_alloc : memref<!tpu.dma_semaphore, #tpu.memory_space<semaphore_mem>>
      %dma_start3A_219 = tpu.memref_slice %arg2[%add3A_133] : memref<81920xi32, #tpu.memory_space<hbm>> -> memref<256xi32, #tpu.memory_space<hbm>>
      %dma_start3A_220 = tpu.memref_slice %arg2[%add3A_133] : memref<81920xi32, #tpu.memory_space<hbm>> -> memref<256xi32, #tpu.memory_space<hbm>>
      tpu.enqueue_dma source(%dma_start3A_220 : memref<256xi32, #tpu.memory_space<hbm>>) target(%arg10 : memref<256xi32, #tpu.memory_space<vmem>>) target_semaphore(%run_scoped3A : memref<!tpu.dma_semaphore, #tpu.memory_space<semaphore_mem>>)
      %dma_wait3A_221 = tpu.memref_slice %arg2[%add3A_133] : memref<81920xi32, #tpu.memory_space<hbm>> -> memref<256xi32, #tpu.memory_space<hbm>>
      %dma_wait3A_222 = tpu.memref_slice %arg2[%add3A_133] : memref<81920xi32, #tpu.memory_space<hbm>> -> memref<256xi32, #tpu.memory_space<hbm>>
      tpu.wait_dma2 semaphore(%run_scoped3A : memref<!tpu.dma_semaphore, #tpu.memory_space<semaphore_mem>>) src(%dma_wait3A_222 : memref<256xi32, #tpu.memory_space<hbm>>) dst(%arg10 : memref<256xi32, #tpu.memory_space<vmem>>)
      tpu.yield
    }) : () -> ()
    %add3A_134 = arith.constant 65536 : i32
    %add3A_135 = arith.addi %add3A_134, %add3A_125 : i32
    "tpu.region"() ({
      %run_scoped3A = tpu.sem_alloc : memref<!tpu.dma_semaphore, #tpu.memory_space<semaphore_mem>>
      %dma_start3A_219 = tpu.memref_slice %arg2[%add3A_135] : memref<81920xi32, #tpu.memory_space<hbm>> -> memref<256xi32, #tpu.memory_space<hbm>>
      %dma_start3A_220 = tpu.memref_slice %arg2[%add3A_135] : memref<81920xi32, #tpu.memory_space<hbm>> -> memref<256xi32, #tpu.memory_space<hbm>>
      tpu.enqueue_dma source(%dma_start3A_220 : memref<256xi32, #tpu.memory_space<hbm>>) target(%arg11 : memref<256xi32, #tpu.memory_space<vmem>>) target_semaphore(%run_scoped3A : memref<!tpu.dma_semaphore, #tpu.memory_space<semaphore_mem>>)
      %dma_wait3A_221 = tpu.memref_slice %arg2[%add3A_135] : memref<81920xi32, #tpu.memory_space<hbm>> -> memref<256xi32, #tpu.memory_space<hbm>>
      %dma_wait3A_222 = tpu.memref_slice %arg2[%add3A_135] : memref<81920xi32, #tpu.memory_space<hbm>> -> memref<256xi32, #tpu.memory_space<hbm>>
      tpu.wait_dma2 semaphore(%run_scoped3A : memref<!tpu.dma_semaphore, #tpu.memory_space<semaphore_mem>>) src(%dma_wait3A_222 : memref<256xi32, #tpu.memory_space<hbm>>) dst(%arg11 : memref<256xi32, #tpu.memory_space<vmem>>)
      tpu.yield
    }) : () -> ()
    %dma_start3A_136 = arith.constant 0 : i32
    %dma_start3A_137 = arith.constant 0 : i32
    %dma_start3A_138 = arith.constant 0 : i32
    %dma_start3A_139 = tpu.memref_slice %arg12[%dma_start3A_136, %dma_start3A_137, %dma_start3A_138] : memref<5x256x64xf32, #tpu.memory_space<vmem>> -> memref<1x256x64xf32, #tpu.memory_space<vmem>>
    %dma_start3A_140 = tpu.memref_squeeze %dma_start3A_139 : memref<1x256x64xf32, #tpu.memory_space<vmem>> -> memref<256x64xf32, #tpu.memory_space<vmem>>
    %dma_start3A_141 = arith.constant 0 : i32
    %dma_start3A_142 = arith.constant 0 : i32
    %dma_start3A_143 = tpu.memref_slice %arg3[%dma_start3A_141, %dma_start3A_142] : memref<6000x64xf32, #tpu.memory_space<hbm>> -> memref<6000x64xf32, #tpu.memory_space<hbm>>
    tpu.enqueue_indirect_dma source(%dma_start3A_143 : memref<6000x64xf32, #tpu.memory_space<hbm>>) target(%dma_start3A_140 : memref<256x64xf32, #tpu.memory_space<vmem>>) offsets(%arg7 : memref<256xi32, #tpu.memory_space<vmem>>) semaphore(%arg16 : memref<!tpu.dma_semaphore, #tpu.memory_space<semaphore_mem>>)
    %dma_start3A_144 = arith.constant 1 : i32
    %dma_start3A_145 = arith.constant 0 : i32
    %dma_start3A_146 = arith.constant 0 : i32
    %dma_start3A_147 = tpu.memref_slice %arg12[%dma_start3A_144, %dma_start3A_145, %dma_start3A_146] : memref<5x256x64xf32, #tpu.memory_space<vmem>> -> memref<1x256x64xf32, #tpu.memory_space<vmem>>
    %dma_start3A_148 = tpu.memref_squeeze %dma_start3A_147 : memref<1x256x64xf32, #tpu.memory_space<vmem>> -> memref<256x64xf32, #tpu.memory_space<vmem>>
    %dma_start3A_149 = arith.constant 0 : i32
    %dma_start3A_150 = arith.constant 0 : i32
    %dma_start3A_151 = tpu.memref_slice %arg3[%dma_start3A_149, %dma_start3A_150] : memref<6000x64xf32, #tpu.memory_space<hbm>> -> memref<6000x64xf32, #tpu.memory_space<hbm>>
    tpu.enqueue_indirect_dma source(%dma_start3A_151 : memref<6000x64xf32, #tpu.memory_space<hbm>>) target(%dma_start3A_148 : memref<256x64xf32, #tpu.memory_space<vmem>>) offsets(%arg8 : memref<256xi32, #tpu.memory_space<vmem>>) semaphore(%arg16 : memref<!tpu.dma_semaphore, #tpu.memory_space<semaphore_mem>>)
    %dma_start3A_152 = arith.constant 2 : i32
    %dma_start3A_153 = arith.constant 0 : i32
    %dma_start3A_154 = arith.constant 0 : i32
    %dma_start3A_155 = tpu.memref_slice %arg12[%dma_start3A_152, %dma_start3A_153, %dma_start3A_154] : memref<5x256x64xf32, #tpu.memory_space<vmem>> -> memref<1x256x64xf32, #tpu.memory_space<vmem>>
    %dma_start3A_156 = tpu.memref_squeeze %dma_start3A_155 : memref<1x256x64xf32, #tpu.memory_space<vmem>> -> memref<256x64xf32, #tpu.memory_space<vmem>>
    %dma_start3A_157 = arith.constant 0 : i32
    %dma_start3A_158 = arith.constant 0 : i32
    %dma_start3A_159 = tpu.memref_slice %arg3[%dma_start3A_157, %dma_start3A_158] : memref<6000x64xf32, #tpu.memory_space<hbm>> -> memref<6000x64xf32, #tpu.memory_space<hbm>>
    tpu.enqueue_indirect_dma source(%dma_start3A_159 : memref<6000x64xf32, #tpu.memory_space<hbm>>) target(%dma_start3A_156 : memref<256x64xf32, #tpu.memory_space<vmem>>) offsets(%arg9 : memref<256xi32, #tpu.memory_space<vmem>>) semaphore(%arg16 : memref<!tpu.dma_semaphore, #tpu.memory_space<semaphore_mem>>)
    %dma_start3A_160 = arith.constant 3 : i32
    %dma_start3A_161 = arith.constant 0 : i32
    %dma_start3A_162 = arith.constant 0 : i32
    %dma_start3A_163 = tpu.memref_slice %arg12[%dma_start3A_160, %dma_start3A_161, %dma_start3A_162] : memref<5x256x64xf32, #tpu.memory_space<vmem>> -> memref<1x256x64xf32, #tpu.memory_space<vmem>>
    %dma_start3A_164 = tpu.memref_squeeze %dma_start3A_163 : memref<1x256x64xf32, #tpu.memory_space<vmem>> -> memref<256x64xf32, #tpu.memory_space<vmem>>
    %dma_start3A_165 = arith.constant 0 : i32
    %dma_start3A_166 = arith.constant 0 : i32
    %dma_start3A_167 = tpu.memref_slice %arg3[%dma_start3A_165, %dma_start3A_166] : memref<6000x64xf32, #tpu.memory_space<hbm>> -> memref<6000x64xf32, #tpu.memory_space<hbm>>
    tpu.enqueue_indirect_dma source(%dma_start3A_167 : memref<6000x64xf32, #tpu.memory_space<hbm>>) target(%dma_start3A_164 : memref<256x64xf32, #tpu.memory_space<vmem>>) offsets(%arg10 : memref<256xi32, #tpu.memory_space<vmem>>) semaphore(%arg16 : memref<!tpu.dma_semaphore, #tpu.memory_space<semaphore_mem>>)
    %dma_start3A_168 = arith.constant 4 : i32
    %dma_start3A_169 = arith.constant 0 : i32
    %dma_start3A_170 = arith.constant 0 : i32
    %dma_start3A_171 = tpu.memref_slice %arg12[%dma_start3A_168, %dma_start3A_169, %dma_start3A_170] : memref<5x256x64xf32, #tpu.memory_space<vmem>> -> memref<1x256x64xf32, #tpu.memory_space<vmem>>
    %dma_start3A_172 = tpu.memref_squeeze %dma_start3A_171 : memref<1x256x64xf32, #tpu.memory_space<vmem>> -> memref<256x64xf32, #tpu.memory_space<vmem>>
    %dma_start3A_173 = arith.constant 0 : i32
    %dma_start3A_174 = arith.constant 0 : i32
    %dma_start3A_175 = tpu.memref_slice %arg3[%dma_start3A_173, %dma_start3A_174] : memref<6000x64xf32, #tpu.memory_space<hbm>> -> memref<6000x64xf32, #tpu.memory_space<hbm>>
    tpu.enqueue_indirect_dma source(%dma_start3A_175 : memref<6000x64xf32, #tpu.memory_space<hbm>>) target(%dma_start3A_172 : memref<256x64xf32, #tpu.memory_space<vmem>>) offsets(%arg11 : memref<256xi32, #tpu.memory_space<vmem>>) semaphore(%arg16 : memref<!tpu.dma_semaphore, #tpu.memory_space<semaphore_mem>>)
    %dma_wait3A_176 = arith.constant 0 : i32
    %dma_wait3A_177 = arith.constant 0 : i32
    %dma_wait3A_178 = arith.constant 0 : i32
    %dma_wait3A_179 = tpu.memref_slice %arg12[%dma_wait3A_176, %dma_wait3A_177, %dma_wait3A_178] : memref<5x256x64xf32, #tpu.memory_space<vmem>> -> memref<1x256x64xf32, #tpu.memory_space<vmem>>
    %dma_wait3A_180 = tpu.memref_squeeze %dma_wait3A_179 : memref<1x256x64xf32, #tpu.memory_space<vmem>> -> memref<256x64xf32, #tpu.memory_space<vmem>>
    %dma_wait3A_181 = arith.constant 0 : i32
    %dma_wait3A_182 = arith.constant 0 : i32
    %dma_wait3A_183 = tpu.memref_slice %arg3[%dma_wait3A_181, %dma_wait3A_182] : memref<6000x64xf32, #tpu.memory_space<hbm>> -> memref<6000x64xf32, #tpu.memory_space<hbm>>
    tpu.wait_indirect_dma semaphore(%arg16 : memref<!tpu.dma_semaphore, #tpu.memory_space<semaphore_mem>>) src(%dma_wait3A_183 : memref<6000x64xf32, #tpu.memory_space<hbm>>) dst(%dma_wait3A_180 : memref<256x64xf32, #tpu.memory_space<vmem>>)
    %dma_wait3A_184 = arith.constant 1 : i32
    %dma_wait3A_185 = arith.constant 0 : i32
    %dma_wait3A_186 = arith.constant 0 : i32
    %dma_wait3A_187 = tpu.memref_slice %arg12[%dma_wait3A_184, %dma_wait3A_185, %dma_wait3A_186] : memref<5x256x64xf32, #tpu.memory_space<vmem>> -> memref<1x256x64xf32, #tpu.memory_space<vmem>>
    %dma_wait3A_188 = tpu.memref_squeeze %dma_wait3A_187 : memref<1x256x64xf32, #tpu.memory_space<vmem>> -> memref<256x64xf32, #tpu.memory_space<vmem>>
    %dma_wait3A_189 = arith.constant 0 : i32
    %dma_wait3A_190 = arith.constant 0 : i32
    %dma_wait3A_191 = tpu.memref_slice %arg3[%dma_wait3A_189, %dma_wait3A_190] : memref<6000x64xf32, #tpu.memory_space<hbm>> -> memref<6000x64xf32, #tpu.memory_space<hbm>>
    tpu.wait_indirect_dma semaphore(%arg16 : memref<!tpu.dma_semaphore, #tpu.memory_space<semaphore_mem>>) src(%dma_wait3A_191 : memref<6000x64xf32, #tpu.memory_space<hbm>>) dst(%dma_wait3A_188 : memref<256x64xf32, #tpu.memory_space<vmem>>)
    %dma_wait3A_192 = arith.constant 2 : i32
    %dma_wait3A_193 = arith.constant 0 : i32
    %dma_wait3A_194 = arith.constant 0 : i32
    %dma_wait3A_195 = tpu.memref_slice %arg12[%dma_wait3A_192, %dma_wait3A_193, %dma_wait3A_194] : memref<5x256x64xf32, #tpu.memory_space<vmem>> -> memref<1x256x64xf32, #tpu.memory_space<vmem>>
    %dma_wait3A_196 = tpu.memref_squeeze %dma_wait3A_195 : memref<1x256x64xf32, #tpu.memory_space<vmem>> -> memref<256x64xf32, #tpu.memory_space<vmem>>
    %dma_wait3A_197 = arith.constant 0 : i32
    %dma_wait3A_198 = arith.constant 0 : i32
    %dma_wait3A_199 = tpu.memref_slice %arg3[%dma_wait3A_197, %dma_wait3A_198] : memref<6000x64xf32, #tpu.memory_space<hbm>> -> memref<6000x64xf32, #tpu.memory_space<hbm>>
    tpu.wait_indirect_dma semaphore(%arg16 : memref<!tpu.dma_semaphore, #tpu.memory_space<semaphore_mem>>) src(%dma_wait3A_199 : memref<6000x64xf32, #tpu.memory_space<hbm>>) dst(%dma_wait3A_196 : memref<256x64xf32, #tpu.memory_space<vmem>>)
    %dma_wait3A_200 = arith.constant 3 : i32
    %dma_wait3A_201 = arith.constant 0 : i32
    %dma_wait3A_202 = arith.constant 0 : i32
    %dma_wait3A_203 = tpu.memref_slice %arg12[%dma_wait3A_200, %dma_wait3A_201, %dma_wait3A_202] : memref<5x256x64xf32, #tpu.memory_space<vmem>> -> memref<1x256x64xf32, #tpu.memory_space<vmem>>
    %dma_wait3A_204 = tpu.memref_squeeze %dma_wait3A_203 : memref<1x256x64xf32, #tpu.memory_space<vmem>> -> memref<256x64xf32, #tpu.memory_space<vmem>>
    %dma_wait3A_205 = arith.constant 0 : i32
    %dma_wait3A_206 = arith.constant 0 : i32
    %dma_wait3A_207 = tpu.memref_slice %arg3[%dma_wait3A_205, %dma_wait3A_206] : memref<6000x64xf32, #tpu.memory_space<hbm>> -> memref<6000x64xf32, #tpu.memory_space<hbm>>
    tpu.wait_indirect_dma semaphore(%arg16 : memref<!tpu.dma_semaphore, #tpu.memory_space<semaphore_mem>>) src(%dma_wait3A_207 : memref<6000x64xf32, #tpu.memory_space<hbm>>) dst(%dma_wait3A_204 : memref<256x64xf32, #tpu.memory_space<vmem>>)
    %dma_wait3A_208 = arith.constant 4 : i32
    %dma_wait3A_209 = arith.constant 0 : i32
    %dma_wait3A_210 = arith.constant 0 : i32
    %dma_wait3A_211 = tpu.memref_slice %arg12[%dma_wait3A_208, %dma_wait3A_209, %dma_wait3A_210] : memref<5x256x64xf32, #tpu.memory_space<vmem>> -> memref<1x256x64xf32, #tpu.memory_space<vmem>>
    %dma_wait3A_212 = tpu.memref_squeeze %dma_wait3A_211 : memref<1x256x64xf32, #tpu.memory_space<vmem>> -> memref<256x64xf32, #tpu.memory_space<vmem>>
    %dma_wait3A_213 = arith.constant 0 : i32
    %dma_wait3A_214 = arith.constant 0 : i32
    %dma_wait3A_215 = tpu.memref_slice %arg3[%dma_wait3A_213, %dma_wait3A_214] : memref<6000x64xf32, #tpu.memory_space<hbm>> -> memref<6000x64xf32, #tpu.memory_space<hbm>>
    tpu.wait_indirect_dma semaphore(%arg16 : memref<!tpu.dma_semaphore, #tpu.memory_space<semaphore_mem>>) src(%dma_wait3A_215 : memref<6000x64xf32, #tpu.memory_space<hbm>>) dst(%dma_wait3A_212 : memref<256x64xf32, #tpu.memory_space<vmem>>)
    %parallel_loop3A_216 = arith.constant 0 : i32
    %parallel_loop3A_217 = arith.constant 256 : i32
    %parallel_loop3A_218 = arith.constant 1 : i32
    scf.for %parallel_loop3A_219 = %parallel_loop3A_216 to %parallel_loop3A_217 step %parallel_loop3A_218  : i32 {
      %parallel_loop3A_220 = arith.constant 0 : i32
      %parallel_loop3A_221 = arith.index_cast %parallel_loop3A_220 : i32 to index
      %parallel_loop3A_222 = arith.index_cast %parallel_loop3A_219 : i32 to index
      %parallel_loop3A_223 = arith.constant 0 : index
      %parallel_loop3A_224 = tpu.vector_load %arg12[%parallel_loop3A_221, %parallel_loop3A_222, %parallel_loop3A_223] {strides = array<i32>} : memref<5x256x64xf32, #tpu.memory_space<vmem>>, vector<16xf32>,
      %parallel_loop3A_225 = arith.constant 1 : i32
      %parallel_loop3A_226 = arith.index_cast %parallel_loop3A_225 : i32 to index
      %parallel_loop3A_227 = arith.index_cast %parallel_loop3A_219 : i32 to index
      %parallel_loop3A_228 = arith.constant 0 : index
      %parallel_loop3A_229 = tpu.vector_load %arg12[%parallel_loop3A_226, %parallel_loop3A_227, %parallel_loop3A_228] {strides = array<i32>} : memref<5x256x64xf32, #tpu.memory_space<vmem>>, vector<16xf32>,
      %parallel_loop3A_230 = arith.addf %parallel_loop3A_224, %parallel_loop3A_229 : vector<16xf32>
      %parallel_loop3A_231 = arith.constant 2 : i32
      %parallel_loop3A_232 = arith.index_cast %parallel_loop3A_231 : i32 to index
      %parallel_loop3A_233 = arith.index_cast %parallel_loop3A_219 : i32 to index
      %parallel_loop3A_234 = arith.constant 0 : index
      %parallel_loop3A_235 = tpu.vector_load %arg12[%parallel_loop3A_232, %parallel_loop3A_233, %parallel_loop3A_234] {strides = array<i32>} : memref<5x256x64xf32, #tpu.memory_space<vmem>>, vector<16xf32>,
      %parallel_loop3A_236 = arith.addf %parallel_loop3A_230, %parallel_loop3A_235 : vector<16xf32>
      %parallel_loop3A_237 = arith.constant 3 : i32
      %parallel_loop3A_238 = arith.index_cast %parallel_loop3A_237 : i32 to index
      %parallel_loop3A_239 = arith.index_cast %parallel_loop3A_219 : i32 to index
      %parallel_loop3A_240 = arith.constant 0 : index
      %parallel_loop3A_241 = tpu.vector_load %arg12[%parallel_loop3A_238, %parallel_loop3A_239, %parallel_loop3A_240] {strides = array<i32>} : memref<5x256x64xf32, #tpu.memory_space<vmem>>, vector<16xf32>,
      %parallel_loop3A_242 = arith.addf %parallel_loop3A_236, %parallel_loop3A_241 : vector<16xf32>
      %parallel_loop3A_243 = arith.constant 4 : i32
      %parallel_loop3A_244 = arith.index_cast %parallel_loop3A_243 : i32 to index
      %parallel_loop3A_245 = arith.index_cast %parallel_loop3A_219 : i32 to index
      %parallel_loop3A_246 = arith.constant 0 : index
      %parallel_loop3A_247 = tpu.vector_load %arg12[%parallel_loop3A_244, %parallel_loop3A_245, %parallel_loop3A_246] {strides = array<i32>} : memref<5x256x64xf32, #tpu.memory_space<vmem>>, vector<16xf32>,
      %parallel_loop3A_248 = arith.addf %parallel_loop3A_242, %parallel_loop3A_247 : vector<16xf32>
      %parallel_loop3A_249 = arith.constant 0 : i32
      %parallel_loop3A_250 = arith.index_cast %parallel_loop3A_249 : i32 to index
      %parallel_loop3A_251 = arith.index_cast %parallel_loop3A_219 : i32 to index
      %parallel_loop3A_252 = arith.constant 16 : index
      %parallel_loop3A_253 = tpu.vector_load %arg12[%parallel_loop3A_250, %parallel_loop3A_251, %parallel_loop3A_252] {strides = array<i32>} : memref<5x256x64xf32, #tpu.memory_space<vmem>>, vector<16xf32>,
      %parallel_loop3A_254 = arith.constant 1 : i32
      %parallel_loop3A_255 = arith.index_cast %parallel_loop3A_254 : i32 to index
      %parallel_loop3A_256 = arith.index_cast %parallel_loop3A_219 : i32 to index
      %parallel_loop3A_257 = arith.constant 16 : index
      %parallel_loop3A_258 = tpu.vector_load %arg12[%parallel_loop3A_255, %parallel_loop3A_256, %parallel_loop3A_257] {strides = array<i32>} : memref<5x256x64xf32, #tpu.memory_space<vmem>>, vector<16xf32>,
      %parallel_loop3A_259 = arith.addf %parallel_loop3A_253, %parallel_loop3A_258 : vector<16xf32>
      %parallel_loop3A_260 = arith.constant 2 : i32
      %parallel_loop3A_261 = arith.index_cast %parallel_loop3A_260 : i32 to index
      %parallel_loop3A_262 = arith.index_cast %parallel_loop3A_219 : i32 to index
      %parallel_loop3A_263 = arith.constant 16 : index
      %parallel_loop3A_264 = tpu.vector_load %arg12[%parallel_loop3A_261, %parallel_loop3A_262, %parallel_loop3A_263] {strides = array<i32>} : memref<5x256x64xf32, #tpu.memory_space<vmem>>, vector<16xf32>,
      %parallel_loop3A_265 = arith.addf %parallel_loop3A_259, %parallel_loop3A_264 : vector<16xf32>
      %parallel_loop3A_266 = arith.constant 3 : i32
      %parallel_loop3A_267 = arith.index_cast %parallel_loop3A_266 : i32 to index
      %parallel_loop3A_268 = arith.index_cast %parallel_loop3A_219 : i32 to index
      %parallel_loop3A_269 = arith.constant 16 : index
      %parallel_loop3A_270 = tpu.vector_load %arg12[%parallel_loop3A_267, %parallel_loop3A_268, %parallel_loop3A_269] {strides = array<i32>} : memref<5x256x64xf32, #tpu.memory_space<vmem>>, vector<16xf32>,
      %parallel_loop3A_271 = arith.addf %parallel_loop3A_265, %parallel_loop3A_270 : vector<16xf32>
      %parallel_loop3A_272 = arith.constant 4 : i32
      %parallel_loop3A_273 = arith.index_cast %parallel_loop3A_272 : i32 to index
      %parallel_loop3A_274 = arith.index_cast %parallel_loop3A_219 : i32 to index
      %parallel_loop3A_275 = arith.constant 16 : index
      %parallel_loop3A_276 = tpu.vector_load %arg12[%parallel_loop3A_273, %parallel_loop3A_274, %parallel_loop3A_275] {strides = array<i32>} : memref<5x256x64xf32, #tpu.memory_space<vmem>>, vector<16xf32>,
      %parallel_loop3A_277 = arith.addf %parallel_loop3A_271, %parallel_loop3A_276 : vector<16xf32>
      %parallel_loop3A_278 = arith.constant 0 : i32
      %parallel_loop3A_279 = arith.index_cast %parallel_loop3A_278 : i32 to index
      %parallel_loop3A_280 = arith.index_cast %parallel_loop3A_219 : i32 to index
      %parallel_loop3A_281 = arith.constant 32 : index
      %parallel_loop3A_282 = tpu.vector_load %arg12[%parallel_loop3A_279, %parallel_loop3A_280, %parallel_loop3A_281] {strides = array<i32>} : memref<5x256x64xf32, #tpu.memory_space<vmem>>, vector<16xf32>,
      %parallel_loop3A_283 = arith.constant 1 : i32
      %parallel_loop3A_284 = arith.index_cast %parallel_loop3A_283 : i32 to index
      %parallel_loop3A_285 = arith.index_cast %parallel_loop3A_219 : i32 to index
      %parallel_loop3A_286 = arith.constant 32 : index
      %parallel_loop3A_287 = tpu.vector_load %arg12[%parallel_loop3A_284, %parallel_loop3A_285, %parallel_loop3A_286] {strides = array<i32>} : memref<5x256x64xf32, #tpu.memory_space<vmem>>, vector<16xf32>,
      %parallel_loop3A_288 = arith.addf %parallel_loop3A_282, %parallel_loop3A_287 : vector<16xf32>
      %parallel_loop3A_289 = arith.constant 2 : i32
      %parallel_loop3A_290 = arith.index_cast %parallel_loop3A_289 : i32 to index
      %parallel_loop3A_291 = arith.index_cast %parallel_loop3A_219 : i32 to index
      %parallel_loop3A_292 = arith.constant 32 : index
      %parallel_loop3A_293 = tpu.vector_load %arg12[%parallel_loop3A_290, %parallel_loop3A_291, %parallel_loop3A_292] {strides = array<i32>} : memref<5x256x64xf32, #tpu.memory_space<vmem>>, vector<16xf32>,
      %parallel_loop3A_294 = arith.addf %parallel_loop3A_288, %parallel_loop3A_293 : vector<16xf32>
      %parallel_loop3A_295 = arith.constant 3 : i32
      %parallel_loop3A_296 = arith.index_cast %parallel_loop3A_295 : i32 to index
      %parallel_loop3A_297 = arith.index_cast %parallel_loop3A_219 : i32 to index
      %parallel_loop3A_298 = arith.constant 32 : index
      %parallel_loop3A_299 = tpu.vector_load %arg12[%parallel_loop3A_296, %parallel_loop3A_297, %parallel_loop3A_298] {strides = array<i32>} : memref<5x256x64xf32, #tpu.memory_space<vmem>>, vector<16xf32>,
      %parallel_loop3A_300 = arith.addf %parallel_loop3A_294, %parallel_loop3A_299 : vector<16xf32>
      %parallel_loop3A_301 = arith.constant 4 : i32
      %parallel_loop3A_302 = arith.index_cast %parallel_loop3A_301 : i32 to index
      %parallel_loop3A_303 = arith.index_cast %parallel_loop3A_219 : i32 to index
      %parallel_loop3A_304 = arith.constant 32 : index
      %parallel_loop3A_305 = tpu.vector_load %arg12[%parallel_loop3A_302, %parallel_loop3A_303, %parallel_loop3A_304] {strides = array<i32>} : memref<5x256x64xf32, #tpu.memory_space<vmem>>, vector<16xf32>,
      %parallel_loop3A_306 = arith.addf %parallel_loop3A_300, %parallel_loop3A_305 : vector<16xf32>
      %parallel_loop3A_307 = arith.constant 0 : i32
      %parallel_loop3A_308 = arith.index_cast %parallel_loop3A_307 : i32 to index
      %parallel_loop3A_309 = arith.index_cast %parallel_loop3A_219 : i32 to index
      %parallel_loop3A_310 = arith.constant 48 : index
      %parallel_loop3A_311 = tpu.vector_load %arg12[%parallel_loop3A_308, %parallel_loop3A_309, %parallel_loop3A_310] {strides = array<i32>} : memref<5x256x64xf32, #tpu.memory_space<vmem>>, vector<16xf32>,
      %parallel_loop3A_312 = arith.constant 1 : i32
      %parallel_loop3A_313 = arith.index_cast %parallel_loop3A_312 : i32 to index
      %parallel_loop3A_314 = arith.index_cast %parallel_loop3A_219 : i32 to index
      %parallel_loop3A_315 = arith.constant 48 : index
      %parallel_loop3A_316 = tpu.vector_load %arg12[%parallel_loop3A_313, %parallel_loop3A_314, %parallel_loop3A_315] {strides = array<i32>} : memref<5x256x64xf32, #tpu.memory_space<vmem>>, vector<16xf32>,
      %parallel_loop3A_317 = arith.addf %parallel_loop3A_311, %parallel_loop3A_316 : vector<16xf32>
      %parallel_loop3A_318 = arith.constant 2 : i32
      %parallel_loop3A_319 = arith.index_cast %parallel_loop3A_318 : i32 to index
      %parallel_loop3A_320 = arith.index_cast %parallel_loop3A_219 : i32 to index
      %parallel_loop3A_321 = arith.constant 48 : index
      %parallel_loop3A_322 = tpu.vector_load %arg12[%parallel_loop3A_319, %parallel_loop3A_320, %parallel_loop3A_321] {strides = array<i32>} : memref<5x256x64xf32, #tpu.memory_space<vmem>>, vector<16xf32>,
      %parallel_loop3A_323 = arith.addf %parallel_loop3A_317, %parallel_loop3A_322 : vector<16xf32>
      %parallel_loop3A_324 = arith.constant 3 : i32
      %parallel_loop3A_325 = arith.index_cast %parallel_loop3A_324 : i32 to index
      %parallel_loop3A_326 = arith.index_cast %parallel_loop3A_219 : i32 to index
      %parallel_loop3A_327 = arith.constant 48 : index
      %parallel_loop3A_328 = tpu.vector_load %arg12[%parallel_loop3A_325, %parallel_loop3A_326, %parallel_loop3A_327] {strides = array<i32>} : memref<5x256x64xf32, #tpu.memory_space<vmem>>, vector<16xf32>,
      %parallel_loop3A_329 = arith.addf %parallel_loop3A_323, %parallel_loop3A_328 : vector<16xf32>
      %parallel_loop3A_330 = arith.constant 4 : i32
      %parallel_loop3A_331 = arith.index_cast %parallel_loop3A_330 : i32 to index
      %parallel_loop3A_332 = arith.index_cast %parallel_loop3A_219 : i32 to index
      %parallel_loop3A_333 = arith.constant 48 : index
      %parallel_loop3A_334 = tpu.vector_load %arg12[%parallel_loop3A_331, %parallel_loop3A_332, %parallel_loop3A_333] {strides = array<i32>} : memref<5x256x64xf32, #tpu.memory_space<vmem>>, vector<16xf32>,
      %parallel_loop3A_335 = arith.addf %parallel_loop3A_329, %parallel_loop3A_334 : vector<16xf32>
      %parallel_loop3A_336 = arith.addf %parallel_loop3A_248, %parallel_loop3A_277 : vector<16xf32>
      %parallel_loop3A_337 = arith.addf %parallel_loop3A_306, %parallel_loop3A_335 : vector<16xf32>
      %parallel_loop3A_338 = arith.addf %parallel_loop3A_336, %parallel_loop3A_337 : vector<16xf32>
      %parallel_loop3A_339 = arith.mulf %parallel_loop3A_248, %parallel_loop3A_248 : vector<16xf32>
      %parallel_loop3A_340 = arith.mulf %parallel_loop3A_277, %parallel_loop3A_277 : vector<16xf32>
      %parallel_loop3A_341 = arith.addf %parallel_loop3A_339, %parallel_loop3A_340 : vector<16xf32>
      %parallel_loop3A_342 = arith.mulf %parallel_loop3A_306, %parallel_loop3A_306 : vector<16xf32>
      %parallel_loop3A_343 = arith.mulf %parallel_loop3A_335, %parallel_loop3A_335 : vector<16xf32>
      %parallel_loop3A_344 = arith.addf %parallel_loop3A_342, %parallel_loop3A_343 : vector<16xf32>
      %parallel_loop3A_345 = arith.addf %parallel_loop3A_341, %parallel_loop3A_344 : vector<16xf32>
      %parallel_loop3A_346 = arith.constant true
      %parallel_loop3A_347 = vector.broadcast %parallel_loop3A_346 : i1 to vector<16xi1>
      %parallel_loop3A_348 = tpu.scan <sum>, %parallel_loop3A_338 masked %parallel_loop3A_347 : vector<16xf32>, vector<16xi1> -> vector<16xf32>
      %parallel_loop3A_349 = vector.extract %parallel_loop3A_348[15] : f32 from vector<16xf32>
      %parallel_loop3A_350 = arith.constant 1.562500e-02 : f32
      %parallel_loop3A_351 = arith.mulf %parallel_loop3A_349, %parallel_loop3A_350 : f32
      %parallel_loop3A_352 = arith.constant true
      %parallel_loop3A_353 = vector.broadcast %parallel_loop3A_352 : i1 to vector<16xi1>
      %parallel_loop3A_354 = tpu.scan <sum>, %parallel_loop3A_345 masked %parallel_loop3A_353 : vector<16xf32>, vector<16xi1> -> vector<16xf32>
      %parallel_loop3A_355 = vector.extract %parallel_loop3A_354[15] : f32 from vector<16xf32>
      %parallel_loop3A_356 = arith.constant 1.562500e-02 : f32
      %parallel_loop3A_357 = arith.mulf %parallel_loop3A_355, %parallel_loop3A_356 : f32
      %parallel_loop3A_358 = arith.mulf %parallel_loop3A_351, %parallel_loop3A_351 : f32
      %parallel_loop3A_359 = arith.subf %parallel_loop3A_357, %parallel_loop3A_358 : f32
      %parallel_loop3A_360 = arith.constant 9.99999974E-6 : f32
      %parallel_loop3A_361 = arith.addf %parallel_loop3A_359, %parallel_loop3A_360 : f32
      %parallel_loop3A_362 = arith.bitcast %parallel_loop3A_361 : f32 to i32
      %parallel_loop3A_363 = arith.constant 1 : i32
      %parallel_loop3A_364 = arith.shrsi %parallel_loop3A_362, %parallel_loop3A_363 : i32
      %parallel_loop3A_365 = arith.constant 1597463007 : i32
      %parallel_loop3A_366 = arith.subi %parallel_loop3A_365, %parallel_loop3A_364 : i32
      %parallel_loop3A_367 = arith.bitcast %parallel_loop3A_366 : i32 to f32
      %parallel_loop3A_368 = arith.constant 5.000000e-01 : f32
      %parallel_loop3A_369 = arith.mulf %parallel_loop3A_368, %parallel_loop3A_361 : f32
      %parallel_loop3A_370 = arith.mulf %parallel_loop3A_369, %parallel_loop3A_367 : f32
      %parallel_loop3A_371 = arith.mulf %parallel_loop3A_370, %parallel_loop3A_367 : f32
      %parallel_loop3A_372 = arith.constant 1.500000e+00 : f32
      %parallel_loop3A_373 = arith.subf %parallel_loop3A_372, %parallel_loop3A_371 : f32
      %parallel_loop3A_374 = arith.mulf %parallel_loop3A_367, %parallel_loop3A_373 : f32
      %parallel_loop3A_375 = arith.constant 5.000000e-01 : f32
      %parallel_loop3A_376 = arith.mulf %parallel_loop3A_375, %parallel_loop3A_361 : f32
      %parallel_loop3A_377 = arith.mulf %parallel_loop3A_376, %parallel_loop3A_374 : f32
      %parallel_loop3A_378 = arith.mulf %parallel_loop3A_377, %parallel_loop3A_374 : f32
      %parallel_loop3A_379 = arith.constant 1.500000e+00 : f32
      %parallel_loop3A_380 = arith.subf %parallel_loop3A_379, %parallel_loop3A_378 : f32
      %parallel_loop3A_381 = arith.mulf %parallel_loop3A_374, %parallel_loop3A_380 : f32
      %parallel_loop3A_382 = arith.constant 5.000000e-01 : f32
      %parallel_loop3A_383 = arith.mulf %parallel_loop3A_382, %parallel_loop3A_361 : f32
      %parallel_loop3A_384 = arith.mulf %parallel_loop3A_383, %parallel_loop3A_381 : f32
      %parallel_loop3A_385 = arith.mulf %parallel_loop3A_384, %parallel_loop3A_381 : f32
      %parallel_loop3A_386 = arith.constant 1.500000e+00 : f32
      %parallel_loop3A_387 = arith.subf %parallel_loop3A_386, %parallel_loop3A_385 : f32
      %parallel_loop3A_388 = arith.mulf %parallel_loop3A_381, %parallel_loop3A_387 : f32
      %parallel_loop3A_389 = vector.broadcast %parallel_loop3A_351 : f32 to vector<16xf32>
      %parallel_loop3A_390 = vector.broadcast %parallel_loop3A_388 : f32 to vector<16xf32>
      %parallel_loop3A_391 = vector.broadcast %parallel_loop3A_219 : i32 to vector<16xi32>
      %parallel_loop3A_392 = arith.subf %parallel_loop3A_248, %parallel_loop3A_389 : vector<16xf32>
      %parallel_loop3A_393 = arith.mulf %parallel_loop3A_392, %parallel_loop3A_390 : vector<16xf32>
      %parallel_loop3A_394 = arith.mulf %parallel_loop3A_393, %get3A_1 : vector<16xf32>
      %parallel_loop3A_395 = arith.addf %parallel_loop3A_394, %get3A_9 : vector<16xf32>
      %parallel_loop3A_396 = arith.constant 0.000000e+00 : f32
      %parallel_loop3A_397 = vector.broadcast %parallel_loop3A_396 : f32 to vector<16xf32>
      %parallel_loop3A_398 = arith.maximumf %parallel_loop3A_395, %parallel_loop3A_397 : vector<16xf32>
      tpu.vector_store_idx %arg13[%add3A_18, %parallel_loop3A_391], %parallel_loop3A_398 : memref<64x256xf32, #tpu.memory_space<vmem>>[vector<16xi32>, vector<16xi32>], vector<16xf32>,
      %parallel_loop3A_399 = arith.subf %parallel_loop3A_277, %parallel_loop3A_389 : vector<16xf32>
      %parallel_loop3A_400 = arith.mulf %parallel_loop3A_399, %parallel_loop3A_390 : vector<16xf32>
      %parallel_loop3A_401 = arith.mulf %parallel_loop3A_400, %get3A_3 : vector<16xf32>
      %parallel_loop3A_402 = arith.addf %parallel_loop3A_401, %get3A_11 : vector<16xf32>
      %parallel_loop3A_403 = arith.constant 0.000000e+00 : f32
      %parallel_loop3A_404 = vector.broadcast %parallel_loop3A_403 : f32 to vector<16xf32>
      %parallel_loop3A_405 = arith.maximumf %parallel_loop3A_402, %parallel_loop3A_404 : vector<16xf32>
      tpu.vector_store_idx %arg13[%add3A_21, %parallel_loop3A_391], %parallel_loop3A_405 : memref<64x256xf32, #tpu.memory_space<vmem>>[vector<16xi32>, vector<16xi32>], vector<16xf32>,
      %parallel_loop3A_406 = arith.subf %parallel_loop3A_306, %parallel_loop3A_389 : vector<16xf32>
      %parallel_loop3A_407 = arith.mulf %parallel_loop3A_406, %parallel_loop3A_390 : vector<16xf32>
      %parallel_loop3A_408 = arith.mulf %parallel_loop3A_407, %get3A_5 : vector<16xf32>
      %parallel_loop3A_409 = arith.addf %parallel_loop3A_408, %get3A_13 : vector<16xf32>
      %parallel_loop3A_410 = arith.constant 0.000000e+00 : f32
      %parallel_loop3A_411 = vector.broadcast %parallel_loop3A_410 : f32 to vector<16xf32>
      %parallel_loop3A_412 = arith.maximumf %parallel_loop3A_409, %parallel_loop3A_411 : vector<16xf32>
      tpu.vector_store_idx %arg13[%add3A_24, %parallel_loop3A_391], %parallel_loop3A_412 : memref<64x256xf32, #tpu.memory_space<vmem>>[vector<16xi32>, vector<16xi32>], vector<16xf32>,
      %parallel_loop3A_413 = arith.subf %parallel_loop3A_335, %parallel_loop3A_389 : vector<16xf32>
      %parallel_loop3A_414 = arith.mulf %parallel_loop3A_413, %parallel_loop3A_390 : vector<16xf32>
      %parallel_loop3A_415 = arith.mulf %parallel_loop3A_414, %get3A_7 : vector<16xf32>
      %parallel_loop3A_416 = arith.addf %parallel_loop3A_415, %get3A_15 : vector<16xf32>
      %parallel_loop3A_417 = arith.constant 0.000000e+00 : f32
      %parallel_loop3A_418 = vector.broadcast %parallel_loop3A_417 : f32 to vector<16xf32>
      %parallel_loop3A_419 = arith.maximumf %parallel_loop3A_416, %parallel_loop3A_418 : vector<16xf32>
      tpu.vector_store_idx %arg13[%add3A_27, %parallel_loop3A_391], %parallel_loop3A_419 : memref<64x256xf32, #tpu.memory_space<vmem>>[vector<16xi32>, vector<16xi32>], vector<16xf32>,
    } {sc.loop_unroll_factor = 4 : i64, sc.parallel_access}
    "tpu.region"() ({
      %run_scoped3A = tpu.sem_alloc : memref<!tpu.dma_semaphore, #tpu.memory_space<semaphore_mem>>
      %dma_start3A_219 = arith.constant 0 : i32
      %dma_start3A_220 = tpu.memref_slice %arg6[%dma_start3A_219, %add3A_125] : memref<64x16384xf32, #tpu.memory_space<hbm>> -> memref<64x256xf32, #tpu.memory_space<hbm>>
      %dma_start3A_221 = arith.constant 0 : i32
      %dma_start3A_222 = tpu.memref_slice %arg6[%dma_start3A_221, %add3A_125] : memref<64x16384xf32, #tpu.memory_space<hbm>> -> memref<64x256xf32, #tpu.memory_space<hbm>>
      tpu.enqueue_dma source(%arg13 : memref<64x256xf32, #tpu.memory_space<vmem>>) target(%dma_start3A_222 : memref<64x256xf32, #tpu.memory_space<hbm>>) target_semaphore(%run_scoped3A : memref<!tpu.dma_semaphore, #tpu.memory_space<semaphore_mem>>)
      %dma_wait3A_223 = arith.constant 0 : i32
      %dma_wait3A_224 = tpu.memref_slice %arg6[%dma_wait3A_223, %add3A_125] : memref<64x16384xf32, #tpu.memory_space<hbm>> -> memref<64x256xf32, #tpu.memory_space<hbm>>
      %dma_wait3A_225 = arith.constant 0 : i32
      %dma_wait3A_226 = tpu.memref_slice %arg6[%dma_wait3A_225, %add3A_125] : memref<64x16384xf32, #tpu.memory_space<hbm>> -> memref<64x256xf32, #tpu.memory_space<hbm>>
      tpu.wait_dma2 semaphore(%run_scoped3A : memref<!tpu.dma_semaphore, #tpu.memory_space<semaphore_mem>>) src(%arg13 : memref<64x256xf32, #tpu.memory_space<vmem>>) dst(%dma_wait3A_226 : memref<64x256xf32, #tpu.memory_space<hbm>>)
      tpu.yield
    }) : () -> ()
    return
  }
}

module attributes {stable_mosaic.version = 14 : i64} {
  func.func @_project_body(%arg0: memref<64x1000xf32, #tpu.memory_space<vmem>>, %arg1: memref<64x1000xf32, #tpu.memory_space<vmem>>, %arg2: memref<64x1000xf32, #tpu.memory_space<vmem>>, %arg3: memref<64x1000xf32, #tpu.memory_space<vmem>>, %arg4: memref<64x1000xf32, #tpu.memory_space<vmem>>, %arg5: memref<64x320xf32, #tpu.memory_space<vmem>>, %arg6: memref<1x64xf32, #tpu.memory_space<vmem>>, %arg7: memref<3000x128xf32, #tpu.memory_space<vmem>>) attributes {dimension_semantics = [], scalar_prefetch = 0 : i64, scratch_operands = 0 : i64, tpu.core_type = #tpu.core_type<tc>} {
    %get3A = arith.constant 0 : index
    %get3A_0 = arith.constant 0 : index
    %get3A_1 = vector.load %arg0[%get3A, %get3A_0] : memref<64x1000xf32, #tpu.memory_space<vmem>>, vector<64x1000xf32>
    %get3A_2 = arith.constant 0 : index
    %get3A_3 = arith.constant 0 : index
    %get3A_4 = vector.load %arg5[%get3A_2, %get3A_3] : memref<64x320xf32, #tpu.memory_space<vmem>>, vector<64x64xf32>
    %dot_general3A = arith.constant dense<0.000000e+00> : vector<1000x64xf32>
    %dot_general3A_5 = tpu.matmul %get3A_1, %get3A_4, %dot_general3A {dimension_numbers = #tpu.dot_dimension_numbers<[0], [1], [1], [0], [0, 1, 1, 0], [], []>, transpose_lhs_hint = false} : vector<64x1000xf32>, vector<64x64xf32>, vector<1000x64xf32> -> vector<1000x64xf32>
    %get3A_6 = arith.constant 0 : index
    %get3A_7 = arith.constant 0 : index
    %get3A_8 = vector.load %arg6[%get3A_6, %get3A_7] : memref<1x64xf32, #tpu.memory_space<vmem>>, vector<1x64xf32>
    %add3A = vector.broadcast %get3A_8 : vector<1x64xf32> to vector<1000x64xf32>
    %add3A_9 = arith.addf %dot_general3A_5, %add3A : vector<1000x64xf32>
    %get3A_10 = arith.constant 0 : index
    %get3A_11 = arith.constant 0 : index
    %get3A_12 = vector.load %arg1[%get3A_10, %get3A_11] : memref<64x1000xf32, #tpu.memory_space<vmem>>, vector<64x1000xf32>
    %get3A_13 = arith.constant 0 : index
    %get3A_14 = arith.constant 64 : index
    %get3A_15 = vector.load %arg5[%get3A_13, %get3A_14] : memref<64x320xf32, #tpu.memory_space<vmem>>, vector<64x64xf32>
    %dot_general3A_16 = arith.constant dense<0.000000e+00> : vector<1000x64xf32>
    %dot_general3A_17 = tpu.matmul %get3A_12, %get3A_15, %dot_general3A_16 {dimension_numbers = #tpu.dot_dimension_numbers<[0], [1], [1], [0], [0, 1, 1, 0], [], []>, transpose_lhs_hint = false} : vector<64x1000xf32>, vector<64x64xf32>, vector<1000x64xf32> -> vector<1000x64xf32>
    %get3A_18 = arith.constant 0 : index
    %get3A_19 = arith.constant 0 : index
    %get3A_20 = vector.load %arg2[%get3A_18, %get3A_19] : memref<64x1000xf32, #tpu.memory_space<vmem>>, vector<64x1000xf32>
    %get3A_21 = arith.constant 0 : index
    %get3A_22 = arith.constant 128 : index
    %get3A_23 = vector.load %arg5[%get3A_21, %get3A_22] : memref<64x320xf32, #tpu.memory_space<vmem>>, vector<64x64xf32>
    %dot_general3A_24 = arith.constant dense<0.000000e+00> : vector<1000x64xf32>
    %dot_general3A_25 = tpu.matmul %get3A_20, %get3A_23, %dot_general3A_24 {dimension_numbers = #tpu.dot_dimension_numbers<[0], [1], [1], [0], [0, 1, 1, 0], [], []>, transpose_lhs_hint = false} : vector<64x1000xf32>, vector<64x64xf32>, vector<1000x64xf32> -> vector<1000x64xf32>
    %get3A_26 = arith.constant 0 : index
    %get3A_27 = arith.constant 0 : index
    %get3A_28 = vector.load %arg3[%get3A_26, %get3A_27] : memref<64x1000xf32, #tpu.memory_space<vmem>>, vector<64x1000xf32>
    %get3A_29 = arith.constant 0 : index
    %get3A_30 = arith.constant 192 : index
    %get3A_31 = vector.load %arg5[%get3A_29, %get3A_30] : memref<64x320xf32, #tpu.memory_space<vmem>>, vector<64x64xf32>
    %dot_general3A_32 = arith.constant dense<0.000000e+00> : vector<1000x64xf32>
    %dot_general3A_33 = tpu.matmul %get3A_28, %get3A_31, %dot_general3A_32 {dimension_numbers = #tpu.dot_dimension_numbers<[0], [1], [1], [0], [0, 1, 1, 0], [], []>, transpose_lhs_hint = false} : vector<64x1000xf32>, vector<64x64xf32>, vector<1000x64xf32> -> vector<1000x64xf32>
    %get3A_34 = arith.constant 0 : index
    %get3A_35 = arith.constant 0 : index
    %get3A_36 = vector.load %arg4[%get3A_34, %get3A_35] : memref<64x1000xf32, #tpu.memory_space<vmem>>, vector<64x1000xf32>
    %get3A_37 = arith.constant 0 : index
    %get3A_38 = arith.constant 256 : index
    %get3A_39 = vector.load %arg5[%get3A_37, %get3A_38] : memref<64x320xf32, #tpu.memory_space<vmem>>, vector<64x64xf32>
    %dot_general3A_40 = arith.constant dense<0.000000e+00> : vector<1000x64xf32>
    %dot_general3A_41 = tpu.matmul %get3A_36, %get3A_39, %dot_general3A_40 {dimension_numbers = #tpu.dot_dimension_numbers<[0], [1], [1], [0], [0, 1, 1, 0], [], []>, transpose_lhs_hint = false} : vector<64x1000xf32>, vector<64x64xf32>, vector<1000x64xf32> -> vector<1000x64xf32>
    %concatenate3A = tpu.concatenate %add3A_9, %dot_general3A_17 in 1 : vector<1000x64xf32>, vector<1000x64xf32> -> vector<1000x128xf32>
    %swap3A = arith.constant 0 : index
    %swap3A_42 = arith.constant 0 : index
    %swap3A_43 = vector.load %arg7[%swap3A, %swap3A_42] : memref<3000x128xf32, #tpu.memory_space<vmem>>, vector<1000x128xf32>
    tpu.vector_store %arg7[%swap3A, %swap3A_42], %concatenate3A {strides = array<i32>} : memref<3000x128xf32, #tpu.memory_space<vmem>>, vector<1000x128xf32>,
    %concatenate3A_44 = tpu.concatenate %dot_general3A_25, %dot_general3A_33 in 1 : vector<1000x64xf32>, vector<1000x64xf32> -> vector<1000x128xf32>
    %swap3A_45 = arith.constant 1000 : index
    %swap3A_46 = arith.constant 0 : index
    %swap3A_47 = vector.load %arg7[%swap3A_45, %swap3A_46] : memref<3000x128xf32, #tpu.memory_space<vmem>>, vector<1000x128xf32>
    tpu.vector_store %arg7[%swap3A_45, %swap3A_46], %concatenate3A_44 {strides = array<i32>} : memref<3000x128xf32, #tpu.memory_space<vmem>>, vector<1000x128xf32>,
    %concatenate3A_48 = tpu.concatenate %dot_general3A_41, %dot_general3A_41 in 1 : vector<1000x64xf32>, vector<1000x64xf32> -> vector<1000x128xf32>
    %swap3A_49 = arith.constant 2000 : index
    %swap3A_50 = arith.constant 0 : index
    %swap3A_51 = vector.load %arg7[%swap3A_49, %swap3A_50] : memref<3000x128xf32, #tpu.memory_space<vmem>>, vector<1000x128xf32>
    tpu.vector_store %arg7[%swap3A_49, %swap3A_50], %concatenate3A_48 {strides = array<i32>} : memref<3000x128xf32, #tpu.memory_space<vmem>>, vector<1000x128xf32>,
    return
  }
}

</mosaic_0001>

<sc_bundles>
// kernel: kernel.4.cloned.1.call-start
scs
__scs_entry_jumppad:
0x0: {  	(pc) =	sbr.rel $0x88, $3  }
0x1: {  	(tag) =	ssettag $0x0;
	lr =	simm.s32 $0x1  }
0x2: {  	[smem:$0x3F97] =	sst lr;
	_ =	strace $0xD0000000  }
0x3: {  	_ = 	snop  }
0x4: {  	_ = 	snop  }
0x5: {  	_ = 	snop  }
0x6: {  	_ = 	snop  }
0x7: {  	_ = 	snop  }
__scs_overlays_trampoline_lowered:
0x8: {  	[smem:$0x3FA6] =	sst s0  }
0x9: {  	[smem:$0x3FA7] =	sst s1  }
0xa: {  	[smem:$0x3FA8] =	sst s2  }
0xb: {  	[smem:$0x3FA9] =	sst s3  }
0xc: {  	[smem:$0x3FAA] =	sst s4  }
0xd: {  	[smem:$0x3FAB] =	sst s5  }
0xe: {  	[smem:$0x3FAC] =	sst s6  }
0xf: {  	[smem:$0x3FAD] =	sst s7  }
0x10: {  	[smem:$0x3FAE] =	sst s8  }
0x11: {  	[smem:$0x3FAF] =	sst s9;
	s0 =	simm.s32 @!p0 $0x0  }
0x12: {  	s1 =	sld [smem:$0x3F95];
	s0 =	simm.s32 @p0 $0x1  }
0x13: {  	[smem:$0x3FB0] =	sst s0;
	s0 =	simm.s32 @!p1 $0x0  }
0x14: {  	s2 =	sld [smem:$0x3F94];
	s0 =	simm.s32 @p1 $0x1  }
0x15: {  	[smem:$0x3FB1] =	sst s0;
	s0 =	simm.s32 @!p2 $0x0  }
0x16: {  	s3 =	sld [smem:$0x3FDB];
	s0 =	simm.s32 @p2 $0x1  }
0x17: {  	s4 =	simm.s32 $0x1BF5;
	[smem:$0x3FB3] =	sst s0  }
0x18: {  	s0 =	sld [smem:$0x3F96];
	_ =	swait.ge [sflag:s4], $0x0  }
0x19: {  	s7 =	sld [smem:$0x3F97]  }
0x1a: {  	s8 =	sadd.s32 $0xFFFFE003, lr  }
0x1b: {  	s9 =	sadd.s32 $0xFFFFFEF7, lr;
	s5 =	simm.s32 $0xFFFFFFFF;
	p2 =	slt.u32 s8, $0xFFFFF086  }
0x1c: {  	p1 =	slt.u32 s9, $0xF7A;
	s5 =	simm.s32 @!p2 $0x0  }
0x1d: {  	s5 =	simm.s32 @p1 $0x1;
	p0 =	seq.s32 s7, s2  }
0x1e: {  	s7 =	smul.u32 @!p0 $0xF7A, s2;
	p2 =	seq.s32 @!p0 s5, $0x0  }
0x1f: {  	s9 =	smul.u32 $0xF7A, s1;
	s8 =	simm.s32 @!p0 $0x1BF5;
	p2 =	por !p2, p0  }
0x20: {  	[sflag:s8] =	ssyncset.s32 @!p0 $0xFFFFF086;
	s6 =	sadd.s32 @!p0 s3, s7;
	s7 =	simm.s32 @!p0 $0x108  }
0x21: {  	s3 =	sadd.s32 s3, s9;
	s6 =	sadd.s32 @!p0 $0x88, s6;
	s7 =	simm.s32 @p2 $0x1082  }
0x22: {  	[simem:s7], [sflag:s8] =	dma.local @!p0 [hbm:s6], $0xF7A  }
0x23: {  	s9 =	sor.u32 $0xD0000000, s2;
	s6 =	simm.s32 $0x108;
	_ =	swait.ge @!p0 [sflag:s8], $0x0  }
0x24: {  	s3 =	sadd.s32 $0x88, s3;
	s6 =	simm.s32 @!p1 $0x1082;
	[sflag:s4] =	ssyncset.s32 $0xFFFFF086  }
0x25: {  	[simem:s6], [sflag:s4] =	dma.local [hbm:s3], $0xF7A  }
0x26: {  	[smem:$0x3F97] =	sst s1;
	(tag) =	ssettag s2;
	_ =	strace s9  }
0x27: {  	s1 =	sld [smem:$0x3FA7]  }
0x28: {  	s2 =	sld [smem:$0x3FA8]  }
0x29: {  	s4 =	sld [smem:$0x3FAA]  }
0x2a: {  	p0 =	seq.s32 s5, $0x0;
	s5 =	sld [smem:$0x3FAB]  }
0x2b: {  	s6 =	sld [smem:$0x3FAC]  }
0x2c: {  	s7 =	sld [smem:$0x3FAD]  }
0x2d: {  	s3 =	simm.s32 $0x108;
	s8 =	sld [smem:$0x3FAE]  }
0x2e: {  	s3 =	simm.s32 @!p0 $0x1082;
	s9 =	sld [smem:$0x3FAF]  }
0x2f: {  	lr =	sadd.s32 s0, s3;
	s0 =	sld [smem:$0x3FA6]  }
0x30: {  	s3 =	sld [smem:$0x3FA9]  }
0x31: {  	[smem:$0x3FB2] =	sst s10  }
0x32: {  	s10 =	sld [smem:$0x3FB0];
	_ =	sdelay $0x3  }
0x33: {  	p0 =	seq.s32 s10, $0x1;
	s10 =	sld [smem:$0x3FB2];
	_ =	sdelay $0x3  }
0x34: {  	[smem:$0x3FB2] =	sst s10  }
0x35: {  	s10 =	sld [smem:$0x3FB1];
	_ =	sdelay $0x3  }
0x36: {  	p1 =	seq.s32 s10, $0x1;
	s10 =	sld [smem:$0x3FB2];
	_ =	sdelay $0x3  }
0x37: {  	[smem:$0x3FB2] =	sst s10  }
0x38: {  	s10 =	sld [smem:$0x3FB3]  }
0x39: {  	_ = 	snop;
	(pc) =	sbr.ind lr, $3  }
0x3a: {  	_ = 	snop  }
0x3b: {  	_ = 	snop  }
0x3c: {  	p2 =	seq.s32 s10, $0x1;
	s10 =	sld [smem:$0x3FB2]  }
0x3d: {  	_ =	shalt  }
0x3e: {  	_ =	shalt  }
0x3f: {  	_ =	shalt  }
0x40: {  	_ =	shalt  }
0x41: {  	_ =	shalt  }
0x42: {  	_ =	shalt  }
0x43: {  	_ =	shalt  }
0x44: {  	_ =	shalt  }
0x45: {  	_ =	shalt  }
0x46: {  	_ =	shalt  }
0x47: {  	_ =	shalt  }
0x48: {  	_ =	shalt  }
0x49: {  	_ =	shalt  }
0x4a: {  	_ =	shalt  }
0x4b: {  	_ =	shalt  }
0x4c: {  	_ =	shalt  }
0x4d: {  	_ =	shalt  }
0x4e: {  	_ =	shalt  }
0x4f: {  	_ =	shalt  }
0x50: {  	_ =	shalt  }
0x51: {  	_ =	shalt  }
0x52: {  	_ =	shalt  }
0x53: {  	_ =	shalt  }
0x54: {  	_ =	shalt  }
0x55: {  	_ =	shalt  }
0x56: {  	_ =	shalt  }
0x57: {  	_ =	shalt  }
0x58: {  	_ =	shalt  }
0x59: {  	_ =	shalt  }
0x5a: {  	_ =	shalt  }
0x5b: {  	_ =	shalt  }
0x5c: {  	_ =	shalt  }
0x5d: {  	_ =	shalt  }
0x5e: {  	_ =	shalt  }
0x5f: {  	_ =	shalt  }
0x60: {  	_ =	shalt  }
0x61: {  	_ =	shalt  }
0x62: {  	_ =	shalt  }
0x63: {  	_ =	shalt  }
0x64: {  	_ =	shalt  }
0x65: {  	_ =	shalt  }
0x66: {  	_ =	shalt  }
0x67: {  	_ =	shalt  }
0x68: {  	_ =	shalt  }
0x69: {  	_ =	shalt  }
0x6a: {  	_ =	shalt  }
0x6b: {  	_ =	shalt  }
0x6c: {  	_ =	shalt  }
0x6d: {  	_ =	shalt  }
0x6e: {  	_ =	shalt  }
0x6f: {  	_ =	shalt  }
0x70: {  	_ =	shalt  }
0x71: {  	_ =	shalt  }
0x72: {  	_ =	shalt  }
0x73: {  	_ =	shalt  }
0x74: {  	_ =	shalt  }
0x75: {  	_ =	shalt  }
0x76: {  	_ =	shalt  }
0x77: {  	_ =	shalt  }
0x78: {  	_ =	shalt  }
0x79: {  	_ =	shalt  }
0x7a: {  	_ =	shalt  }
0x7b: {  	_ =	shalt  }
0x7c: {  	_ =	shalt  }
0x7d: {  	_ =	shalt  }
0x7e: {  	_ =	shalt  }
0x7f: {  	_ =	shalt  }
0x80: {  	_ =	shalt  }
0x81: {  	_ =	shalt  }
0x82: {  	_ =	shalt  }
0x83: {  	_ =	shalt  }
0x84: {  	_ =	shalt  }
0x85: {  	_ =	shalt  }
0x86: {  	_ =	shalt  }
0x87: {  	_ =	shalt  }
.Lfunc_end0:
.L_simem_size_0:
called_computation_lowered:
.L_overlay_start_0:
0x88: {  	s2 =	sld [smem:$0x3FD9]  }
0x89: {  	s3 =	sld [smem:$0x3FFE];
	_ =	sdelay $0x1  }
0x8a: {  	s1 =	srdreg.scid  }
0x8b: {  	s0 =	sand.u32 $0x1, s1  }
0x8c: {  	s17 =	sshll.u32 s0, $0xA;
	s2 =	sadd.s32 s3, s2  }
0x8d: {  	s2 =	sadd.s32 s2, s17  }
0x8e: {  	[smem:$0x3FBE] =	sst s2  }
0x8f: {  	_ = 	snop  }
0x90: {  	s2 =	sld [smem:$0x3FC1]  }
0x91: {  	s18 =	sld [smem:$0x3FC0]  }
0x92: {  	s4 =	sld [smem:$0x3FD0];
	(tm) =	ssettm $0x1  }
0x93: {  	s5 =	sld [smem:$0x3FFB];
	_ =	sdelay $0x3  }
0x94: {  	_ =	strace s5  }
0x95: {  	s5 =	sld [smem:$0x3FFC];
	_ =	sdelay $0x3  }
0x96: {  	_ =	strace s5  }
0x97: {  	s5 =	sld [smem:$0x3FFD];
	_ =	sdelay $0x3  }
0x98: {  	_ =	strace s5  }
0x99: {  	_ =	strace $0x8FFFFFFF  }
0x9a: {  	s19 =	sld [smem:$0x3FDB];
	_ =	sdelay $0x1  }
0x9b: {  	s6 =	simm.s32 $_scs_section_size  }
0x9c: {  	s7 =	simm.s32 $_size__tile_overlayer_lowered;
	s8 =	simm.s32 $_tile_overlayer_lowered  }
0x9d: {  	s22 =	simm.s32 $0x1BFF;
	s21 =	sshll.u32 s8, $0x1;
	s5 =	sadd.s32 s6, s19  }
0x9e: {  	s9 =	simm.s32 $0x0;
	s20 =	sshll.u32 s7, $0x1;
	s7 =	sadd.s32 s21, s5  }
0x9f: {  	[timem:s9], [sflag:s22] =	dma.local [hbm:s7], s20  }
0xa0: {  	_ =	swait.ge [sflag:s22], s20  }
0xa1: {  	s6 =	ssub.s32 $0x0, s20;
	[sflag:s22] =	ssyncset.done $0x0  }
0xa2: {  	[sflag:s22] =	ssyncadd.s32 s6;
	_ =	sdelay $0x1  }
0xa3: {  	s23 =	simm.s32 $0x1B8B  }
0xa4: {  	_ =	swait.ge [sflag:s23], $0x1  }
0xa5: {  	[sflag:s23] =	ssyncset.done $0x0  }
0xa6: {  	s25 =	simm.s32 $0x1B8E;
	s24 =	sld [smem:$0x3FFE];
	[sflag:s23] =	ssyncadd.s32 $0xFFFFFFFF  }
0xa7: {  	s26 =	simm.s32 $execute0_lowered;
	[smem:$0x3FD2] =	sst s25  }
0xa8: {  	s7 =	sshll.u32 s26, $0x1;
	_ =	strace $0x80000046;
	[dreg:$0x1] =	wrdreg $0xFFFFFFFF  }
0xa9: {  	s28 =	simm.s32 $_size_execute0_lowered;
	s5 =	sadd.s32 s5, s7;
	[dreg:$0x0] =	wrdreg $0x0  }
0xaa: {  	s7 =	sshll.u32 s28, $0x1;
	[dreg:$0x2] =	wrdreg s5  }
0xab: {  	[dreg:$0x3] =	wrdreg s7  }
0xac: {  	[dreg:$0x4] =	wrdreg $0xC0  }
0xad: {  	_ =	task [dreg:s9], $0x5FFFF  }
0xae: {  	[dreg:$0x1] =	wrdreg $0xFFFFFFFF  }
0xaf: {  	[dreg:$0x0] =	wrdreg $0x60  }
0xb0: {  	[dreg:$0x2] =	wrdreg s24  }
0xb1: {  	[dreg:$0x3] =	wrdreg s4  }
0xb2: {  	[dreg:$0x4] =	wrdreg s2  }
0xb3: {  	[dreg:$0x5] =	wrdreg s18  }
0xb4: {  	[dreg:$0x6] =	wrdreg $0x9  }
0xb5: {  	_ =	task.clear_ibuf [dreg:s9], $0x7FFFF;
	_ =	strace $0x90000046  }
0xb6: {  	s29 =	simm.s32 $0x9;
	_ =	strace $0x80000048  }
0xb7: {  	_ =	swait.ge [sflag:s29], $0x1  }
0xb8: {  	[sflag:s29] =	ssyncadd.s32 $0xFFFFFFFF  }
0xb9: {  	_ =	strace $0x90000048  }
0xba: {  	_ =	sfence  }
0xbb: {  	s30 =	sld [smem:$0x0];
	_ =	sdelay $0x2  }
0xbc: {  	s31 =	sshll.u32 s1, $0xD;
	s1 =	sshrl.u32 s1, $0x2  }
0xbd: {  	s3 =	sand.u32 $0x4000, s31;
	s1 =	sadd.s32 s1, s30  }
0xbe: {  	s0 =	sor.u32 s3, s0;
	s1 =	sshll.u32 s1, $0x11  }
0xbf: {  	s0 =	sor.u32 s1, s0  }
0xc0: {  	s0 =	sadd.s32 $0x8F2B, s0  }
0xc1: {  	[sflag:s0] =	ssyncadd.remote.s32 $0x1  }
0xc2: {  	_ =	sfence.sel $0xFFFF  }
0xc3: {  	[dreg:$0x0] =	wrdreg $0xFFFFFFFF;
	(pc) =	sbr.abs _section_cstart, $3  }
0xc4: {  	[dreg:$0x1] =	wrdreg $0xFFFFFFFF  }
0xc5: {  	_ =	task.clear_ibuf [dreg:s9], $0x2FFFF;
	_ =	strace $0x9FFFFFFF  }
0xc6: {  	(tm) =	ssettm $0x7FFFFFFF  }
0xc7: {  	_ =	shalt  }
tec
execute0_lowered:
.L_overlay_start_1:
0x0: {  	(tag) =	ssettag $0x1  }
0x1: {  	s0 =	rddreg [dreg:$0x0]  }
0x2: {  	s1 =	rddreg [dreg:$0x1];
	s2 =	srdreg.scid  }
0x3: {  	s5 =	simm.s32 $0x0;
	s3 =	stileid.u32;
	s2 =	sand.u32 $0x1, s2  }
0x4: {  	[smem:$0x7FF] =	sst s5;
	s3 =	sshll.u32 s3, $0x7;
	s4 =	sshll.u32 s2, $0x6  }
0x5: {  	s7 =	sadd.s32 $0x1400, s0;
	s0 =	sadd.s32 $0x3C00, s0;
	s3 =	sor.u32 s4, s3  }
0x6: {  	s6 =	sadd.s32 s7, s3;
	s24 =	sor.u32 $0x20, s3;
	s3 =	sadd.s32 s0, s3  }
0x7: {  	_ =	strace $0x80000047;
	[dreg:$0xa] =	wrdreg s3  }
0x8: {  	s20 =	sadd.s32 $0x800, s6;
	[dreg:$0x5] =	wrdreg s6  }
0x9: {  	s21 =	sadd.s32 $0x1000, s6;
	[dreg:$0x6] =	wrdreg s20  }
0xa: {  	s22 =	sadd.s32 $0x1800, s6;
	[dreg:$0x7] =	wrdreg s21  }
0xb: {  	s23 =	sadd.s32 $0x2000, s6;
	[dreg:$0x8] =	wrdreg s22  }
0xc: {  	s25 =	sadd.s32 s7, s24;
	[dreg:$0x9] =	wrdreg s23  }
0xd: {  	s2 =	ssub.s32 $0x2, s2;
	s26 =	sadd.s32 $0x820, s6;
	[dreg:$0xb] =	wrdreg s25  }
0xe: {  	v0 =	vlaneseq.u32;
	s19 =	sshrl.u32 s2, $0x1;
	s28 =	sadd.s32 $0x1020, s6;
	[dreg:$0xc] =	wrdreg s26  }
0xf: {  	v0 =	vmul.u32 $0x100, v0;
	s4 =	simm.s32 $0x14500;
	s29 =	sadd.s32 $0x1820, s6;
	[dreg:$0xd] =	wrdreg s28  }
0x10: {  	s2 =	ssub.s32 s2, s19;
	s30 =	sadd.s32 $0x2020, s6;
	[dreg:$0xe] =	wrdreg s29  }
0x11: {  	v1 =	vor.u32 $0x1000, v0;
	[tilespmem:$0x1FFE0] =	vst v0;
	s0 =	sadd.s32 s0, s24;
	s31 =	smax.u32 s2, $0x1;
	[dreg:$0xf] =	wrdreg s30  }
0x12: {  	v63 =	vor.u32 $0x2000, v0;
	[tilespmem:$0x1FFC0] =	vst v1;
	s24 =	simm.s32 $0x300;
	s3 =	simm.s32 $0x0;
	[dreg:$0x10] =	wrdreg s0  }
0x13: {  	v0 =	vor.u32 $0x3000, v0;
	[tilespmem:$0x1FFD0] =	vst v63;
	[dreg:$0x11] =	wrdreg s31;
	s20 =	simm.s32 $0x2;
	s22 =	simm.s32 $0x100  }
0x14: {  	[tilespmem:$0x1FFF0] =	vst v0;
	s23 =	simm.s32 $0x200;
	s25 =	simm.s32 $0x400;
	s0 =	simm.s32 $0x1  }
.LBB2_1:
0x15: {  	s2 =	rddreg [dreg:$0x2];
	s6 =	simm.s32 $0x18500  }
0x16: {  	[tilespmem:s6], [sflag:$0x2] =	stream.linear.gather [hbm4b:s2+s5], $0x40, $0x38;
	[tilespmem:$0x18580] =	vst v63  }
0x17: {  	_ =	swait.ge [sflag:s20], $0x40  }
0x18: {  	[sflag:s20] =	ssyncset.done $0x0  }
0x19: {  	[sflag:s20] =	ssyncadd.s32 $0xFFFFFFC0  }
0x1a: {  	s10 =	simm.s32 $0x18540;
	s9 =	rddreg [dreg:$0x3]  }
0x1b: {  	[tilespmem:s10], [sflag:$0x2] =	stream.linear.gather [hbm4b:s9+s5], $0x40, $0x38;
	[tilespmem:$0x18580] =	vst v63  }
0x1c: {  	_ =	swait.ge [sflag:s20], $0x40  }
0x1d: {  	[sflag:s20] =	ssyncset.done $0x0  }
0x1e: {  	[sflag:s20] =	ssyncadd.s32 $0xFFFFFFC0  }
0x1f: {  	v10 =	vld [tilespmem:$0x18500]  }
0x20: {  	v9 =	vld [tilespmem:$0x18510]  }
0x21: {  	v8 =	vld [tilespmem:$0x18520]  }
0x22: {  	v7 =	vld [tilespmem:$0x18530]  }
0x23: {  	v5 =	vld [tilespmem:$0x18540]  }
0x24: {  	v4 =	vld [tilespmem:$0x18550]  }
0x25: {  	s11 =	rddreg [dreg:$0x5];
	v3 =	vld [tilespmem:$0x18560]  }
0x26: {  	v2 =	vld [tilespmem:$0x18570];
	[tilespmem:s5], [sflag:$0x2] =	stream.linear.gather [hbm4b:s11+s5], $0x100, $0x38  }
0x27: {  	[tilespmem:$0x1FF80] =	vst v8  }
0x28: {  	[tilespmem:$0x1FFB0] =	vst v7  }
0x29: {  	_ =	swait.ge [sflag:s20], $0x100  }
0x2a: {  	[sflag:s20] =	ssyncset.done $0x0  }
0x2b: {  	s12 =	rddreg [dreg:$0x6];
	[sflag:s20] =	ssyncadd.s32 $0xFFFFFF00  }
0x2c: {  	[tilespmem:s22], [sflag:$0x2] =	stream.linear.gather [hbm4b:s12+s5], $0x100, $0x38;
	[tilespmem:$0x18580] =	vst v63  }
0x2d: {  	_ =	swait.ge [sflag:s20], $0x100  }
0x2e: {  	[sflag:s20] =	ssyncset.done $0x0  }
0x2f: {  	s13 =	rddreg [dreg:$0x7];
	[sflag:s20] =	ssyncadd.s32 $0xFFFFFF00  }
0x30: {  	[tilespmem:s23], [sflag:$0x2] =	stream.linear.gather [hbm4b:s13+s5], $0x100, $0x38;
	[tilespmem:$0x18580] =	vst v63  }
0x31: {  	_ =	swait.ge [sflag:s20], $0x100  }
0x32: {  	[sflag:s20] =	ssyncset.done $0x0  }
0x33: {  	s14 =	rddreg [dreg:$0x8];
	[sflag:s20] =	ssyncadd.s32 $0xFFFFFF00  }
0x34: {  	[tilespmem:s24], [sflag:$0x2] =	stream.linear.gather [hbm4b:s14+s5], $0x100, $0x38;
	[tilespmem:$0x18580] =	vst v63  }
0x35: {  	_ =	swait.ge [sflag:s20], $0x100  }
0x36: {  	[sflag:s20] =	ssyncset.done $0x0  }
0x37: {  	s15 =	rddreg [dreg:$0x9];
	[sflag:s20] =	ssyncadd.s32 $0xFFFFFF00  }
0x38: {  	[tilespmem:s25], [sflag:$0x2] =	stream.linear.gather [hbm4b:s15+s5], $0x100, $0x38;
	[tilespmem:$0x18580] =	vst v63  }
0x39: {  	_ =	swait.ge [sflag:s20], $0x100  }
0x3a: {  	[sflag:s20] =	ssyncset.done $0x0  }
0x3b: {  	s16 =	simm.s32 $0x500;
	[sflag:s20] =	ssyncadd.s32 $0xFFFFFF00  }
0x3c: {  	[tilespmem:s16], [sflag:$0x1] =	stream.indirect.gather [hbm4b:s1+s22], $0x40, s5, s22, $0xb8;
	[tilespmem:$0x18580] =	vst v63  }
0x3d: {  	s17 =	simm.s32 $0x4500  }
0x3e: {  	[tilespmem:s17], [sflag:$0x1] =	stream.indirect.gather [hbm4b:s1+s22], $0x40, s22, s22, $0xb8;
	[tilespmem:$0x18580] =	vst v63  }
0x3f: {  	s18 =	simm.s32 $0x8500  }
0x40: {  	[tilespmem:s18], [sflag:$0x1] =	stream.indirect.gather [hbm4b:s1+s22], $0x40, s23, s22, $0xb8;
	[tilespmem:$0x18580] =	vst v63  }
0x41: {  	s19 =	simm.s32 $0xC500  }
0x42: {  	[tilespmem:s19], [sflag:$0x1] =	stream.indirect.gather [hbm4b:s1+s22], $0x40, s24, s22, $0xb8;
	[tilespmem:$0x18580] =	vst v63  }
0x43: {  	s21 =	simm.s32 $0x10500  }
0x44: {  	[tilespmem:s21], [sflag:$0x1] =	stream.indirect.gather [hbm4b:s1+s22], $0x40, s25, s22, $0xb8;
	[tilespmem:$0x18580] =	vst v63  }
0x45: {  	_ =	swait.ge [sflag:s0], $0x4000  }
0x46: {  	[sflag:s0] =	ssyncset.done $0x0  }
0x47: {  	[sflag:s0] =	ssyncadd.s32 $0xFFFFC000  }
0x48: {  	_ =	swait.ge [sflag:s0], $0x4000  }
0x49: {  	[sflag:s0] =	ssyncset.done $0x0  }
0x4a: {  	[sflag:s0] =	ssyncadd.s32 $0xFFFFC000  }
0x4b: {  	_ =	swait.ge [sflag:s0], $0x4000  }
0x4c: {  	[sflag:s0] =	ssyncset.done $0x0  }
0x4d: {  	[sflag:s0] =	ssyncadd.s32 $0xFFFFC000  }
0x4e: {  	_ =	swait.ge [sflag:s0], $0x4000  }
0x4f: {  	[sflag:s0] =	ssyncset.done $0x0  }
0x50: {  	[sflag:s0] =	ssyncadd.s32 $0xFFFFC000  }
0x51: {  	_ =	swait.ge [sflag:s0], $0x4000  }
0x52: {  	[sflag:s0] =	ssyncset.done $0x0  }
0x53: {  	s23 =	simm.s32 $0x105F0;
	[sflag:s0] =	ssyncadd.s32 $0xFFFFC000  }
0x54: {  	v0 =	vld [tilespmem:s23+$0xFFFFFFD0]  }
0x55: {  	v1 =	vld [tilespmem:s23+$0xFFFFFFE0]  }
0x56: {  	v12 =	vld [tilespmem:s23+$0xFFFFBFD0]  }
0x57: {  	v13 =	vld [tilespmem:s23+$0xFFFFBFE0]  }
0x58: {  	v14 =	vld [tilespmem:s23+$0xFFFEFFD0]  }
0x59: {  	v15 =	vld [tilespmem:s23+$0xFFFF3FD0]  }
0x5a: {  	v16 =	vld [tilespmem:s23+$0xFFFEFFE0]  }
0x5b: {  	v17 =	vld [tilespmem:s23+$0xFFFF3FE0]  }
0x5c: {  	v18 =	vld [tilespmem:s23+$0xFFFEFFF0]  }
0x5d: {  	v19 =	vld [tilespmem:s23+$0xFFFF3FF0]  }
0x5e: {  	v20 =	vld [tilespmem:s23+$0xFFFF0000]  }
0x5f: {  	v21 =	vld [tilespmem:s23+$0xFFFF4000]  }
0x60: {  	v22 =	vld [tilespmem:s23+$0xFFFF7FD0]  }
0x61: {  	v23 =	vld [tilespmem:s23+$0xFFFF7FE0]  }
0x62: {  	v24 =	vld [tilespmem:s23+$0xFFFF7FF0]  }
0x63: {  	v25 =	vld [tilespmem:s23+$0xFFFF8000]  }
0x64: {  	v26 =	vld [tilespmem:s23+$0xFFFFBFF0]  }
0x65: {  	v27 =	vld [tilespmem:s23+$0xFFFFC000]  }
0x66: {  	v28 =	vld [tilespmem:s23+$0xFFFFFFF0]  }
0x67: {  	v29 =	vld [tilespmem:s23+$0x0]  }
0x68: {  	v30 =	vld [tilespmem:s23+$0xFFFF3F10]  }
0x69: {  	v31 =	vld [tilespmem:s23+$0xFFFEFF20]  }
0x6a: {  	v32 =	vld [tilespmem:s23+$0xFFFF3F20]  }
0x6b: {  	v33 =	vld [tilespmem:s23+$0xFFFEFF30]  }
0x6c: {  	v34 =	vld [tilespmem:s23+$0xFFFF3F30]  }
0x6d: {  	v35 =	vld [tilespmem:s23+$0xFFFEFF40]  }
0x6e: {  	v36 =	vld [tilespmem:s23+$0xFFFF3F40]  }
0x6f: {  	v37 =	vld [tilespmem:s23+$0xFFFEFF50]  }
0x70: {  	v38 =	vld [tilespmem:s23+$0xFFFF3F50]  }
0x71: {  	v39 =	vld [tilespmem:s23+$0xFFFEFF60]  }
0x72: {  	v40 =	vld [tilespmem:s23+$0xFFFF3F60]  }
0x73: {  	v41 =	vld [tilespmem:s23+$0xFFFEFF70]  }
0x74: {  	v42 =	vld [tilespmem:s23+$0xFFFF3F70]  }
0x75: {  	v43 =	vld [tilespmem:s23+$0xFFFEFF80]  }
0x76: {  	v44 =	vld [tilespmem:s23+$0xFFFF3F80]  }
0x77: {  	v45 =	vld [tilespmem:s23+$0xFFFEFF90]  }
0x78: {  	v46 =	vld [tilespmem:s23+$0xFFFF3F90]  }
0x79: {  	v47 =	vld [tilespmem:s23+$0xFFFEFFA0]  }
0x7a: {  	v48 =	vld [tilespmem:s23+$0xFFFF3FA0]  }
0x7b: {  	v49 =	vld [tilespmem:s23+$0xFFFEFFB0]  }
0x7c: {  	v50 =	vld [tilespmem:s23+$0xFFFF3FB0]  }
0x7d: {  	v51 =	vld [tilespmem:s23+$0xFFFEFFC0]  }
0x7e: {  	v52 =	vld [tilespmem:s23+$0xFFFF3FC0]  }
0x7f: {  	v53 =	vld [tilespmem:s23+$0xFFFF7FA0]  }
0x80: {  	v54 =	vld [tilespmem:s23+$0xFFFFBF50]  }
0x81: {  	v55 =	vld [tilespmem:s23+$0xFFFFBF60]  }
0x82: {  	v56 =	vld [tilespmem:s23+$0xFFFFBF70]  }
0x83: {  	v58 =	vld [tilespmem:s23+$0xFFFFFF20]  }
0x84: {  	v14 =	vadd.f32 v15, v14;
	v15 =	vadd.f32 v17, v16;
	v16 =	vld [tilespmem:s23+$0xFFFEFF10]  }
0x85: {  	v17 =	vadd.f32 v19, v18;
	v19 =	vld [tilespmem:s23+$0xFFFF7F10]  }
0x86: {  	v18 =	vadd.f32 v21, v20;
	v20 =	vld [tilespmem:s23+$0xFFFF7F20]  }
0x87: {  	v21 =	vld [tilespmem:s23+$0xFFFF7F30]  }
0x88: {  	v31 =	vadd.f32 v32, v31;
	v32 =	vld [tilespmem:s23+$0xFFFFBF80]  }
0x89: {  	v33 =	vadd.f32 v34, v33;
	v34 =	vadd.f32 v36, v35;
	v35 =	vld [tilespmem:s23+$0xFFFFBF90]  }
0x8a: {  	v60 =	vadd.f32 v38, v37;
	v38 =	vld [tilespmem:s23+$0xFFFFBFA0]  }
0x8b: {  	v61 =	vadd.f32 v42, v41;
	v41 =	vld [tilespmem:s23+$0xFFFFBFB0]  }
0x8c: {  	v6 =	vadd.f32 v46, v45;
	v45 =	vld [tilespmem:s23+$0xFFFFBFC0]  }
0x8d: {  	s19 =	simm.s32 $0x106F0;
	v37 =	vadd.f32 v40, v39;
	v59 =	vadd.f32 v52, v51;
	v52 =	vld [tilespmem:s23+$0xFFFFFFC0]  }
0x8e: {  	v62 =	vadd.f32 v44, v43;
	v11 =	vadd.f32 v48, v47;
	v43 =	vld [tilespmem:s19+$0xFFFFFFD0]  }
0x8f: {  	v57 =	vadd.f32 v50, v49;
	v36 =	vld [tilespmem:s19+$0xFFFF3FE0];
	v14 =	vadd.f32 v22, v14  }
0x90: {  	v47 =	vld [tilespmem:s19+$0xFFFEFFF0];
	v15 =	vadd.f32 v23, v15;
	v17 =	vadd.f32 v24, v17  }
0x91: {  	v18 =	vadd.f32 v25, v18;
	v22 =	vld [tilespmem:s23+$0xFFFF7F40];
	v12 =	vadd.f32 v12, v14  }
0x92: {  	v24 =	vld [tilespmem:s23+$0xFFFF7F80];
	v13 =	vadd.f32 v13, v15;
	v14 =	vadd.f32 v26, v17  }
0x93: {  	v17 =	vadd.f32 v27, v18;
	v18 =	vld [tilespmem:s23+$0xFFFF7F50];
	v16 =	vadd.f32 v30, v16  }
0x94: {  	v27 =	vld [tilespmem:s23+$0xFFFF7F90];
	v15 =	vadd.f32 v0, v12;
	v13 =	vadd.f32 v1, v13  }
0x95: {  	v30 =	vld [tilespmem:s23+$0xFFFFFF10];
	v14 =	vadd.f32 v28, v14;
	v12 =	vadd.f32 v29, v17  }
0x96: {  	v20 =	vadd.f32 v20, v31;
	v31 =	vld [tilespmem:s23+$0xFFFFFF40];
	v17 =	vmul.f32 v15, v15;
	v23 =	vmul.f32 v13, v13  }
0x97: {  	v21 =	vadd.f32 v21, v33;
	v1 =	vld [tilespmem:s23+$0xFFFF7F70];
	v25 =	vmul.f32 v14, v14;
	v26 =	vmul.f32 v12, v12  }
0x98: {  	v0 =	vld [tilespmem:s23+$0xFFFF7F60];
	v28 =	vadd.f32 v13, v15;
	v29 =	vadd.f32 v12, v14  }
0x99: {  	v17 =	vadd.f32 v23, v17;
	v23 =	vadd.f32 v26, v25;
	v25 =	vld [tilespmem:s23+$0xFFFF7FB0]  }
0x9a: {  	v16 =	vadd.f32 v19, v16;
	v26 =	vadd.f32 v29, v28;
	v28 =	vld [tilespmem:s23+$0xFFFF7FC0]  }
0x9b: {  	v22 =	vadd.f32 v22, v34;
	v24 =	vadd.f32 v24, v62;
	v29 =	vld [tilespmem:s23+$0xFFFFBF40]  }
0x9c: {  	v27 =	vadd.f32 v27, v6;
	v1 =	vadd.f32 v1, v61;
	v61 =	vld [tilespmem:s23+$0xFFFFFF60]  }
0x9d: {  	v0 =	vadd.f32 v0, v37;
	v17 =	vadd.f32 v23, v17;
	v23 =	vld [tilespmem:s23+$0xFFFFBF10]  }
0x9e: {  	v18 =	vadd.f32 v18, v60;
	v32 =	vadd.f32 v32, v24;
	(xrf2) =	vadd.scan.msk.f32 $0xffff, v26;
	v26 =	vld [tilespmem:s23+$0xFFFFBF20]  }
0x9f: {  	v19 =	vld [tilespmem:s23+$0xFFFFFF30];
	v35 =	vadd.f32 v35, v27;
	v0 =	vadd.f32 v55, v0  }
0xa0: {  	v1 =	vadd.f32 v56, v1;
	(xrf2) =	vadd.scan.msk.f32 $0xffff, v17;
	v17 =	vld [tilespmem:s23+$0xFFFFBF30];
	v25 =	vadd.f32 v25, v57  }
0xa1: {  	v60 =	vld [tilespmem:s23+$0xFFFFFF50];
	v28 =	vadd.f32 v28, v59;
	v22 =	vadd.f32 v29, v22  }
0xa2: {  	v62 =	vld [tilespmem:s23+$0xFFFFFF70];
	v24 =	vadd.f32 v61, v0;
	v16 =	vadd.f32 v23, v16  }
0xa3: {  	v40 =	vld [tilespmem:s19+$0xFFFF4000];
	v20 =	vadd.f32 v26, v20;
	v26 =	vadd.f32 v54, v18  }
0xa4: {  	v0 =	vld [tilespmem:s19+$0xFFFEFFE0];
	v54 =	vadd.f32 v45, v28;
	v28 =	vadd.f32 v31, v22  }
0xa5: {  	v6 =	vld [tilespmem:s23+$0xFFFFFF80];
	v17 =	vadd.f32 v17, v21;
	v18 =	vadd.f32 v30, v16  }
0xa6: {  	v31 =	vld [tilespmem:s19+$0xFFFEFFD0];
	v16 =	vadd.f32 v58, v20;
	v27 =	vadd.f32 v60, v26  }
0xa7: {  	v29 =	vadd.f32 v62, v1;
	v26 =	vld [tilespmem:s19+$0xFFFF3FD0];
	v17 =	vadd.f32 v19, v17  }
0xa8: {  	v23 =	vld [tilespmem:s23+$0xFFFFFF90];
	v59 =	vmul.f32 v24, v24;
	v22 =	vadd.f32 v16, v18;
	v58 =	vadd.f32 v24, v27;
	v63, _, _ =	vpop (xrf2)  }
0xa9: {  	v21 =	vld [tilespmem:s23+$0xFFFFFFA0];
	v1 =	vmul.f32 v27, v27;
	v0 =	vadd.f32 v36, v0;
	(v2sf) =	vpush v63, $0xF  }
0xaa: {  	v30 =	vld [tilespmem:s19+$0xFFFFBFD0];
	v20 =	vmul.f32 v18, v18;
	v63 =	vadd.f32 v53, v11;
	v53 =	vadd.f32 v41, v25  }
0xab: {  	v19 =	vld [tilespmem:s19+$0xFFFFBFE0];
	v25 =	vmul.f32 v16, v16;
	v56 =	vadd.f32 v28, v17;
	v1 =	vadd.f32 v59, v1;
	v48, _, _ =	vpop (xrf2)  }
0xac: {  	v11 =	vld [tilespmem:s23+$0xFFFFFFB0];
	v26 =	vadd.f32 v26, v31;
	(v2sf) =	vpush v48, $0xF  }
0xad: {  	v57 =	vmul.f32 v28, v28;
	v41 =	vld [tilespmem:s19+$0xFFFFFFE0];
	v34 =	vadd.f32 v25, v20;
	v25 =	vadd.f32 v6, v32  }
0xae: {  	v55 =	vmul.f32 v17, v17;
	v37 =	vadd.f32 v38, v63;
	v20 =	vadd.f32 v23, v35;
	v35 =	vld [tilespmem:s19+$0xFFFF3FF0]  }
0xaf: {  	v48 =	vadd.f32 v56, v22;
	v56 =	vld [tilespmem:s19+$0xFFFF7FD0];
	v61 =	vadd.f32 v25, v29  }
0xb0: {  	v60 =	vmul.f32 v29, v29;
	v45 =	vadd.f32 v57, v55;
	v21 =	vadd.f32 v21, v37;
	v37 =	vld [tilespmem:s19+$0xFFFF0000]  }
0xb1: {  	v23 =	vadd.f32 v52, v54;
	v62 =	vmul.f32 v25, v25;
	v49 =	vadd.f32 v61, v58;
	v58 =	vld [tilespmem:s19+$0xFFFF7FE0]  }
0xb2: {  	v63 =	vmul.f32 v20, v20;
	v45 =	vadd.f32 v45, v34;
	v22 =	vadd.f32 v11, v53;
	v61 =	vld [tilespmem:s19+$0xFFFF7FF0]  }
0xb3: {  	v6 =	vadd.f32 v21, v20;
	v11 =	vmul.f32 v21, v21;
	v50 =	vadd.f32 v62, v60;
	v62 =	vld [tilespmem:s19+$0xFFFF8000]  }
0xb4: {  	v31 =	vld [tilespmem:s19+$0xFFFFC000];
	v60 =	vmul.f32 v23, v23;
	v59 =	vadd.f32 v23, v22;
	v51 =	vadd.f32 v35, v47  }
0xb5: {  	v57 =	vmul.f32 v22, v22;
	v26 =	vadd.f32 v56, v26;
	v38 =	vadd.f32 v11, v63;
	v11 =	vld [tilespmem:s19+$0xFFFFBFF0]  }
0xb6: {  	v54 =	vld [tilespmem:s19+$0xFFFFFFF0];
	v42 =	vadd.f32 v59, v6;
	v53 =	vadd.f32 v40, v37  }
0xb7: {  	v55 =	vld [tilespmem:s19+$0x0];
	v63 =	vadd.f32 v60, v57;
	v0 =	vadd.f32 v58, v0  }
0xb8: {  	v33 =	vadd.f32 v61, v51;
	v34 =	vadd.f32 v62, v53  }
0xb9: {  	v26 =	vadd.f32 v30, v26;
	v0 =	vadd.f32 v19, v0  }
0xba: {  	v19 =	vadd.f32 v11, v33;
	v30 =	vadd.f32 v31, v34  }
0xbb: {  	v33 =	vadd.f32 v43, v26;
	s26 =	spop (v2sf);
	v34 =	vadd.f32 v41, v0  }
0xbc: {  	v6 =	vadd.f32 v54, v19;
	v11 =	vadd.f32 v55, v30;
	s2 =	smul.f32 $1.562500000e-02, s26;
	s7 =	spop (v2sf)  }
0xbd: {  	(xrf2) =	vadd.scan.msk.f32 $0xffff, v48;
	v0 =	vadd.f32 v50, v1;
	v1 =	vmul.f32 v33, v33;
	v19 =	vmul.f32 v34, v34;
	s7 =	smul.f32 $1.562500000e-02, s7  }
0xbe: {  	(xrf2) =	vadd.scan.msk.f32 $0xffff, v49;
	v30 =	vadd.f32 v63, v38;
	v31 =	vmul.f32 v6, v6;
	v56 =	vmul.f32 v11, v11;
	s8 =	smul.f32 s2, s2  }
0xbf: {  	(xrf2) =	vadd.scan.msk.f32 $0xffff, v42;
	v57 =	vadd.f32 v34, v33;
	v37 =	vadd.f32 v11, v6  }
0xc0: {  	(xrf2) =	vadd.scan.msk.f32 $0xffff, v45;
	v1 =	vadd.f32 v19, v1;
	v19 =	vadd.f32 v56, v31;
	s7 =	ssub.f32 s7, s8  }
0xc1: {  	(xrf2) =	vadd.scan.msk.f32 $0xffff, v0;
	v0 =	vadd.f32 v37, v57  }
0xc2: {  	v39 =	vld [tilespmem:s19+$0xFFFF3F50];
	(xrf2) =	vadd.scan.msk.f32 $0xffff, v30;
	v1 =	vadd.f32 v19, v1;
	s7 =	sadd.f32 $9.999999740e-06, s7  }
0xc3: {  	v44 =	vld [tilespmem:s19+$0xFFFF3F80];
	(xrf2) =	vadd.scan.msk.f32 $0xffff, v0  }
0xc4: {  	v46 =	vld [tilespmem:s19+$0xFFFF3F90];
	(xrf2) =	vadd.scan.msk.f32 $0xffff, v1;
	s6 =	sshra.s32 s7, $0x1;
	s7 =	smul.f32 $5.000000000e-01, s7  }
0xc5: {  	v36 =	vld [tilespmem:s19+$0xFFFF3F40];
	s8 =	ssub.s32 $0x5F3759DF, s6  }
0xc6: {  	v52 =	vld [tilespmem:s19+$0xFFFEFFC0];
	s9 =	smul.f32 s8, s7  }
0xc7: {  	v48 =	vld [tilespmem:s19+$0xFFFF3FA0];
	v0, _, _ =	vpop (xrf2)  }
0xc8: {  	v35 =	vld [tilespmem:s19+$0xFFFEFF30];
	v19, _, _ =	vpop (xrf2);
	(v2sf) =	vpush v0, $0xF;
	s9 =	smul.f32 s8, s9  }
0xc9: {  	v47 =	vld [tilespmem:s19+$0xFFFEFFA0];
	v0, _, _ =	vpop (xrf2);
	(v2sf) =	vpush v19, $0xF  }
0xca: {  	v49 =	vld [tilespmem:s19+$0xFFFEFFB0];
	v19, _, _ =	vpop (xrf2);
	(v2sf) =	vpush v0, $0xF;
	s9 =	ssub.f32 $1.500000000e+00, s9  }
0xcb: {  	v40 =	vld [tilespmem:s19+$0xFFFF3F60];
	v58, _, _ =	vpop (xrf2);
	(v2sf) =	vpush v19, $0xF  }
0xcc: {  	v42 =	vld [tilespmem:s19+$0xFFFF3F70];
	v59, _, _ =	vpop (xrf2);
	(v2sf) =	vpush v58, $0xF;
	s8 =	smul.f32 s8, s9  }
0xcd: {  	v51 =	vld [tilespmem:s19+$0xFFFF3FB0];
	(v2sf) =	vpush v59, $0xF;
	v60, _, _ =	vpop (xrf2)  }
0xce: {  	v53 =	vld [tilespmem:s19+$0xFFFF3FC0];
	(v2sf) =	vpush v60, $0xF;
	v61, _, _ =	vpop (xrf2);
	s9 =	smul.f32 s8, s7  }
0xcf: {  	v45 =	vld [tilespmem:s19+$0xFFFEFF90];
	(v2sf) =	vpush v61, $0xF  }
0xd0: {  	v43 =	vld [tilespmem:s19+$0xFFFEFF80];
	s9 =	smul.f32 s9, s8  }
0xd1: {  	v38 =	vld [tilespmem:s19+$0xFFFEFF50]  }
0xd2: {  	v41 =	vld [tilespmem:s19+$0xFFFEFF70];
	s9 =	ssub.f32 $1.500000000e+00, s9  }
0xd3: {  	v50 =	vld [tilespmem:s19+$0xFFFEFF10]  }
0xd4: {  	v54 =	vld [tilespmem:s19+$0xFFFF7F10];
	s9 =	smul.f32 s9, s8  }
0xd5: {  	v55 =	vld [tilespmem:s19+$0xFFFF7F20]  }
0xd6: {  	v30 =	vld [tilespmem:s19+$0xFFFEFF20];
	s7 =	smul.f32 s9, s7  }
0xd7: {  	v31 =	vld [tilespmem:s19+$0xFFFF3F20];
	s10 =	spop (v2sf)  }
0xd8: {  	v37 =	vld [tilespmem:s19+$0xFFFEFF60];
	s11 =	spop (v2sf);
	s7 =	smul.f32 s7, s9  }
0xd9: {  	v56 =	vld [tilespmem:s19+$0xFFFF7F30];
	s12 =	spop (v2sf)  }
0xda: {  	v0 =	vld [tilespmem:s19+$0xFFFF3F30];
	s13 =	ssub.f32 $1.500000000e+00, s7;
	s7 =	spop (v2sf)  }
0xdb: {  	v62 =	vmov s2;
	v19 =	vld [tilespmem:s19+$0xFFFEFF40];
	s2 =	spop (v2sf)  }
0xdc: {  	v45 =	vadd.f32 v46, v45;
	v46 =	vadd.f32 v48, v47;
	v1 =	vld [tilespmem:s19+$0xFFFF3F10];
	s23 =	spop (v2sf)  }
0xdd: {  	v48 =	vadd.f32 v51, v49;
	v43 =	vadd.f32 v44, v43;
	v58 =	vld [tilespmem:s19+$0xFFFF7F40];
	[tilespmem:$0x1FEE0] =	vst v3;
	s13 =	smul.f32 s13, s9;
	s26 =	spop (v2sf)  }
0xde: {  	v15 =	vsub.f32 v15, v62;
	v14 =	vsub.f32 v14, v62;
	v61 =	vld [tilespmem:s19+$0xFFFF7F50];
	[tilespmem:$0x1FEF0] =	vst v2;
	s9 =	smul.f32 $1.562500000e-02, s26;
	s14 =	spop (v2sf)  }
0xdf: {  	v12 =	vsub.f32 v12, v62;
	v30 =	vadd.f32 v31, v30;
	v31 =	vld [tilespmem:s19+$0xFFFF7F60];
	s14 =	smul.f32 $1.562500000e-02, s14  }
0xe0: {  	v0 =	vadd.f32 v0, v35;
	v35 =	vadd.f32 v36, v19;
	v36 =	vld [tilespmem:s19+$0xFFFF7F70];
	s6 =	smul.f32 s9, s9  }
0xe1: {  	v13 =	vsub.f32 v13, v62;
	v38 =	vadd.f32 v39, v38;
	v39 =	vld [tilespmem:s19+$0xFFFF7F80];
	v12 =	vmul.f32 s13, v12  }
0xe2: {  	v42 =	vadd.f32 v42, v41;
	v44 =	vld [tilespmem:s19+$0xFFFF7F90];
	v15 =	vmul.f32 s13, v15;
	v14 =	vmul.f32 s13, v14;
	s15 =	ssub.f32 s14, s6  }
0xe3: {  	v37 =	vadd.f32 v40, v37;
	v47 =	vld [tilespmem:s19+$0xFFFF7FA0];
	s21 =	smul.f32 $1.562500000e-02, s10;
	v13 =	vmul.f32 s13, v13;
	v12 =	vmul.f32 v12, v7  }
0xe4: {  	v1 =	vadd.f32 v1, v50;
	v49 =	vld [tilespmem:s19+$0xFFFF7FB0];
	s11 =	smul.f32 $1.562500000e-02, s11;
	v15 =	vmul.f32 v15, v10;
	v14 =	vmul.f32 v14, v8;
	s10 =	sadd.f32 $9.999999740e-06, s15  }
0xe5: {  	v51 =	vld [tilespmem:s19+$0xFFFF7FC0];
	s16 =	smul.f32 s21, s21;
	v13 =	vmul.f32 v13, v9;
	v62 =	vadd.f32 v12, v2;
	v12 =	vmov s21  }
0xe6: {  	v60 =	vadd.f32 v14, v3;
	v3 =	vld [tilespmem:$0x1FFC0];
	v2 =	vsub.f32 v28, v12;
	s17 =	sshra.s32 s10, $0x1;
	s10 =	smul.f32 $5.000000000e-01, s10  }
0xe7: {  	s12 =	smul.f32 $1.562500000e-02, s12;
	v7 =	vmovc v4;
	v57 =	vadd.f32 v15, v5;
	v59 =	vadd.f32 v13, v4;
	v15 =	vmov s11;
	v4 =	vld [tilespmem:$0x1FFD0];
	s14 =	ssub.s32 $0x5F3759DF, s17  }
0xe8: {  	v30 =	vadd.f32 v55, v30;
	v8 =	vmov v5;
	v5 =	vld [tilespmem:$0x1FFF0];
	[tilespmem:$0x1FF00] =	vst v2;
	v2 =	vsub.f32 v27, v15;
	s18 =	smul.f32 s14, s10  }
0xe9: {  	v1 =	vadd.f32 v54, v1;
	s8 =	smul.f32 $1.562500000e-02, s7;
	v28 =	vadd.f32 v53, v52;
	v52 =	vld [tilespmem:s19+$0xFFFFBF10]  }
0xea: {  	v0 =	vadd.f32 v56, v0;
	v35 =	vadd.f32 v58, v35;
	[tilespmem:$0x1FF10] =	vst v2;
	v2 =	vld [tilespmem:$0x1FFE0];
	s21 =	smul.f32 s14, s18  }
0xeb: {  	v38 =	vadd.f32 v61, v38;
	v31 =	vadd.f32 v31, v37;
	s7 =	smul.f32 $1.562500000e-02, s2;
	v27 =	vld [tilespmem:s19+$0xFFFFBF20]  }
0xec: {  	s2 =	smul.f32 $1.562500000e-02, s23;
	v19 =	vsub.f32 v16, v12;
	v14 =	vsub.f32 v24, v15;
	v24 =	vld [tilespmem:s19+$0xFFFFBF30];
	s23 =	ssub.f32 $1.500000000e+00, s21  }
0xed: {  	s26 =	smul.f32 s11, s11;
	v16 =	vsub.f32 v29, v15;
	v15 =	vsub.f32 v25, v15;
	v25 =	vld [tilespmem:s19+$0xFFFFBF40]  }
0xee: {  	s28 =	simm.s32 $0x3;
	v39 =	vadd.f32 v39, v43;
	v18 =	vsub.f32 v18, v12;
	v29 =	vmov s12;
	v53 =	vld [tilespmem:s19+$0xFFFFBF50];
	s11 =	smul.f32 s14, s23  }
0xef: {  	v13 =	vmov s28;
	v17 =	vsub.f32 v17, v12;
	v20 =	vsub.f32 v20, v29;
	v55 =	vld [tilespmem:s19+$0xFFFFBF60]  }
0xf0: {  	v13 =	vand.u32 $0xFF, v13;
	v21 =	vsub.f32 v21, v29;
	v22 =	vsub.f32 v22, v29;
	v56 =	vld [tilespmem:s19+$0xFFFFBF70];
	s15 =	smul.f32 s11, s10  }
0xf1: {  	v63 =	vbroadcast v13, $0x0;
	v23 =	vsub.f32 v23, v29;
	v29 =	vadd.f32 v36, v42;
	v36 =	vld [tilespmem:s19+$0xFFFFBF90]  }
0xf2: {  	v58 =	vmax.f32 v59, $0.0e+00;
	v28 =	vadd.f32 v51, v28;
	v51 =	vmov s9;
	v59 =	vld [tilespmem:s19+$0xFFFFBFB0];
	s13 =	smul.f32 s15, s11  }
0xf3: {  	v33 =	vsub.f32 v33, v51;
	v32 =	vor.u32 v3, v63;
	v12 =	vor.u32 v4, v63;
	v61 =	vld [tilespmem:s19+$0xFFFFBFC0]  }
0xf4: {  	v13 =	vor.u32 v5, v63;
	v50 =	vor.u32 v2, v63;
	v63 =	vadd.f32 v44, v45;
	v44 =	vld [tilespmem:s19+$0xFFFFBFA0];
	s13 =	ssub.f32 $1.500000000e+00, s13  }
0xf5: {  	v1 =	vadd.f32 v52, v1;
	v0 =	vadd.f32 v24, v0;
	v24 =	vld [tilespmem:s19+$0xFFFFFF10]  }
0xf6: {  	s8 =	ssub.f32 s8, s16;
	v57 =	vmax.f32 v57, $0.0e+00;
	v45 =	vadd.f32 v47, v46;
	v35 =	vadd.f32 v25, v35;
	v25 =	vld [tilespmem:s19+$0xFFFFFF20];
	s11 =	smul.f32 s13, s11  }
0xf7: {  	s6 =	smul.f32 s12, s12;
	v41 =	vmax.f32 v60, $0.0e+00;
	s17 =	simm.s32 $0x1;
	v26 =	vadd.f32 v53, v38;
	v53 =	vadd.f32 v55, v31;
	v31 =	vld [tilespmem:s19+$0xFFFFFF30]  }
0xf8: {  	s8 =	sadd.f32 $9.999999740e-06, s8;
	v46 =	vmov s17;
	v47 =	vadd.f32 v49, v48;
	v36 =	vadd.f32 v36, v63;
	v63 =	vld [tilespmem:s19+$0xFFFFFF40];
	s10 =	smul.f32 s11, s10  }
0xf9: {  	v37 =	vld [tilespmem:s19+$0xFFFFBF80];
	v27 =	vadd.f32 v27, v30;
	v55 =	vadd.f32 v56, v29;
	v29 =	vmov s5;
	s14 =	ssub.f32 s2, s6  }
0xfa: {  	s23 =	simm.s32 $0x2;
	v29 =	vand.u32 $0xFC, v29;
	v43 =	vadd.f32 v44, v45;
	v44 =	vadd.f32 v59, v47;
	s10 =	smul.f32 s10, s11  }
0xfb: {  	v60 =	vld [tilespmem:s19+$0xFFFFFF90];
	s2 =	smul.f32 $5.000000000e-01, s8;
	s8 =	sshra.s32 s8, $0x1;
	v30 =	vmov s23;
	s12 =	sadd.f32 $9.999999740e-06, s14;
	v47 =	vadd.f32 v61, v28;
	v28 =	vadd.f32 v24, v1  }
0xfc: {  	v56 =	vld [tilespmem:s19+$0xFFFFFF70];
	s14 =	ssub.s32 $0x5F3759DF, s8;
	v24 =	vand.u32 $0xFD, v46;
	v46 =	vbroadcast v29, $0x0;
	v29 =	vadd.f32 v25, v27;
	s10 =	ssub.f32 $1.500000000e+00, s10  }
0xfd: {  	v38 =	vld [tilespmem:s19+$0xFFFFFFB0];
	s18 =	smul.f32 s14, s2;
	v27 =	vand.u32 $0xFE, v30;
	v30 =	vadd.f32 v31, v0;
	v31 =	vadd.f32 v63, v35  }
0xfe: {  	v34 =	vsub.f32 v34, v51;
	v37 =	vadd.f32 v37, v39;
	[tilespmem:v50+s4+$0x0] =	vst.idx.msk $0xffff, v57;
	v57 =	vld [tilespmem:s19+$0xFFFFFFC0];
	s10 =	smul.f32 s10, s11  }
0xff: {  	s7 =	ssub.f32 s7, s26;
	v59 =	vld [tilespmem:s19+$0xFFFFFF80];
	s26 =	smul.f32 s14, s18;
	v39 =	vadd.f32 v29, v28;
	v42 =	vadd.f32 v31, v30  }
0x100: {  	v54 =	vsub.f32 v11, v51;
	v52 =	vmax.f32 v62, $0.0e+00;
	v1 =	vld [tilespmem:s19+$0xFFFFFF60];
	v33 =	vmul.f32 s10, v33  }
0x101: {  	v45 =	vld [tilespmem:s19+$0xFFFFFF50];
	v35 =	vsub.f32 v6, v51;
	s26 =	ssub.f32 $1.500000000e+00, s26;
	v39 =	vadd.f32 v42, v39;
	v34 =	vmul.f32 s10, v34  }
0x102: {  	s7 =	sadd.f32 $9.999999740e-06, s7;
	v62 =	vld [tilespmem:s19+$0xFFFFFFA0];
	v38 =	vadd.f32 v38, v44;
	v0 =	vmul.f32 v28, v28;
	v61 =	vmul.f32 v29, v29;
	[tilespmem:$0x1FF30] =	vst v33  }
0x103: {  	v63 =	vmul.f32 v30, v30;
	s14 =	smul.f32 s14, s26;
	s26 =	simm.s32 $0x107F0;
	(xrf2) =	vadd.scan.msk.f32 $0xffff, v39;
	v39 =	vadd.f32 v57, v47;
	[tilespmem:$0x1FF50] =	vst v34  }
0x104: {  	s16 =	sshra.s32 s7, $0x1;
	s8 =	smul.f32 $5.000000000e-01, s7;
	v0 =	vadd.f32 v61, v0;
	v11 =	vmul.f32 s10, v35;
	v35 =	vadd.f32 v59, v37;
	v48 =	vld [tilespmem:s26+$0xFFFFFFD0]  }
0x105: {  	s21 =	ssub.s32 $0x5F3759DF, s16;
	s7 =	smul.f32 $5.000000000e-01, s12;
	s12 =	sshra.s32 s12, $0x1;
	v47 =	vmul.f32 v39, v39;
	v37 =	vadd.f32 v60, v36;
	v34 =	vadd.f32 v1, v53;
	v49 =	vld [tilespmem:s26+$0xFFFFFFE0]  }
0x106: {  	s6 =	smul.f32 s21, s8;
	s12 =	ssub.s32 $0x5F3759DF, s12;
	v6 =	vmul.f32 s10, v54;
	v33 =	vadd.f32 v56, v55;
	[tilespmem:v32+s4+$0x0] =	vst.idx.msk $0xffff, v58;
	v32 =	vadd.f32 v45, v26;
	v50 =	vld [tilespmem:s26+$0xFFFFBFD0]  }
0x107: {  	s15 =	smul.f32 s12, s7;
	v36 =	vadd.f32 v62, v43;
	v1 =	vmul.f32 v31, v31;
	v60 =	vmul.f32 v35, v35;
	v51 =	vld [tilespmem:s26+$0xFFFFBFE0]  }
0x108: {  	s13 =	smul.f32 s21, s6;
	v44 =	vmul.f32 v37, v37;
	v59 =	vld [tilespmem:s26+$0xFFFEFFD0];
	v54 =	vadd.f32 v35, v33;
	v55 =	vadd.f32 v34, v32  }
0x109: {  	s9 =	smul.f32 s12, s15;
	v57 =	vadd.f32 v36, v37;
	v62 =	vmul.f32 v36, v36;
	v43 =	vld [tilespmem:s26+$0xFFFF3FD0];
	v1 =	vadd.f32 v1, v63  }
0x10a: {  	s17 =	simm.s32 $0x7;
	s13 =	ssub.f32 $1.500000000e+00, s13;
	v42 =	vld [tilespmem:s26+$0xFFFF3FE0];
	v56 =	vmul.f32 v34, v34;
	v61 =	vmul.f32 v33, v33;
	v45 =	vadd.f32 v54, v55  }
0x10b: {  	v40 =	vmov s17;
	s9 =	ssub.f32 $1.500000000e+00, s9;
	s18 =	smul.f32 s14, s2;
	[tilespmem:v12+s4+$0x0] =	vst.idx.msk $0xffff, v41;
	v53 =	vmul.f32 v32, v32;
	v0 =	vadd.f32 v1, v0;
	v55 =	vld [tilespmem:s26+$0xFFFEFFE0]  }
0x10c: {  	s13 =	smul.f32 s21, s13;
	v63 =	vld [tilespmem:s26+$0xFFFEFFF0];
	v41 =	vadd.f32 v39, v38;
	v1 =	vand.u32 $0xFF, v40;
	(xrf2) =	vadd.scan.msk.f32 $0xffff, v45;
	v45 =	vmul.f32 v38, v38  }
0x10d: {  	s16 =	smul.f32 s12, s9;
	v53 =	vadd.f32 v56, v53;
	v56 =	vadd.f32 v60, v61;
	v61 =	vld [tilespmem:s26+$0xFFFF3FF0];
	v1 =	vbroadcast v1, $0x0;
	[tilespmem:$0x1FF60] =	vst v0  }
0x10e: {  	s12 =	smul.f32 s18, s14;
	[tilespmem:v13+s4+$0x0] =	vst.idx.msk $0xffff, v52;
	v52 =	vadd.f32 v62, v44;
	v58 =	vadd.f32 v47, v45  }
0x10f: {  	s19 =	smul.f32 s13, s8;
	v13 =	vor.u32 v3, v1;
	v12 =	vor.u32 v4, v1;
	v45 =	vor.u32 v2, v1  }
0x110: {  	s21 =	smul.f32 s16, s7;
	s12 =	ssub.f32 $1.500000000e+00, s12;
	v52 =	vadd.f32 v58, v52;
	v58 =	vadd.f32 v42, v55;
	v42 =	vor.u32 v5, v1;
	v1 =	vld [tilespmem:$0x1FF60]  }
0x111: {  	s9 =	smul.f32 s19, s13  }
0x112: {  	s12 =	smul.f32 s12, s14;
	v54 =	vld [tilespmem:s26+$0xFFFF0000];
	v62 =	vadd.f32 v41, v57  }
0x113: {  	s10 =	smul.f32 s21, s16;
	s9 =	ssub.f32 $1.500000000e+00, s9;
	v60 =	vld [tilespmem:s26+$0xFFFF4000]  }
0x114: {  	v25 =	vbroadcast v24, $0x0;
	v24 =	vor.u32 v2, v46;
	s2 =	smul.f32 s12, s2;
	v0 =	vadd.f32 v56, v53;
	(xrf2) =	vadd.scan.msk.f32 $0xffff, v62;
	v2 =	vld [tilespmem:$0x1FF50]  }
0x115: {  	s10 =	ssub.f32 $1.500000000e+00, s10;
	s9 =	smul.f32 s9, s13;
	(xrf2) =	vadd.scan.msk.f32 $0xffff, v1;
	v1 =	vld [tilespmem:$0x1FF80]  }
0x116: {  	v26 =	vor.u32 v3, v46;
	s2 =	smul.f32 s2, s12;
	v3 =	vld [tilespmem:$0x1FF30];
	[tilespmem:$0x1FF90] =	vst v0  }
0x117: {  	s10 =	smul.f32 s10, s16;
	v0 =	vld [tilespmem:s26+$0xFFFF7FD0]  }
0x118: {  	s8 =	smul.f32 s9, s8;
	v40 =	vor.u32 v5, v46;
	v44 =	vld [tilespmem:s26+$0xFFFF7FE0]  }
0x119: {  	s7 =	smul.f32 s10, s7;
	v41 =	vor.u32 v4, v46;
	v46 =	vadd.f32 v43, v59;
	v43 =	vmul.f32 v2, v9;
	v2 =	vld [tilespmem:$0x1FFB0]  }
0x11a: {  	s8 =	smul.f32 s8, s9;
	v62 =	vmul.f32 v11, v1;
	v1 =	vld [tilespmem:$0x1FF90]  }
0x11b: {  	s2 =	ssub.f32 $1.500000000e+00, s2;
	s7 =	smul.f32 s7, s10;
	v56 =	vld [tilespmem:s26+$0xFFFF7FF0]  }
0x11c: {  	s8 =	ssub.f32 $1.500000000e+00, s8;
	v59 =	vadd.f32 v61, v63;
	v57 =	vld [tilespmem:s26+$0xFFFF8000];
	[tilespmem:$0x1FF20] =	vst v10;
	v10 =	vmul.f32 v3, v10  }
0x11d: {  	s31 =	smul.f32 s2, s12;
	s23 =	ssub.f32 $1.500000000e+00, s7;
	v55 =	vld [tilespmem:s26+$0xFFFFBFF0];
	[tilespmem:$0x1FF40] =	vst v9;
	v61 =	vadd.f32 v60, v54;
	v0 =	vadd.f32 v0, v46  }
0x11e: {  	s28 =	simm.s32 $0xC;
	s30 =	smul.f32 s8, s9;
	v53, _, _ =	vpop (xrf2);
	v60 =	vld [tilespmem:s26+$0xFFFFC000];
	[tilespmem:$0x1FF70] =	vst v8;
	v46 =	vadd.f32 v10, v8;
	v47 =	vadd.f32 v43, v7  }
0x11f: {  	s19 =	simm.s32 $0x8;
	s21 =	simm.s32 $0x4;
	s29 =	smul.f32 s23, s10;
	v54, _, _ =	vpop (xrf2);
	v63 =	vmul.f32 v6, v2;
	(xrf2) =	vadd.scan.msk.f32 $0xffff, v1;
	v1 =	vadd.f32 v44, v58;
	v58 =	vld [tilespmem:s26+$0xFFFFFFF0];
	[tilespmem:$0x1FFA0] =	vst v7  }
.LBB2_2:
0x120: {  	v7 =	vld [tilespmem:$0x1FEE0]  }
0x121: {  	(xrf2) =	vadd.scan.msk.f32 $0xffff, v52;
	v52 =	vld [tilespmem:s26+$0xFFFF3F10]  }
0x122: {  	v6 =	vld [tilespmem:$0x1FEF0]  }
0x123: {  	v5 =	vld [tilespmem:s26+$0xFFFEFF70]  }
0x124: {  	v56 =	vadd.f32 v56, v59;
	v59 =	vld [tilespmem:s26+$0x0]  }
0x125: {  	v1 =	vadd.f32 v51, v1;
	v51 =	vld [tilespmem:s26+$0xFFFEFF30]  }
0x126: {  	v46 =	vmax.f32 v46, $0.0e+00;
	v4 =	vadd.f32 v50, v0;
	v50 =	vld [tilespmem:s26+$0xFFFF3F40]  }
0x127: {  	[tilespmem:v45+s4+$0x0] =	vst.idx.msk $0xffff, v46;
	v45 =	vld [tilespmem:s26+$0xFFFF3F80]  }
0x128: {  	v62 =	vadd.f32 v62, v7;
	v11 =	vadd.f32 v63, v6;
	v63 =	vld [tilespmem:s26+$0xFFFEFF20]  }
0x129: {  	v9 =	vadd.f32 v55, v56;
	v2 =	vadd.f32 v49, v1;
	v1 =	vmul.f32 s31, v18;
	v18 =	vld [tilespmem:s26+$0xFFFF3F30]  }
0x12a: {  	v10 =	vmax.f32 v47, $0.0e+00;
	v3 =	vadd.f32 v48, v4;
	v44 =	vmax.f32 v62, $0.0e+00;
	v62 =	vld [tilespmem:s26+$0xFFFF3F20]  }
0x12b: {  	v57 =	vadd.f32 v57, v61;
	[tilespmem:v13+s4+$0x0] =	vst.idx.msk $0xffff, v10;
	v47 =	vadd.f32 v58, v9;
	v9 =	vld [tilespmem:s26+$0xFFFEFF50]  }
0x12c: {  	[tilespmem:$0x1FED0] =	vst v2;
	v48 =	vadd.f32 v2, v3;
	v43 =	vmul.f32 v2, v2;
	v2 =	vld [tilespmem:$0x1FF00]  }
0x12d: {  	(v2sf) =	vpush v53, $0xF;
	v10 =	vadd.f32 v60, v57;
	v46 =	vmax.f32 v11, $0.0e+00;
	[tilespmem:v12+s4+$0x0] =	vst.idx.msk $0xffff, v44;
	v44 =	vld [tilespmem:$0x1FFB0]  }
0x12e: {  	(v2sf) =	vpush v54, $0xF;
	v61, _, _ =	vpop (xrf2);
	[tilespmem:v42+s4+$0x0] =	vst.idx.msk $0xffff, v46;
	v42 =	vld [tilespmem:s26+$0xFFFEFF40]  }
0x12f: {  	(v2sf) =	vpush v61, $0xF;
	v0, _, _ =	vpop (xrf2);
	v55 =	vmul.f32 v3, v3;
	v46 =	vadd.f32 v59, v10;
	v10 =	vld [tilespmem:s26+$0xFFFF3F50]  }
0x130: {  	(v2sf) =	vpush v0, $0xF;
	v0 =	vmul.f32 s30, v15;
	v15 =	vmul.f32 s29, v20;
	v20 =	vld [tilespmem:s26+$0xFFFEFF80]  }
0x131: {  	v8, _, _ =	vpop (xrf2);
	v55 =	vadd.f32 v43, v55;
	v43 =	vld [tilespmem:$0x1FF80]  }
0x132: {  	[tilespmem:$0x1FEC0] =	vst v3;
	v3 =	vmul.f32 v47, v47;
	(v2sf) =	vpush v8, $0xF;
	v8 =	vld [tilespmem:$0x1FFA0]  }
0x133: {  	v4, _, _ =	vpop (xrf2);
	v11 =	vadd.f32 v46, v47;
	v59 =	vmul.f32 v46, v46;
	v54 =	vadd.f32 v18, v51;
	v18 =	vld [tilespmem:s26+$0xFFFF3F60]  }
0x134: {  	(v2sf) =	vpush v4, $0xF;
	v4 =	vld [tilespmem:s26+$0xFFFF3F90];
	v49 =	vadd.f32 v62, v63  }
0x135: {  	v48 =	vadd.f32 v11, v48;
	v11 =	vld [tilespmem:s26+$0xFFFEFF60];
	v63 =	vadd.f32 v59, v3  }
0x136: {  	v12 =	vmul.f32 s31, v2;
	v2 =	vld [tilespmem:$0x1FF10]  }
0x137: {  	v61 =	vadd.f32 v63, v55;
	v63 =	vld [tilespmem:s26+$0xFFFF3F70]  }
0x138: {  	v16 =	vmul.f32 s30, v16;
	v55 =	vadd.f32 v10, v9;
	v10 =	vld [tilespmem:$0x1FF20]  }
0x139: {  	v9 =	vld [tilespmem:$0x1FF70]  }
0x13a: {  	v22 =	vmul.f32 s29, v22;
	v62 =	vmul.f32 v16, v43;
	v16 =	vld [tilespmem:s26+$0xFFFEFFB0]  }
0x13b: {  	v19 =	vmul.f32 s31, v19;
	(xrf2) =	vadd.scan.msk.f32 $0xffff, v48;
	v56 =	vadd.f32 v18, v11;
	v11 =	vld [tilespmem:$0x1FF40]  }
0x13c: {  	v51 =	vmul.f32 v0, v44;
	v0 =	vadd.f32 v45, v20;
	v45 =	vmul.f32 v22, v43;
	v22 =	vld [tilespmem:s26+$0xFFFF3FC0];
	(xrf2) =	vadd.scan.msk.f32 $0xffff, v61  }
0x13d: {  	v17 =	vmul.f32 s31, v17;
	v14 =	vmul.f32 s30, v14;
	v18 =	vld [tilespmem:s26+$0xFFFEFF90]  }
0x13e: {  	v13 =	vmul.f32 s30, v2;
	v2 =	vld [tilespmem:$0x1FFE0];
	v1 =	vmul.f32 v1, v10  }
0x13f: {  	v21 =	vmul.f32 s29, v21;
	v23 =	vmul.f32 s29, v23;
	v59 =	vadd.f32 v63, v5;
	v5 =	vld [tilespmem:s26+$0xFFFEFFA0]  }
0x140: {  	v1 =	vadd.f32 v1, v9;
	v19 =	vmul.f32 v19, v11;
	v61 =	vmul.f32 v14, v11;
	v14 =	vld [tilespmem:s26+$0xFFFF3FA0]  }
0x141: {  	v53 =	vadd.f32 v50, v42;
	v13 =	vmul.f32 v13, v10;
	v50 =	vmul.f32 v15, v10;
	v15 =	vld [tilespmem:s26+$0xFFFF3FB0]  }
0x142: {  	v48 =	vmul.f32 v21, v11;
	v21 =	vld [tilespmem:s26+$0xFFFEFFC0];
	v1 =	vmax.f32 v1, $0.0e+00;
	v19 =	vadd.f32 v19, v8  }
0x143: {  	v17 =	vmul.f32 v17, v43;
	s2 =	spop (v2sf);
	v57 =	vadd.f32 v4, v18;
	v4 =	vld [tilespmem:$0x1FFD0];
	[tilespmem:v24+s4+$0x0] =	vst.idx.msk $0xffff, v1  }
0x144: {  	v42 =	vmul.f32 v23, v44;
	s2 =	smul.f32 $1.562500000e-02, s2;
	v58 =	vor.u32 v2, v25;
	v24 =	vld [tilespmem:s26+$0xFFFEFF10];
	v1 =	vmax.f32 v19, $0.0e+00  }
0x145: {  	v17 =	vadd.f32 v17, v7;
	v20, _, _ =	vpop (xrf2);
	v60 =	vadd.f32 v14, v5;
	[tilespmem:v26+s4+$0x0] =	vst.idx.msk $0xffff, v1;
	v5 =	vld [tilespmem:$0x1FFF0]  }
0x146: {  	v23 =	vadd.f32 v13, v9;
	(v2sf) =	vpush v20, $0xF;
	v13, _, _ =	vpop (xrf2);
	v14 =	vmov s2;
	v1 =	vld [tilespmem:s26+$0xFFFF7F10]  }
0x147: {  	s11 =	spop (v2sf);
	s7 =	smul.f32 s2, s2;
	(v2sf) =	vpush v13, $0xF;
	v13 =	vmax.f32 v17, $0.0e+00;
	v26 =	vadd.f32 v15, v16;
	v20 =	vld [tilespmem:s26+$0xFFFF7F20]  }
0x148: {  	s2 =	smul.f32 $1.562500000e-02, s11;
	v16 =	vmax.f32 v23, $0.0e+00;
	v17 =	vsub.f32 v30, v14;
	v30 =	vadd.f32 v22, v21;
	v22 =	vld [tilespmem:s26+$0xFFFF7F50]  }
0x149: {  	v3 =	vsub.f32 v31, v14;
	[tilespmem:v58+s4+$0x0] =	vst.idx.msk $0xffff, v16;
	v58 =	vld [tilespmem:s26+$0xFFFF7F90]  }
0x14a: {  	v12 =	vmul.f32 v12, v44;
	[tilespmem:v41+s4+$0x0] =	vst.idx.msk $0xffff, v13;
	v41 =	vld [tilespmem:s26+$0xFFFF7FB0];
	v15 =	vmov s2  }
0x14b: {  	v18 =	vsub.f32 v28, v14;
	v28 =	vld [tilespmem:s26+$0xFFFF7F30];
	[tilespmem:$0x1FF00] =	vst v3;
	v3 =	vsub.f32 v32, v15  }
0x14c: {  	v51 =	vadd.f32 v51, v6;
	v12 =	vadd.f32 v12, v6;
	v63 =	vld [tilespmem:s26+$0xFFFF7F80]  }
0x14d: {  	s8 =	spop (v2sf);
	v61 =	vadd.f32 v61, v8;
	v19 =	vsub.f32 v29, v14;
	[tilespmem:$0x1FF10] =	vst v3;
	v3 =	vld [tilespmem:$0x1FFC0]  }
0x14e: {  	s8 =	smul.f32 $1.562500000e-02, s8;
	s9 =	spop (v2sf);
	v13 =	vmax.f32 v12, $0.0e+00;
	v21 =	vadd.f32 v52, v24;
	v14 =	vsub.f32 v34, v15;
	v52 =	vld [tilespmem:s26+$0xFFFF7F70]  }
0x14f: {  	s9 =	smul.f32 $1.562500000e-02, s9;
	[tilespmem:v40+s4+$0x0] =	vst.idx.msk $0xffff, v13;
	v40 =	vld [tilespmem:s26+$0xFFFF7FA0];
	v16 =	vsub.f32 v33, v15;
	v15 =	vsub.f32 v35, v15  }
0x150: {  	s10 =	spop (v2sf);
	v23 =	vmov s8;
	v29 =	vld [tilespmem:s26+$0xFFFF7F40];
	v1 =	vadd.f32 v1, v21;
	v31 =	vadd.f32 v20, v49  }
0x151: {  	s10 =	smul.f32 $1.562500000e-02, s10;
	s7 =	ssub.f32 s9, s7;
	v24 =	vld [tilespmem:s26+$0xFFFF7F60];
	v35 =	vor.u32 v4, v25;
	v20 =	vsub.f32 v37, v23;
	v21 =	vsub.f32 v36, v23  }
0x152: {  	s11 =	spop (v2sf);
	s8 =	smul.f32 s8, s8;
	v36 =	vadd.f32 v22, v55;
	v28 =	vadd.f32 v28, v54;
	v54 =	vld [tilespmem:s26+$0xFFFFBF10];
	v33 =	vor.u32 v3, v25  }
0x153: {  	s12 =	smul.f32 $1.562500000e-02, s11;
	s7 =	sadd.f32 $9.999999740e-06, s7;
	v22 =	vsub.f32 v38, v23;
	v32 =	vadd.f32 v52, v59;
	v52 =	vmax.f32 v61, $0.0e+00;
	v61 =	vld [tilespmem:s26+$0xFFFFBF40]  }
0x154: {  	v27 =	vbroadcast v27, $0x0;
	s2 =	smul.f32 s2, s2;
	v23 =	vsub.f32 v39, v23;
	v49 =	vld [tilespmem:s26+$0xFFFF7FC0];
	v37 =	vadd.f32 v58, v57  }
0x155: {  	s13 =	sshra.s32 s7, $0x1;
	s29 =	smul.f32 $5.000000000e-01, s7;
	v55 =	vld [tilespmem:s26+$0xFFFFBF20];
	v0 =	vadd.f32 v63, v0;
	v63 =	vadd.f32 v62, v7;
	v25 =	vor.u32 v5, v25  }
0x156: {  	s2 =	ssub.f32 s10, s2;
	s9 =	ssub.s32 $0x5F3759DF, s13;
	v38 =	vor.u32 v2, v27;
	v29 =	vadd.f32 v29, v53;
	v24 =	vadd.f32 v24, v56;
	v56 =	vld [tilespmem:s26+$0xFFFFBF30]  }
0x157: {  	s8 =	ssub.f32 s12, s8;
	s12 =	smul.f32 s9, s29;
	v59 =	vmax.f32 v63, $0.0e+00;
	v1 =	vadd.f32 v54, v1;
	v54 =	vadd.f32 v42, v6;
	v6 =	vld [tilespmem:s26+$0xFFFFFF40];
	[tilespmem:v33+s4+$0x0] =	vst.idx.msk $0xffff, v52  }
0x158: {  	s2 =	sadd.f32 $9.999999740e-06, s2;
	v40 =	vadd.f32 v40, v60;
	v58 =	vadd.f32 v61, v29;
	v61 =	vld [tilespmem:s26+$0xFFFFFF10];
	[tilespmem:v35+s4+$0x0] =	vst.idx.msk $0xffff, v59  }
0x159: {  	s14 =	sadd.f32 $9.999999740e-06, s8;
	v62 =	vmax.f32 v51, $0.0e+00;
	s12 =	smul.f32 s9, s12;
	v63 =	vadd.f32 v48, v8;
	v39 =	vor.u32 v3, v27;
	v48 =	vld [tilespmem:s26+$0xFFFFBF50]  }
0x15a: {  	v60 =	vadd.f32 v50, v9;
	v53 =	vor.u32 v4, v27;
	s30 =	smul.f32 $5.000000000e-01, s2;
	[tilespmem:v25+s4+$0x0] =	vst.idx.msk $0xffff, v62;
	v62 =	vld [tilespmem:s26+$0xFFFFFF20]  }
0x15b: {  	s15 =	sshra.s32 s2, $0x1;
	s2 =	smul.f32 $5.000000000e-01, s14;
	v27 =	vor.u32 v5, v27;
	s17 =	spop (v2sf);
	v52 =	vld [tilespmem:s26+$0xFFFFBF60]  }
0x15c: {  	v51 =	vadd.f32 v45, v7;
	v31 =	vadd.f32 v55, v31;
	s7 =	smul.f32 $1.562500000e-02, s17;
	s18 =	spop (v2sf);
	v25 =	vmax.f32 v60, $0.0e+00;
	v55 =	vld [tilespmem:s26+$0xFFFFBF70]  }
0x15d: {  	v57 =	vadd.f32 v56, v28;
	s8 =	smul.f32 $1.562500000e-02, s18;
	[tilespmem:v38+s4+$0x0] =	vst.idx.msk $0xffff, v25;
	v25 =	vmax.f32 v63, $0.0e+00;
	v28 =	vld [tilespmem:s26+$0xFFFFBF80]  }
0x15e: {  	s16 =	sshra.s32 s14, $0x1;
	s11 =	ssub.s32 $0x5F3759DF, s15;
	s13 =	smul.f32 s7, s7;
	v7 =	vld [tilespmem:s26+$0xFFFFFF70];
	[tilespmem:v39+s4+$0x0] =	vst.idx.msk $0xffff, v25;
	v25 =	vmax.f32 v51, $0.0e+00  }
0x15f: {  	s10 =	ssub.s32 $0x5F3759DF, s16;
	s12 =	ssub.f32 $1.500000000e+00, s12;
	s14 =	smul.f32 s11, s30;
	v60 =	vld [tilespmem:s26+$0xFFFFFF80];
	[tilespmem:v53+s4+$0x0] =	vst.idx.msk $0xffff, v25;
	v25 =	vmax.f32 v54, $0.0e+00  }
0x160: {  	s23 =	smul.f32 s10, s2;
	s8 =	ssub.f32 s8, s13;
	v29 =	vld [tilespmem:s26+$0xFFFFBF90];
	[tilespmem:v27+s4+$0x0] =	vst.idx.msk $0xffff, v25  }
0x161: {  	s14 =	smul.f32 s11, s14;
	v34 =	vadd.f32 v52, v24;
	v24 =	vld [tilespmem:s26+$0xFFFFBFB0]  }
0x162: {  	v26 =	vadd.f32 v41, v26;
	s9 =	smul.f32 s9, s12;
	v63 =	vld [tilespmem:s26+$0xFFFFFF30];
	s8 =	sadd.f32 $9.999999740e-06, s8  }
0x163: {  	v30 =	vadd.f32 v49, v30;
	s14 =	ssub.f32 $1.500000000e+00, s14;
	s13 =	smul.f32 s10, s23;
	v25 =	vld [tilespmem:s26+$0xFFFFBFA0];
	v38 =	vadd.f32 v55, v32  }
0x164: {  	v36 =	vadd.f32 v48, v36;
	v27 =	vld [tilespmem:s26+$0xFFFFBFC0];
	s31 =	sshra.s32 s8, $0x1;
	s8 =	smul.f32 $5.000000000e-01, s8;
	v0 =	vadd.f32 v28, v0  }
0x165: {  	s11 =	smul.f32 s11, s14;
	s6 =	ssub.f32 $1.500000000e+00, s13;
	s31 =	ssub.s32 $0x5F3759DF, s31;
	v28 =	vadd.f32 v61, v1;
	v33 =	vadd.f32 v7, v38  }
0x166: {  	s15 =	smul.f32 s31, s8;
	v35 =	vadd.f32 v60, v0;
	v45 =	vadd.f32 v24, v26;
	v26 =	vld [tilespmem:s26+$0xFFFFFF50]  }
0x167: {  	s10 =	smul.f32 s10, s6;
	v1 =	vld [tilespmem:s26+$0xFFFFFF60];
	v59 =	vmul.f32 v28, v28;
	v37 =	vadd.f32 v29, v37;
	v29 =	vadd.f32 v62, v31  }
0x168: {  	s17 =	sadd.s32 $0x2, s21;
	s13 =	smul.f32 s31, s15;
	v31 =	vadd.f32 v6, v58;
	v40 =	vadd.f32 v25, v40;
	v25 =	vmov s21  }
0x169: {  	s16 =	sadd.s32 $0x1, s21;
	s6 =	smul.f32 s11, s30;
	v7 =	vld [tilespmem:s26+$0xFFFFFFC0];
	v52 =	vadd.f32 v27, v30;
	v27 =	vmov s17;
	v30 =	vadd.f32 v63, v57  }
0x16a: {  	s23 =	smul.f32 s9, s29;
	v63 =	vld [tilespmem:s26+$0xFFFFFF90];
	v58 =	vmul.f32 v33, v33;
	v24 =	vand.u32 $0xFC, v25;
	v25 =	vmov s16;
	s18 =	ssub.f32 $1.500000000e+00, s13  }
0x16b: {  	s14 =	smul.f32 s6, s11;
	v61 =	vadd.f32 v29, v28;
	v62 =	vmul.f32 v29, v29;
	v32 =	vadd.f32 v26, v36;
	v36 =	vld [tilespmem:s26+$0xFFFFFFA0]  }
0x16c: {  	v55 =	vmul.f32 v31, v31;
	v34 =	vadd.f32 v1, v34;
	v1 =	vld [tilespmem:s26+$0xFFFFFFB0];
	v53 =	vbroadcast v24, $0x0;
	s12 =	smul.f32 s31, s18  }
0x16d: {  	s13 =	smul.f32 s23, s9;
	v24 =	vand.u32 $0xFD, v25;
	v54 =	vmul.f32 v30, v30;
	v6 =	vadd.f32 v31, v30  }
0x16e: {  	v25 =	vbroadcast v24, $0x0;
	v56 =	vadd.f32 v62, v59;
	v59 =	vadd.f32 v35, v33;
	s15 =	smul.f32 s12, s8;
	s26 =	sadd.s32 $0x100, s26  }
0x16f: {  	s16 =	ssub.f32 $1.500000000e+00, s14;
	s31 =	smul.f32 s10, s2;
	v41 =	vmul.f32 v34, v34;
	v39 =	vadd.f32 v7, v52;
	v42 =	vadd.f32 v6, v61;
	v48 =	vld [tilespmem:s26+$0xFFFFFFD0]  }
0x170: {  	v6 =	vmul.f32 v35, v35;
	v37 =	vadd.f32 v63, v37;
	s15 =	smul.f32 s15, s12;
	v49 =	vld [tilespmem:s26+$0xFFFFFFE0];
	v36 =	vadd.f32 v36, v40  }
0x171: {  	s13 =	ssub.f32 $1.500000000e+00, s13;
	s11 =	smul.f32 s16, s11;
	v24 =	vor.u32 v2, v53;
	v26 =	vor.u32 v3, v53;
	v38 =	vadd.f32 v1, v45;
	v50 =	vld [tilespmem:s26+$0xFFFFBFD0]  }
0x172: {  	s21 =	smov.u32 s19;
	s31 =	smul.f32 s31, s10;
	v58 =	vadd.f32 v6, v58;
	v51 =	vld [tilespmem:s26+$0xFFFFBFE0];
	v1 =	vmul.f32 v37, v37;
	s15 =	ssub.f32 $1.500000000e+00, s15;
	v7 =	vmul.f32 v36, v36  }
0x173: {  	s23 =	sadd.s32 $0x3, s21;
	s9 =	smul.f32 s13, s9;
	v6 =	vmul.f32 v39, v39;
	v61 =	vld [tilespmem:s26+$0xFFFF3FE0];
	v57 =	vmul.f32 v32, v32;
	v40 =	vadd.f32 v55, v54  }
0x174: {  	v62 =	vld [tilespmem:s26+$0xFFFF0000];
	v0 =	vadd.f32 v34, v32;
	s12 =	smul.f32 s15, s12;
	v1 =	vadd.f32 v7, v1;
	v7 =	vmov s23  }
0x175: {  	s16 =	smul.f32 s11, s30;
	s17 =	ssub.f32 $1.500000000e+00, s31;
	v41 =	vadd.f32 v41, v57;
	v54 =	vld [tilespmem:s26+$0xFFFEFFD0];
	v56 =	vadd.f32 v40, v56;
	v40 =	vand.u32 $0xFF, v7  }
0x176: {  	v52 =	vmul.f32 v38, v38;
	v0 =	vadd.f32 v59, v0;
	v55 =	vld [tilespmem:s26+$0xFFFF3FD0];
	s18 =	smul.f32 s12, s8;
	v60 =	vbroadcast v40, $0x0  }
0x177: {  	(xrf2) =	vadd.scan.msk.f32 $0xffff, v42;
	s6 =	smul.f32 s17, s10;
	v58 =	vadd.f32 v58, v41;
	v41 =	vor.u32 v4, v53;
	v40 =	vor.u32 v5, v53;
	v53 =	vld [tilespmem:$0x1FEC0]  }
0x178: {  	v59 =	vadd.f32 v39, v38;
	s14 =	smul.f32 s18, s12;
	v13 =	vor.u32 v3, v60;
	v3 =	vld [tilespmem:$0x1FED0]  }
0x179: {  	v63 =	vld [tilespmem:s26+$0xFFFF4000];
	v52 =	vadd.f32 v6, v52;
	s2 =	smul.f32 s6, s2;
	(xrf2) =	vadd.scan.msk.f32 $0xffff, v0;
	v42 =	vadd.f32 v36, v37  }
0x17a: {  	v57 =	vld [tilespmem:s26+$0xFFFEFFE0];
	s15 =	smul.f32 s9, s29;
	s10 =	ssub.f32 $1.500000000e+00, s14  }
0x17b: {  	v0 =	vld [tilespmem:s26+$0xFFFEFFF0];
	s2 =	smul.f32 s2, s6;
	v42 =	vadd.f32 v59, v42;
	v52 =	vadd.f32 v52, v1;
	v1 =	vmov s7  }
0x17c: {  	v27 =	vand.u32 $0xFE, v27;
	v59 =	vld [tilespmem:s26+$0xFFFF3FF0];
	v54 =	vadd.f32 v55, v54;
	s17 =	smul.f32 s10, s12;
	v6 =	vsub.f32 v53, v1  }
0x17d: {  	s18 =	smul.f32 s15, s9;
	v47 =	vsub.f32 v47, v1;
	v45 =	vor.u32 v2, v60;
	v2 =	vld [tilespmem:s26+$0xFFFF7FD0];
	v3 =	vsub.f32 v3, v1  }
0x17e: {  	p0 =	slt.u32 s28, $0xFC;
	s23 =	smul.f32 s16, s11;
	(xrf2) =	vadd.scan.msk.f32 $0xffff, v42;
	v12 =	vor.u32 v4, v60;
	v42 =	vor.u32 v5, v60;
	v4 =	vld [tilespmem:s26+$0xFFFF7FE0];
	v60 =	vmul.f32 s17, v6  }
.Ltmp0:
0x17f: {  	s2 =	ssub.f32 $1.500000000e+00, s2;
	v55 =	vld [tilespmem:s26+$0xFFFFBFF0];
	v5 =	vadd.f32 v61, v57;
	v1 =	vsub.f32 v46, v1;
	v3 =	vmul.f32 s17, v3;
	(pc) =	sbr.rel @p0 .LBB2_2-.Ltmp0, $4  }
0x180: {  	s10 =	ssub.f32 $1.500000000e+00, s18;
	v57 =	vld [tilespmem:s26+$0xFFFF8000];
	v61 =	vadd.f32 v63, v62;
	v47 =	vmul.f32 s17, v47;
	v10 =	vmul.f32 v60, v10  }
0x181: {  	s29 =	smul.f32 s2, s6;
	s12 =	ssub.f32 $1.500000000e+00, s23;
	v59 =	vadd.f32 v59, v0;
	v53, _, _ =	vpop (xrf2);
	(xrf2) =	vadd.scan.msk.f32 $0xffff, v56;
	v56 =	vld [tilespmem:s26+$0xFFFF7FF0];
	v3 =	vmul.f32 v3, v11;
	v11 =	vmul.f32 s17, v1  }
0x182: {  	s31 =	smul.f32 s10, s9;
	(xrf2) =	vadd.scan.msk.f32 $0xffff, v58;
	v62 =	vmul.f32 v47, v43;
	v58 =	vld [tilespmem:s26+$0xFFFFFFF0];
	v0 =	vadd.f32 v2, v54;
	v46 =	vadd.f32 v10, v9  }
0x183: {  	s19 =	smov.u32 s28;
	s28 =	sadd.s32 $0x4, s28;
	s30 =	smul.f32 s12, s11;
	v54, _, _ =	vpop (xrf2);
	v60 =	vld [tilespmem:s26+$0xFFFFC000];
	v1 =	vadd.f32 v4, v5;
	v47 =	vadd.f32 v3, v8;
	v63 =	vmul.f32 v11, v44  }
0x184: {  	v2 =	vld [tilespmem:s26+$0x0]  }
0x185: {  	v3 =	vld [tilespmem:s26+$0xFFFEFF40]  }
0x186: {  	v6 =	vld [tilespmem:s26+$0xFFFF3F10]  }
0x187: {  	v5 =	vld [tilespmem:s26+$0xFFFEFF20]  }
0x188: {  	v43 =	vld [tilespmem:s26+$0xFFFF3F20]  }
0x189: {  	v10 =	vld [tilespmem:s26+$0xFFFEFF30]  }
0x18a: {  	v44 =	vld [tilespmem:s26+$0xFFFF3F30];
	[tilespmem:$0x1FBF0] =	vst v3  }
0x18b: {  	v3 =	vld [tilespmem:s26+$0xFFFF3F40];
	_ =	sdelay $0x4  }
0x18c: {  	[tilespmem:$0x1FC00] =	vst v3  }
0x18d: {  	v3 =	vld [tilespmem:s26+$0xFFFEFF50];
	_ =	sdelay $0x4  }
0x18e: {  	[tilespmem:$0x1FC10] =	vst v3  }
0x18f: {  	v3 =	vld [tilespmem:s26+$0xFFFF3F50];
	_ =	sdelay $0x4  }
0x190: {  	[tilespmem:$0x1FC20] =	vst v3  }
0x191: {  	v3 =	vld [tilespmem:s26+$0xFFFEFF60];
	_ =	sdelay $0x4  }
0x192: {  	[tilespmem:$0x1FC30] =	vst v3  }
0x193: {  	v3 =	vld [tilespmem:s26+$0xFFFF3F60];
	_ =	sdelay $0x4  }
0x194: {  	[tilespmem:$0x1FC40] =	vst v3  }
0x195: {  	v3 =	vld [tilespmem:s26+$0xFFFEFF70];
	_ =	sdelay $0x4  }
0x196: {  	[tilespmem:$0x1FC50] =	vst v3  }
0x197: {  	v3 =	vld [tilespmem:s26+$0xFFFF3F70];
	_ =	sdelay $0x4  }
0x198: {  	[tilespmem:$0x1FC60] =	vst v3  }
0x199: {  	v3 =	vld [tilespmem:s26+$0xFFFEFF80];
	_ =	sdelay $0x4  }
0x19a: {  	[tilespmem:$0x1FC70] =	vst v3  }
0x19b: {  	v3 =	vld [tilespmem:s26+$0xFFFF3F80];
	_ =	sdelay $0x4  }
0x19c: {  	[tilespmem:$0x1FC80] =	vst v3  }
0x19d: {  	v3 =	vld [tilespmem:s26+$0xFFFEFF90];
	_ =	sdelay $0x4  }
0x19e: {  	[tilespmem:$0x1FC90] =	vst v3  }
0x19f: {  	v3 =	vld [tilespmem:s26+$0xFFFF3F90];
	_ =	sdelay $0x4  }
0x1a0: {  	v56 =	vadd.f32 v56, v59;
	[tilespmem:$0x1FCA0] =	vst v3  }
0x1a1: {  	v57 =	vadd.f32 v57, v61;
	v1 =	vadd.f32 v51, v1;
	v7 =	vld [tilespmem:s26+$0xFFFEFFA0]  }
0x1a2: {  	v0 =	vadd.f32 v50, v0;
	v61 =	vadd.f32 v55, v56;
	v8 =	vld [tilespmem:s26+$0xFFFF3FA0]  }
0x1a3: {  	v4 =	vadd.f32 v49, v1;
	v60 =	vadd.f32 v60, v57;
	v9 =	vld [tilespmem:s26+$0xFFFEFFB0]  }
0x1a4: {  	v1 =	vadd.f32 v58, v61;
	v59 =	vld [tilespmem:s26+$0xFFFF3FB0]  }
0x1a5: {  	v3 =	vadd.f32 v48, v0;
	v0 =	vadd.f32 v2, v60;
	v11 =	vld [tilespmem:s26+$0xFFFEFFC0];
	[tilespmem:$0x1FD80] =	vst v4  }
0x1a6: {  	v56 =	vld [tilespmem:s26+$0xFFFF3FC0];
	[tilespmem:$0x1FD90] =	vst v1  }
0x1a7: {  	[tilespmem:$0x1FDA0] =	vst v0  }
0x1a8: {  	v57 =	vld [tilespmem:s26+$0xFFFEFF10];
	[tilespmem:$0x1FD70] =	vst v3  }
0x1a9: {  	v61 =	vld [tilespmem:s26+$0xFFFF7F10];
	_ =	sdelay $0x4  }
0x1aa: {  	[tilespmem:$0x1FCB0] =	vst v61  }
0x1ab: {  	v48 =	vld [tilespmem:s26+$0xFFFF7F20];
	_ =	sdelay $0x4  }
0x1ac: {  	[tilespmem:$0x1FCC0] =	vst v48  }
0x1ad: {  	v55 =	vmul.f32 v0, v0;
	v60 =	vadd.f32 v0, v1;
	v0 =	vld [tilespmem:s26+$0xFFFF7F30];
	_ =	sdelay $0x4  }
0x1ae: {  	[tilespmem:$0x1FCD0] =	vst v0  }
0x1af: {  	v0 =	vld [tilespmem:s26+$0xFFFF7F40];
	_ =	sdelay $0x4  }
0x1b0: {  	[tilespmem:$0x1FCE0] =	vst v0  }
0x1b1: {  	v0 =	vld [tilespmem:s26+$0xFFFF7F50];
	_ =	sdelay $0x4  }
0x1b2: {  	[tilespmem:$0x1FCF0] =	vst v0  }
0x1b3: {  	v0 =	vld [tilespmem:s26+$0xFFFF7F80];
	_ =	sdelay $0x1  }
0x1b4: {  	v58 =	vadd.f32 v4, v3  }
0x1b5: {  	(v2sf) =	vpush v53, $0xF;
	v53 =	vmul.f32 v1, v1  }
0x1b6: {  	v58 =	vadd.f32 v60, v58;
	v60 =	vld [tilespmem:s26+$0xFFFF7F60]  }
0x1b7: {  	v51 =	vmul.f32 v4, v4;
	v4 =	vadd.f32 v55, v53;
	v55 =	vld [tilespmem:s26+$0xFFFF7F70];
	[tilespmem:$0x1FD00] =	vst v0  }
0x1b8: {  	v0 =	vld [tilespmem:s26+$0xFFFF7FA0];
	_ =	sdelay $0x3  }
0x1b9: {  	(v2sf) =	vpush v54, $0xF;
	v61, _, _ =	vpop (xrf2)  }
0x1ba: {  	(v2sf) =	vpush v61, $0xF;
	v61 =	vld [tilespmem:s26+$0xFFFF7F90];
	[tilespmem:$0x1FD10] =	vst v0  }
0x1bb: {  	v0 =	vld [tilespmem:s26+$0xFFFF7FB0];
	_ =	sdelay $0x3  }
0x1bc: {  	v1 =	vld [tilespmem:$0x1FC00]  }
0x1bd: {  	[tilespmem:$0x1FD20] =	vst v0;
	v0 =	vld [tilespmem:$0x1FBF0];
	_ =	sdelay $0x4  }
0x1be: {  	v49 =	vadd.f32 v1, v0;
	v0 =	vld [tilespmem:$0x1FC10]  }
0x1bf: {  	v1 =	vld [tilespmem:$0x1FC20];
	_ =	sdelay $0x4  }
0x1c0: {  	v48 =	vadd.f32 v1, v0;
	v0 =	vld [tilespmem:$0x1FC30]  }
0x1c1: {  	v1 =	vld [tilespmem:$0x1FC40];
	_ =	sdelay $0x3  }
0x1c2: {  	(xrf2) =	vadd.scan.msk.f32 $0xffff, v52  }
0x1c3: {  	v2 =	vmul.f32 v3, v3;
	v52 =	vadd.f32 v1, v0;
	v0 =	vld [tilespmem:$0x1FC50]  }
0x1c4: {  	v1 =	vld [tilespmem:$0x1FC60]  }
0x1c5: {  	v2 =	vadd.f32 v51, v2;
	_ =	sdelay $0x1  }
0x1c6: {  	v2 =	vadd.f32 v4, v2;
	_ =	sdelay $0x1  }
0x1c7: {  	v51 =	vadd.f32 v1, v0;
	v0 =	vld [tilespmem:$0x1FC70]  }
0x1c8: {  	(xrf2) =	vadd.scan.msk.f32 $0xffff, v58;
	v4, _, _ =	vpop (xrf2);
	v1 =	vld [tilespmem:$0x1FC80]  }
0x1c9: {  	(xrf2) =	vadd.scan.msk.f32 $0xffff, v2;
	(v2sf) =	vpush v4, $0xF;
	v2, _, _ =	vpop (xrf2)  }
0x1ca: {  	(v2sf) =	vpush v2, $0xF;
	v2, _, _ =	vpop (xrf2)  }
0x1cb: {  	(v2sf) =	vpush v2, $0xF;
	v2 =	vld [tilespmem:$0x1FCA0]  }
0x1cc: {  	v54 =	vld [tilespmem:s26+$0xFFFF7FC0]  }
0x1cd: {  	v53 =	vadd.f32 v1, v0;
	v1 =	vld [tilespmem:s26+$0xFFFFBF50]  }
0x1ce: {  	v58 =	vld [tilespmem:s26+$0xFFFFBF10]  }
0x1cf: {  	v5 =	vadd.f32 v43, v5;
	v43 =	vld [tilespmem:s26+$0xFFFFBF20]  }
0x1d0: {  	v4 =	vadd.f32 v44, v10;
	v10 =	vld [tilespmem:s26+$0xFFFFBF30]  }
0x1d1: {  	v44 =	vld [tilespmem:s26+$0xFFFFBF40]  }
0x1d2: {  	[tilespmem:$0x1FD30] =	vst v1;
	v1 =	vld [tilespmem:$0x1FC90];
	_ =	sdelay $0x3  }
0x1d3: {  	v3 =	vadd.f32 v56, v11;
	v56 =	vld [tilespmem:$0x1FCD0]  }
0x1d4: {  	v50 =	vadd.f32 v2, v1;
	v1 =	vld [tilespmem:s26+$0xFFFFBF60];
	_ =	sdelay $0x2  }
0x1d5: {  	v11 =	vld [tilespmem:$0x1FCC0];
	v0, _, _ =	vpop (xrf2)  }
0x1d6: {  	v4 =	vadd.f32 v56, v4;
	v56 =	vld [tilespmem:$0x1FD10];
	(v2sf) =	vpush v0, $0xF;
	v0, _, _ =	vpop (xrf2)  }
0x1d7: {  	(v2sf) =	vpush v0, $0xF;
	v0 =	vadd.f32 v6, v57;
	v57 =	vld [tilespmem:$0x1FCE0];
	[tilespmem:$0x1FD40] =	vst v1  }
0x1d8: {  	v1 =	vld [tilespmem:s26+$0xFFFFBF70]  }
0x1d9: {  	v2 =	vadd.f32 v59, v9;
	v9 =	vld [tilespmem:$0x1FCB0]  }
0x1da: {  	v51 =	vadd.f32 v55, v51;
	v55 =	vld [tilespmem:$0x1FD00]  }
0x1db: {  	v52 =	vadd.f32 v60, v52;
	v60 =	vld [tilespmem:$0x1FD30]  }
0x1dc: {  	v49 =	vadd.f32 v57, v49;
	v57 =	vld [tilespmem:$0x1FD20]  }
0x1dd: {  	v59 =	vld [tilespmem:$0x1FCF0];
	[tilespmem:$0x1FD50] =	vst v1  }
0x1de: {  	v0 =	vadd.f32 v9, v0;
	v9 =	vld [tilespmem:s26+$0xFFFFBFB0]  }
0x1df: {  	s2 =	spop (v2sf);
	v1 =	vadd.f32 v8, v7;
	v7 =	vld [tilespmem:s26+$0xFFFFBF80]  }
0x1e0: {  	s7 =	smul.f32 $1.562500000e-02, s2;
	s16 =	spop (v2sf);
	v8 =	vld [tilespmem:s26+$0xFFFFBF90]  }
0x1e1: {  	s8 =	smul.f32 $1.562500000e-02, s16;
	v5 =	vadd.f32 v11, v5;
	v11 =	vld [tilespmem:s26+$0xFFFFBFA0]  }
0x1e2: {  	s9 =	smul.f32 s7, s7;
	v4 =	vadd.f32 v10, v4;
	v10 =	vld [tilespmem:$0x1FD50]  }
0x1e3: {  	s10 =	smul.f32 s8, s8;
	s17 =	spop (v2sf);
	v53 =	vadd.f32 v55, v53;
	v50 =	vadd.f32 v61, v50;
	[tilespmem:$0x1FD60] =	vst v9;
	v9 =	vld [tilespmem:$0x1FD40]  }
0x1e4: {  	s2 =	smul.f32 $1.562500000e-02, s17;
	s11 =	spop (v2sf);
	v55 =	vadd.f32 v57, v2;
	v48 =	vadd.f32 v59, v48;
	v61 =	vld [tilespmem:s26+$0xFFFFFF10]  }
0x1e5: {  	s11 =	smul.f32 $1.562500000e-02, s11;
	s12 =	spop (v2sf);
	v0 =	vadd.f32 v58, v0;
	v1 =	vadd.f32 v56, v1;
	v2 =	vld [tilespmem:s26+$0xFFFFFF20]  }
0x1e6: {  	s12 =	smul.f32 $1.562500000e-02, s12;
	s13 =	spop (v2sf);
	v58 =	vadd.f32 v60, v48;
	v56 =	vadd.f32 v54, v3;
	v3 =	vld [tilespmem:s26+$0xFFFFFF30]  }
0x1e7: {  	s23 =	smul.f32 s2, s2;
	s9 =	ssub.f32 s11, s9;
	v60 =	vadd.f32 v10, v51;
	v10 =	vadd.f32 v11, v1;
	v1 =	vld [tilespmem:$0x1FD60]  }
0x1e8: {  	s18 =	smul.f32 $1.562500000e-02, s13;
	s10 =	ssub.f32 s12, s10;
	v54 =	vld [tilespmem:s26+$0xFFFFFF40]  }
0x1e9: {  	s6 =	sadd.f32 $9.999999740e-06, s9;
	v5 =	vadd.f32 v43, v5;
	v49 =	vadd.f32 v44, v49;
	v57 =	vld [tilespmem:s26+$0xFFFFFF50]  }
0x1ea: {  	s16 =	ssub.f32 s18, s23;
	v53 =	vadd.f32 v7, v53;
	v59 =	vld [tilespmem:s26+$0xFFFFBFC0];
	v0 =	vadd.f32 v61, v0  }
0x1eb: {  	s11 =	smul.f32 $5.000000000e-01, s6;
	s15 =	spop (v2sf);
	v43 =	vld [tilespmem:s26+$0xFFFFFF60];
	v52 =	vadd.f32 v9, v52;
	v5 =	vadd.f32 v2, v5  }
0x1ec: {  	s28 =	smul.f32 $1.562500000e-02, s15;
	s18 =	spop (v2sf);
	v9 =	vadd.f32 v8, v50;
	v50 =	vld [tilespmem:s26+$0xFFFFFF70];
	v51 =	vadd.f32 v1, v55;
	[tilespmem:$0x1FDD0] =	vst v0  }
0x1ed: {  	s17 =	sadd.f32 $9.999999740e-06, s10;
	s15 =	smul.f32 $1.562500000e-02, s18;
	v3 =	vadd.f32 v3, v4;
	v4 =	vadd.f32 v54, v49;
	v61 =	vld [tilespmem:s26+$0xFFFFFF80];
	[tilespmem:$0x1FDE0] =	vst v5  }
0x1ee: {  	s14 =	sadd.f32 $9.999999740e-06, s16;
	s13 =	sshra.s32 s6, $0x1;
	s16 =	smul.f32 s28, s28;
	v6 =	vadd.f32 v57, v58;
	v44 =	vmul.f32 v0, v0;
	v11 =	vmul.f32 v5, v5;
	v1 =	vld [tilespmem:s26+$0xFFFFFF90]  }
0x1ef: {  	s9 =	smul.f32 $5.000000000e-01, s17;
	s13 =	ssub.s32 $0x5F3759DF, s13;
	v2 =	vadd.f32 v59, v56;
	v49 =	vadd.f32 v5, v0;
	v59 =	vld [tilespmem:s26+$0xFFFFFFA0]  }
0x1f0: {  	s6 =	smul.f32 s13, s11;
	s15 =	ssub.f32 s15, s16;
	v55 =	vmul.f32 v4, v4;
	v0 =	vld [tilespmem:s26+$0xFFFFFFB0];
	[tilespmem:$0x1FE20] =	vst v6;
	v54 =	vadd.f32 v11, v44;
	v44 =	vmul.f32 v3, v3  }
0x1f1: {  	s12 =	sshra.s32 s17, $0x1;
	s10 =	smul.f32 $5.000000000e-01, s14;
	s23 =	sshra.s32 s14, $0x1;
	v5 =	vadd.f32 v43, v52;
	v43 =	vadd.f32 v4, v3;
	v52 =	vld [tilespmem:s26+$0xFFFFFFC0]  }
0x1f2: {  	s17 =	ssub.s32 $0x5F3759DF, s23;
	s14 =	smul.f32 s13, s6;
	s15 =	sadd.f32 $9.999999740e-06, s15;
	v8 =	vadd.f32 v50, v60;
	v50 =	vadd.f32 v55, v44  }
0x1f3: {  	s23 =	smul.f32 s17, s10;
	v49 =	vadd.f32 v43, v49;
	v7 =	vadd.f32 v61, v53  }
0x1f4: {  	v19 =	vmul.f32 s31, v19;
	s14 =	ssub.f32 $1.500000000e+00, s14;
	s26 =	ssub.s32 $0x5F3759DF, s12;
	[tilespmem:$0x1FE00] =	vst v3;
	s12 =	smul.f32 $5.000000000e-01, s15;
	v53 =	vadd.f32 v5, v6;
	v50 =	vadd.f32 v50, v54  }
0x1f5: {  	v20 =	vmul.f32 s29, v20;
	s6 =	sshra.s32 s15, $0x1;
	v3 =	vmovc v5;
	s15 =	smul.f32 s17, s23;
	[tilespmem:$0x1FE40] =	vst v8;
	v60 =	vadd.f32 v1, v9;
	v59 =	vadd.f32 v59, v10  }
0x1f6: {  	s23 =	smul.f32 s13, s14;
	v44 =	vmul.f32 v8, v8;
	(xrf2) =	vadd.scan.msk.f32 $0xffff, v49;
	v11 =	vadd.f32 v0, v51;
	v0 =	vadd.f32 v52, v2  }
0x1f7: {  	v48 =	vld [tilespmem:$0x1FFE0];
	s6 =	ssub.s32 $0x5F3759DF, s6;
	s18 =	smul.f32 s26, s9;
	v1 =	vmul.f32 v6, v6;
	v2 =	vmul.f32 v3, v3;
	[tilespmem:$0x1FE50] =	vst v7;
	v43 =	vadd.f32 v7, v8  }
0x1f8: {  	v56 =	vld [tilespmem:$0x1FEE0];
	s16 =	smul.f32 s6, s12;
	v61 =	vadd.f32 v59, v60;
	v8 =	vmul.f32 v11, v11;
	v6 =	vadd.f32 v0, v11;
	v3 =	vmovc v0  }
0x1f9: {  	v57 =	vld [tilespmem:$0x1FF10];
	s15 =	ssub.f32 $1.500000000e+00, s15;
	s18 =	smul.f32 s26, s18;
	[tilespmem:$0x1FE70] =	vst v0;
	v0 =	vmul.f32 v7, v7;
	v51 =	vadd.f32 v43, v53;
	v7 =	vmul.f32 v60, v60  }
0x1fa: {  	s16 =	smul.f32 s6, s16;
	v1 =	vadd.f32 v2, v1;
	v2 =	vmul.f32 v59, v59;
	v9 =	vmul.f32 v3, v3;
	v3 =	vld [tilespmem:$0x1FF00]  }
0x1fb: {  	v58 =	vmax.f32 v46, $0.0e+00;
	v55 =	vld [tilespmem:$0x1FEF0];
	s13 =	smul.f32 s17, s15;
	s14 =	ssub.f32 $1.500000000e+00, s18;
	v49 =	vadd.f32 v6, v61;
	v0 =	vadd.f32 v0, v44  }
0x1fc: {  	s18 =	smul.f32 s23, s11;
	[tilespmem:$0x1FE60] =	vst v11;
	s17 =	ssub.f32 $1.500000000e+00, s16;
	(xrf2) =	vadd.scan.msk.f32 $0xffff, v51;
	v2 =	vadd.f32 v2, v7;
	v7 =	vld [tilespmem:$0x1FF80];
	v10 =	vadd.f32 v9, v8  }
0x1fd: {  	s14 =	smul.f32 s26, s14;
	v11 =	vadd.f32 v62, v56;
	v62 =	vmul.f32 s30, v15;
	v9 =	vld [tilespmem:$0x1FF20];
	(xrf2) =	vadd.scan.msk.f32 $0xffff, v49;
	v0 =	vadd.f32 v0, v1  }
0x1fe: {  	s6 =	smul.f32 s6, s17;
	v51 =	vmul.f32 s31, v18;
	v61 =	vmul.f32 s30, v57;
	v8 =	vld [tilespmem:$0x1FF40];
	(xrf2) =	vadd.scan.msk.f32 $0xffff, v50;
	v2 =	vadd.f32 v10, v2  }
0x1ff: {  	s16 =	smul.f32 s18, s23;
	v44 =	vmax.f32 v47, $0.0e+00;
	v6 =	vld [tilespmem:$0x1FFB0];
	v1 =	vmul.f32 s31, v17;
	v3 =	vmul.f32 s31, v3;
	(xrf2) =	vadd.scan.msk.f32 $0xffff, v0  }
0x200: {  	v46 =	vld [tilespmem:$0x1FFA0];
	s26 =	smul.f32 s6, s12;
	v0 =	vmul.f32 s30, v14;
	v14 =	vmul.f32 s30, v16;
	(xrf2) =	vadd.scan.msk.f32 $0xffff, v2;
	v2 =	vmax.f32 v11, $0.0e+00  }
0x201: {  	s18 =	smul.f32 s13, s10;
	v43 =	vld [tilespmem:$0x1FF70];
	s16 =	ssub.f32 $1.500000000e+00, s16;
	v15, _, _ =	vpop (xrf2);
	v16 =	vadd.f32 v63, v55;
	v1 =	vmul.f32 v1, v7;
	[tilespmem:$0x1FDB0] =	vst v2;
	v2 =	vmul.f32 s29, v21  }
0x202: {  	s17 =	smul.f32 s26, s6;
	(v2sf) =	vpush v15, $0xF;
	v21 =	vmul.f32 s29, v22;
	v22 =	vmul.f32 s29, v23  }
0x203: {  	s26 =	smul.f32 s16, s23;
	v23 =	vmul.f32 v51, v9;
	v15 =	vmax.f32 v16, $0.0e+00;
	v16 =	vmul.f32 v19, v8  }
0x204: {  	[tilespmem:$0x1FE30] =	vst v5;
	s23 =	smul.f32 s18, s13;
	v63 =	vor.u32 v48, v25;
	v19 =	vmul.f32 v3, v6;
	v5 =	vmul.f32 v61, v9  }
0x205: {  	v14 =	vmul.f32 v14, v7;
	v51 =	vmul.f32 v62, v6;
	v1 =	vadd.f32 v1, v56  }
0x206: {  	s18 =	ssub.f32 $1.500000000e+00, s23;
	v50 =	vmul.f32 v20, v9;
	v23 =	vadd.f32 v23, v43;
	v16 =	vadd.f32 v16, v46  }
0x207: {  	v2 =	vmul.f32 v2, v8;
	v52 =	vmul.f32 v21, v7;
	v19 =	vadd.f32 v19, v55;
	v10, _, _ =	vpop (xrf2)  }
0x208: {  	s30 =	smul.f32 s18, s13;
	s18 =	sadd.s32 $0x2, s21;
	v49 =	vmax.f32 v16, $0.0e+00;
	v16 =	vmov s8;
	(v2sf) =	vpush v10, $0xF  }
0x209: {  	v62 =	vmov s18;
	v32 =	vsub.f32 v32, v16;
	v34 =	vsub.f32 v34, v16;
	v11, _, _ =	vpop (xrf2)  }
0x20a: {  	v47 =	vmax.f32 v1, $0.0e+00;
	v33 =	vsub.f32 v33, v16;
	(v2sf) =	vpush v11, $0xF;
	v20, _, _ =	vpop (xrf2)  }
0x20b: {  	v61 =	vld [tilespmem:$0x1FFC0];
	v18 =	vmax.f32 v23, $0.0e+00;
	v35 =	vsub.f32 v35, v16;
	v21, _, _ =	vpop (xrf2);
	(v2sf) =	vpush v20, $0xF  }
0x20c: {  	v11 =	vld [tilespmem:$0x1FFF0];
	v20 =	vadd.f32 v5, v43;
	(v2sf) =	vpush v21, $0xF;
	v21 =	vmov s7;
	v23, _, _ =	vpop (xrf2)  }
0x20d: {  	s17 =	ssub.f32 $1.500000000e+00, s17;
	v16 =	vbroadcast v27, $0x0;
	v10 =	vld [tilespmem:$0x1FFD0];
	v53 =	vsub.f32 v28, v21;
	(v2sf) =	vpush v23, $0xF  }
0x20e: {  	v5 =	vsub.f32 v29, v21;
	v29 =	vmax.f32 v19, $0.0e+00;
	v54 =	vsub.f32 v30, v21  }
0x20f: {  	s6 =	smul.f32 s17, s6;
	v31 =	vsub.f32 v31, v21;
	v30 =	vmax.f32 v20, $0.0e+00;
	v19 =	vmov s2  }
0x210: {  	v21 =	vor.u32 v48, v16;
	v20 =	vor.u32 v61, v16;
	v23 =	vadd.f32 v14, v56  }
0x211: {  	s12 =	smul.f32 s6, s12;
	v37 =	vsub.f32 v37, v19;
	v36 =	vsub.f32 v36, v19;
	v1 =	vor.u32 v11, v16  }
0x212: {  	v38 =	vsub.f32 v38, v19;
	v39 =	vsub.f32 v39, v19;
	v19 =	vor.u32 v10, v16;
	[tilespmem:$0x1FDF0] =	vst v1;
	v1 =	vld [tilespmem:$0x1FD70]  }
0x213: {  	s23 =	smul.f32 s12, s6;
	v16 =	vadd.f32 v51, v55;
	v51 =	vmax.f32 v23, $0.0e+00;
	v23 =	vadd.f32 v50, v43  }
0x214: {  	v2 =	vadd.f32 v2, v46;
	v57 =	vor.u32 v61, v25;
	v28 =	vor.u32 v10, v25  }
0x215: {  	[tilespmem:$0x1FDC0] =	vst v63;
	s7 =	ssub.f32 $1.500000000e+00, s23;
	v27 =	vor.u32 v11, v25;
	v25 =	vmov s21;
	v63 =	vmax.f32 v23, $0.0e+00  }
0x216: {  	[tilespmem:$0x1FE10] =	vst v4;
	v3 =	vld [tilespmem:$0x1FD90];
	s12 =	smul.f32 s30, s10;
	v23 =	vand.u32 $0xFC, v25;
	v25 =	vand.u32 $0xFE, v62;
	v62 =	vmov s28  }
0x217: {  	v17 =	vmax.f32 v2, $0.0e+00;
	v2 =	vld [tilespmem:$0x1FD80];
	s10 =	smul.f32 s7, s6;
	[tilespmem:v45+s4+$0x0] =	vst.idx.msk $0xffff, v58;
	v1 =	vsub.f32 v1, v62  }
0x218: {  	v22 =	vmul.f32 v22, v6;
	[tilespmem:v13+s4+$0x0] =	vst.idx.msk $0xffff, v44  }
0x219: {  	v45 =	vmul.f32 s10, v1;
	v1 =	vld [tilespmem:$0x1FDA0]  }
0x21a: {  	v22 =	vadd.f32 v22, v55;
	_ =	sdelay $0x1  }
0x21b: {  	v14 =	vmax.f32 v22, $0.0e+00;
	v22 =	vbroadcast v23, $0x0;
	_ =	sdelay $0x1  }
0x21c: {  	v44 =	vsub.f32 v1, v62;
	v1 =	vor.u32 v11, v22  }
0x21d: {  	[tilespmem:$0x1FE80] =	vst v1;
	v1 =	vld [tilespmem:$0x1FDB0]  }
0x21e: {  	[tilespmem:v24+s4+$0x0] =	vst.idx.msk $0xffff, v18  }
0x21f: {  	s15 =	smul.f32 s14, s9;
	[tilespmem:v26+s4+$0x0] =	vst.idx.msk $0xffff, v49  }
0x220: {  	[tilespmem:v41+s4+$0x0] =	vst.idx.msk $0xffff, v47  }
0x221: {  	s15 =	smul.f32 s15, s14;
	[tilespmem:v40+s4+$0x0] =	vst.idx.msk $0xffff, v29  }
0x222: {  	[tilespmem:v12+s4+$0x0] =	vst.idx.msk $0xffff, v1  }
0x223: {  	s15 =	ssub.f32 $1.500000000e+00, s15;
	[tilespmem:v42+s4+$0x0] =	vst.idx.msk $0xffff, v15  }
0x224: {  	v12 =	vld [tilespmem:$0x1FDC0]  }
0x225: {  	s29 =	smul.f32 s15, s14  }
0x226: {  	s11 =	smul.f32 s26, s11  }
0x227: {  	s9 =	smul.f32 s29, s9  }
0x228: {  	v0 =	vmul.f32 v0, v8;
	s13 =	smul.f32 s11, s26;
	v50 =	vmax.f32 v16, $0.0e+00;
	v16 =	vadd.f32 v52, v56  }
0x229: {  	s11 =	smul.f32 s9, s29;
	s14 =	spop (v2sf);
	[tilespmem:v21+s4+$0x0] =	vst.idx.msk $0xffff, v63  }
0x22a: {  	v0 =	vadd.f32 v0, v46;
	v16 =	vmax.f32 v16, $0.0e+00;
	s15 =	spop (v2sf);
	[tilespmem:v20+s4+$0x0] =	vst.idx.msk $0xffff, v17  }
0x22b: {  	s16 =	sadd.s32 $0x1, s21;
	s11 =	ssub.f32 $1.500000000e+00, s11;
	s17 =	spop (v2sf);
	[tilespmem:v19+s4+$0x0] =	vst.idx.msk $0xffff, v16  }
0x22c: {  	v4 =	vmax.f32 v0, $0.0e+00;
	v52 =	vmov s16;
	s7 =	smul.f32 $1.562500000e-02, s17;
	s16 =	spop (v2sf);
	[tilespmem:v12+s4+$0x0] =	vst.idx.msk $0xffff, v30  }
0x22d: {  	s17 =	smul.f32 $1.562500000e-02, s16;
	[tilespmem:v57+s4+$0x0] =	vst.idx.msk $0xffff, v4  }
0x22e: {  	s16 =	smul.f32 s11, s29;
	[tilespmem:v28+s4+$0x0] =	vst.idx.msk $0xffff, v51  }
0x22f: {  	s6 =	ssub.f32 $1.500000000e+00, s13;
	[tilespmem:v27+s4+$0x0] =	vst.idx.msk $0xffff, v50  }
0x230: {  	v26 =	vmul.f32 s16, v32;
	v13 =	vld [tilespmem:$0x1FDD0]  }
0x231: {  	s6 =	smul.f32 s6, s26;
	v23 =	vand.u32 $0xFD, v52;
	v2 =	vsub.f32 v2, v62  }
0x232: {  	s2 =	smul.f32 $1.562500000e-02, s14;
	v3 =	vsub.f32 v3, v62;
	v52 =	vor.u32 v48, v22;
	v26 =	vmul.f32 v26, v9  }
0x233: {  	s9 =	smul.f32 s12, s30;
	v58 =	vor.u32 v61, v22;
	v62 =	vor.u32 v10, v22;
	v22 =	vmul.f32 v45, v9  }
0x234: {  	s8 =	smul.f32 $1.562500000e-02, s15;
	v45 =	vmul.f32 s6, v54;
	v20 =	vadd.f32 v26, v43;
	v26 =	vmov s2  }
0x235: {  	s9 =	ssub.f32 $1.500000000e+00, s9;
	s12 =	smul.f32 s2, s2;
	v16 =	vsub.f32 v13, v26;
	v13 =	vld [tilespmem:$0x1FDE0]  }
0x236: {  	s21 =	sadd.s32 $0x3, s19;
	s23 =	smul.f32 s8, s8;
	s18 =	spop (v2sf);
	v28 =	vmul.f32 v45, v7  }
0x237: {  	v0 =	vmov s21;
	s15 =	smul.f32 $1.562500000e-02, s18;
	s21 =	spop (v2sf)  }
0x238: {  	s12 =	ssub.f32 s17, s12;
	s13 =	smul.f32 $1.562500000e-02, s21;
	v28 =	vadd.f32 v28, v56  }
0x239: {  	s14 =	ssub.f32 s15, s23;
	s23 =	smul.f32 s7, s7  }
0x23a: {  	s12 =	sadd.f32 $9.999999740e-06, s12;
	v19 =	vmax.f32 v28, $0.0e+00;
	v28 =	vsub.f32 v13, v26;
	v13 =	vld [tilespmem:$0x1FDF0]  }
0x23b: {  	v0 =	vand.u32 $0xFF, v0;
	s17 =	ssub.f32 s13, s23  }
0x23c: {  	v0 =	vbroadcast v0, $0x0;
	s13 =	smul.f32 s9, s30;
	s14 =	sadd.f32 $9.999999740e-06, s14  }
0x23d: {  	s9 =	smul.f32 $5.000000000e-01, s12;
	s18 =	sshra.s32 s12, $0x1;
	s15 =	sadd.f32 $9.999999740e-06, s17  }
0x23e: {  	v1 =	vor.u32 v48, v0;
	s11 =	smul.f32 $5.000000000e-01, s14;
	s12 =	ssub.s32 $0x5F3759DF, s18  }
0x23f: {  	v5 =	vmul.f32 s6, v5;
	v2 =	vmul.f32 s10, v2;
	s23 =	smul.f32 s12, s9  }
0x240: {  	v3 =	vmul.f32 s10, v3;
	v44 =	vmul.f32 s10, v44;
	v22 =	vadd.f32 v22, v43;
	s14 =	sshra.s32 s14, $0x1;
	s10 =	smul.f32 $5.000000000e-01, s15  }
0x241: {  	v31 =	vmul.f32 s6, v31;
	v42 =	vmul.f32 s6, v53;
	s6 =	ssub.s32 $0x5F3759DF, s14;
	s21 =	sshra.s32 s15, $0x1;
	s15 =	smul.f32 s12, s23  }
0x242: {  	v22 =	vmax.f32 v22, $0.0e+00;
	s26 =	smul.f32 s6, s11;
	s14 =	ssub.s32 $0x5F3759DF, s21;
	[tilespmem:v13+s4+$0x0] =	vst.idx.msk $0xffff, v14  }
0x243: {  	s18 =	smul.f32 s14, s10;
	s21 =	ssub.f32 $1.500000000e+00, s15;
	v13 =	vld [tilespmem:$0x1FE00];
	[tilespmem:v1+s4+$0x0] =	vst.idx.msk $0xffff, v22  }
0x244: {  	s17 =	smul.f32 s6, s26;
	v1 =	vld [tilespmem:$0x1FE10]  }
0x245: {  	s12 =	smul.f32 s12, s21  }
0x246: {  	s23 =	smul.f32 s14, s18;
	s26 =	ssub.f32 $1.500000000e+00, s17  }
0x247: {  	v5 =	vmul.f32 v5, v8;
	s17 =	smul.f32 s12, s9  }
0x248: {  	v2 =	vmul.f32 v2, v8;
	v15 =	vor.u32 v61, v0;
	s6 =	smul.f32 s6, s26  }
0x249: {  	v3 =	vmul.f32 v3, v7;
	v5 =	vadd.f32 v5, v46;
	s15 =	ssub.f32 $1.500000000e+00, s23;
	s23 =	smul.f32 s17, s12;
	v22 =	vsub.f32 v1, v26;
	v1 =	vld [tilespmem:$0x1FE20]  }
0x24a: {  	v2 =	vadd.f32 v2, v46;
	v54 =	vmul.f32 s13, v36;
	v40 =	vmul.f32 s13, v38;
	s18 =	smul.f32 s6, s11  }
0x24b: {  	v3 =	vadd.f32 v3, v56;
	v41 =	vmul.f32 s13, v39;
	v30 =	vmul.f32 s13, v37;
	s13 =	smul.f32 s14, s15;
	s2 =	ssub.f32 $1.500000000e+00, s23  }
0x24c: {  	v23 =	vbroadcast v23, $0x0;
	v31 =	vmul.f32 v31, v6;
	v2 =	vmax.f32 v2, $0.0e+00;
	s26 =	smul.f32 s18, s6  }
0x24d: {  	v5 =	vmax.f32 v5, $0.0e+00;
	v3 =	vmax.f32 v3, $0.0e+00;
	s2 =	smul.f32 s2, s12;
	v14 =	vmov s8;
	[tilespmem:v15+s4+$0x0] =	vst.idx.msk $0xffff, v2  }
0x24e: {  	v33 =	vmul.f32 s16, v33;
	s21 =	smul.f32 s13, s10;
	s14 =	ssub.f32 $1.500000000e+00, s26;
	v13 =	vsub.f32 v13, v26;
	v26 =	vsub.f32 v1, v14;
	v1 =	vld [tilespmem:$0x1FE30]  }
0x24f: {  	v24 =	vor.u32 v10, v0;
	v18 =	vmov s19;
	v49 =	vmul.f32 s16, v34;
	s17 =	smul.f32 s2, s9  }
0x250: {  	v33 =	vmul.f32 v33, v7;
	v32 =	vor.u32 v10, v23;
	v29 =	vmul.f32 v44, v6;
	s6 =	smul.f32 s14, s6  }
0x251: {  	v18 =	vand.u32 $0xFC, v18;
	v53 =	vmul.f32 s16, v35;
	v44 =	vmul.f32 v42, v9;
	s8 =	smul.f32 s17, s2  }
0x252: {  	v33 =	vadd.f32 v33, v56;
	v0 =	vor.u32 v11, v0;
	v29 =	vadd.f32 v29, v55;
	s18 =	smul.f32 s6, s11  }
0x253: {  	v34 =	vmul.f32 v53, v6;
	v47 =	vadd.f32 v44, v43;
	s15 =	smul.f32 s21, s13;
	s8 =	ssub.f32 $1.500000000e+00, s8;
	v2 =	vsub.f32 v1, v14;
	v1 =	vld [tilespmem:$0x1FE40]  }
0x254: {  	v35 =	vmul.f32 v54, v8;
	v36 =	vmul.f32 v41, v6;
	v20 =	vmax.f32 v20, $0.0e+00;
	s9 =	smul.f32 s18, s6  }
0x255: {  	v34 =	vadd.f32 v34, v55;
	v21 =	vmax.f32 v47, $0.0e+00;
	v37 =	vor.u32 v48, v23;
	s2 =	smul.f32 s8, s2  }
0x256: {  	v12 =	vadd.f32 v31, v55;
	v4 =	vmul.f32 v40, v7;
	v30 =	vmul.f32 v30, v9;
	s9 =	ssub.f32 $1.500000000e+00, s9  }
0x257: {  	v27 =	vmax.f32 v29, $0.0e+00;
	s16 =	ssub.f32 $1.500000000e+00, s15;
	v16 =	vmul.f32 s2, v16;
	v13 =	vmul.f32 s2, v13;
	[tilespmem:v24+s4+$0x0] =	vst.idx.msk $0xffff, v3  }
0x258: {  	v29 =	vmul.f32 v49, v8;
	v4 =	vadd.f32 v4, v56;
	s6 =	smul.f32 s9, s6;
	v31 =	vsub.f32 v1, v14;
	v1 =	vld [tilespmem:$0x1FE50]  }
0x259: {  	v15 =	vmov s7;
	s7 =	smul.f32 s16, s13;
	v16 =	vmul.f32 v16, v9;
	v13 =	vmul.f32 v13, v7  }
0x25a: {  	v12 =	vmax.f32 v12, $0.0e+00;
	v29 =	vadd.f32 v29, v46;
	v49 =	vsub.f32 v59, v15;
	v51 =	vld [tilespmem:$0x1FE60]  }
0x25b: {  	s10 =	smul.f32 s7, s10;
	v16 =	vadd.f32 v16, v43;
	v13 =	vadd.f32 v13, v56;
	v57 =	vld [tilespmem:$0x1FE70];
	v2 =	vmul.f32 s6, v2;
	[tilespmem:v0+s4+$0x0] =	vst.idx.msk $0xffff, v27  }
0x25c: {  	v4 =	vmax.f32 v4, $0.0e+00;
	v24 =	vor.u32 v61, v23;
	v23 =	vor.u32 v11, v23;
	[tilespmem:v52+s4+$0x0] =	vst.idx.msk $0xffff, v21  }
0x25d: {  	s10 =	smul.f32 s10, s7;
	v2 =	vmul.f32 v2, v8;
	[tilespmem:v58+s4+$0x0] =	vst.idx.msk $0xffff, v5;
	v3 =	vsub.f32 v1, v14;
	v14 =	vbroadcast v25, $0x0  }
0x25e: {  	v16 =	vmax.f32 v16, $0.0e+00;
	v27 =	vadd.f32 v30, v43;
	v21 =	vmax.f32 v33, $0.0e+00;
	[tilespmem:v62+s4+$0x0] =	vst.idx.msk $0xffff, v19;
	v1 =	vmovc v10  }
0x25f: {  	s23 =	ssub.f32 $1.500000000e+00, s10;
	v30 =	vadd.f32 v35, v46;
	v25 =	vsub.f32 v60, v15;
	v63 =	vmovc v1;
	v60 =	vor.u32 v1, v14;
	v1 =	vld [tilespmem:$0x1FE80]  }
0x260: {  	v50 =	vmovc v11;
	v53 =	vsub.f32 v51, v15;
	v15 =	vsub.f32 v57, v15;
	v54 =	vor.u32 v48, v14  }
0x261: {  	s7 =	smul.f32 s23, s7;
	v59 =	vor.u32 v61, v14;
	v0 =	vor.u32 v50, v14;
	[tilespmem:v37+s4+$0x0] =	vst.idx.msk $0xffff, v20;
	v20 =	vmul.f32 s2, v22  }
0x262: {  	v14 =	vmax.f32 v29, $0.0e+00;
	v22 =	vmul.f32 s6, v31;
	v3 =	vmul.f32 s6, v3  }
0x263: {  	v2 =	vadd.f32 v2, v46;
	v15 =	vmul.f32 s7, v15;
	[tilespmem:v24+s4+$0x0] =	vst.idx.msk $0xffff, v14;
	v14 =	vmul.f32 s2, v28  }
0x264: {  	v35 =	vmax.f32 v27, $0.0e+00;
	v24 =	vmul.f32 s7, v49;
	[tilespmem:v32+s4+$0x0] =	vst.idx.msk $0xffff, v21;
	v21 =	vmul.f32 s6, v26  }
0x265: {  	s21 =	sadd.s32 $0x1, s19;
	v17 =	vmax.f32 v30, $0.0e+00;
	v20 =	vmul.f32 v20, v6;
	v22 =	vmul.f32 v22, v7  }
0x266: {  	v19 =	vmov s21;
	v3 =	vmul.f32 v3, v6;
	v15 =	vmul.f32 v15, v6  }
0x267: {  	v29 =	vmax.f32 v34, $0.0e+00;
	v14 =	vmul.f32 v14, v8;
	[tilespmem:v1+s4+$0x0] =	vst.idx.msk $0xffff, v12;
	v12 =	vbroadcast v18, $0x0  }
0x268: {  	[tilespmem:v23+s4+$0x0] =	vst.idx.msk $0xffff, v29;
	v23 =	vmul.f32 s7, v25;
	v21 =	vmul.f32 v21, v9;
	v3 =	vadd.f32 v3, v55  }
0x269: {  	v25 =	vmul.f32 s7, v53;
	[tilespmem:v54+s4+$0x0] =	vst.idx.msk $0xffff, v35;
	v14 =	vadd.f32 v14, v46;
	v40 =	vor.u32 v48, v12  }
0x26a: {  	[tilespmem:v59+s4+$0x0] =	vst.idx.msk $0xffff, v17;
	v1 =	vadd.f32 v36, v55;
	v18 =	vand.u32 $0xFD, v19;
	v17 =	vor.u32 v61, v12  }
0x26b: {  	v23 =	vmul.f32 v23, v9;
	v18 =	vbroadcast v18, $0x0;
	v47 =	vor.u32 v63, v12  }
0x26c: {  	s26 =	sadd.s32 $0x2, s19;
	[tilespmem:v60+s4+$0x0] =	vst.idx.msk $0xffff, v4;
	v49 =	vmax.f32 v14, $0.0e+00;
	v1 =	vmax.f32 v1, $0.0e+00;
	v12 =	vor.u32 v50, v12  }
0x26d: {  	v14 =	vadd.f32 v20, v55;
	v19 =	vmov s26;
	v26 =	vor.u32 v48, v18;
	[tilespmem:v0+s4+$0x0] =	vst.idx.msk $0xffff, v1  }
0x26e: {  	v44 =	vmovc v50;
	v19 =	vand.u32 $0xFE, v19;
	v50 =	vmax.f32 v13, $0.0e+00;
	v20 =	vor.u32 v61, v18;
	[tilespmem:v40+s4+$0x0] =	vst.idx.msk $0xffff, v16  }
0x26f: {  	v13 =	vbroadcast v19, $0x0;
	v16 =	vadd.f32 v21, v43;
	[tilespmem:v17+s4+$0x0] =	vst.idx.msk $0xffff, v49;
	v17 =	vor.u32 v63, v18  }
0x270: {  	v51 =	vmax.f32 v14, $0.0e+00;
	v14 =	vadd.f32 v22, v56;
	v52 =	vor.u32 v44, v18;
	[tilespmem:v47+s4+$0x0] =	vst.idx.msk $0xffff, v50  }
0x271: {  	v0 =	vmul.f32 v24, v8;
	v54 =	vmax.f32 v16, $0.0e+00;
	[tilespmem:v12+s4+$0x0] =	vst.idx.msk $0xffff, v51;
	v12 =	vor.u32 v48, v13  }
0x272: {  	v2 =	vmax.f32 v2, $0.0e+00;
	v1 =	vmul.f32 v25, v7;
	v57 =	vor.u32 v61, v13;
	[tilespmem:v26+s4+$0x0] =	vst.idx.msk $0xffff, v54  }
0x273: {  	v16 =	vor.u32 v63, v13;
	[tilespmem:v20+s4+$0x0] =	vst.idx.msk $0xffff, v2;
	v2 =	vmax.f32 v14, $0.0e+00;
	v14 =	vadd.f32 v23, v43  }
0x274: {  	v0 =	vadd.f32 v0, v46;
	v13 =	vor.u32 v44, v13;
	[tilespmem:v17+s4+$0x0] =	vst.idx.msk $0xffff, v2;
	v2 =	vmax.f32 v3, $0.0e+00  }
0x275: {  	v1 =	vadd.f32 v1, v56;
	[tilespmem:v52+s4+$0x0] =	vst.idx.msk $0xffff, v2;
	v2 =	vmax.f32 v14, $0.0e+00  }
0x276: {  	v0 =	vmax.f32 v0, $0.0e+00;
	[tilespmem:v12+s4+$0x0] =	vst.idx.msk $0xffff, v2;
	v2 =	vadd.f32 v15, v55  }
0x277: {  	[tilespmem:v57+s4+$0x0] =	vst.idx.msk $0xffff, v0;
	v0 =	vmax.f32 v1, $0.0e+00  }
0x278: {  	[tilespmem:v16+s4+$0x0] =	vst.idx.msk $0xffff, v0;
	v0 =	vmax.f32 v2, $0.0e+00  }
0x279: {  	[tilespmem:v13+s4+$0x0] =	vst.idx.msk $0xffff, v0  }
0x27a: {  	s9 =	simm.s32 $0x4000;
	s8 =	rddreg [dreg:$0xa]  }
0x27b: {  	[hbm4b:s8+s22] =	stream.strided.scatter [tilespmem:s4], [sflag:$0x2], $0x4000, s9, s22, $0x38;
	[tilespmem:$0x18580] =	vst v63  }
0x27c: {  	_ =	swait.ge [sflag:s20], $0x4000  }
0x27d: {  	[sflag:s20] =	ssyncset.done $0x0  }
0x27e: {  	s19 =	simm.s32 $0x0;
	s10 =	rddreg [dreg:$0xb];
	[sflag:s20] =	ssyncadd.s32 $0xFFFFC000  }
0x27f: {  	[tilespmem:s19], [sflag:$0x2] =	stream.linear.gather [hbm4b:s10+s19], $0x100, $0x38;
	[tilespmem:$0x18580] =	vst v63  }
0x280: {  	_ =	swait.ge [sflag:s20], $0x100  }
0x281: {  	[sflag:s20] =	ssyncset.done $0x0  }
0x282: {  	s11 =	rddreg [dreg:$0xc];
	[sflag:s20] =	ssyncadd.s32 $0xFFFFFF00  }
0x283: {  	[tilespmem:s22], [sflag:$0x2] =	stream.linear.gather [hbm4b:s11+s19], $0x100, $0x38;
	[tilespmem:$0x18580] =	vst v63  }
0x284: {  	_ =	swait.ge [sflag:s20], $0x100  }
0x285: {  	[sflag:s20] =	ssyncset.done $0x0  }
0x286: {  	s23 =	simm.s32 $0x200;
	s12 =	rddreg [dreg:$0xd];
	[sflag:s20] =	ssyncadd.s32 $0xFFFFFF00  }
0x287: {  	[tilespmem:s23], [sflag:$0x2] =	stream.linear.gather [hbm4b:s12+s19], $0x100, $0x38;
	[tilespmem:$0x18580] =	vst v63  }
0x288: {  	_ =	swait.ge [sflag:s20], $0x100  }
0x289: {  	[sflag:s20] =	ssyncset.done $0x0  }
0x28a: {  	s13 =	rddreg [dreg:$0xe];
	[sflag:s20] =	ssyncadd.s32 $0xFFFFFF00  }
0x28b: {  	[tilespmem:s24], [sflag:$0x2] =	stream.linear.gather [hbm4b:s13+s19], $0x100, $0x38;
	[tilespmem:$0x18580] =	vst v63  }
0x28c: {  	_ =	swait.ge [sflag:s20], $0x100  }
0x28d: {  	[sflag:s20] =	ssyncset.done $0x0  }
0x28e: {  	s14 =	rddreg [dreg:$0xf];
	[sflag:s20] =	ssyncadd.s32 $0xFFFFFF00  }
0x28f: {  	[tilespmem:s25], [sflag:$0x2] =	stream.linear.gather [hbm4b:s14+s19], $0x100, $0x38;
	[tilespmem:$0x18580] =	vst v63  }
0x290: {  	_ =	swait.ge [sflag:s20], $0x100  }
0x291: {  	[sflag:s20] =	ssyncset.done $0x0  }
0x292: {  	s15 =	simm.s32 $0x500;
	[sflag:s20] =	ssyncadd.s32 $0xFFFFFF00  }
0x293: {  	[tilespmem:s15], [sflag:$0x1] =	stream.indirect.gather [hbm4b:s1+s22], $0x40, s19, s22, $0xb8;
	[tilespmem:$0x18580] =	vst v63  }
0x294: {  	s16 =	simm.s32 $0x4500  }
0x295: {  	[tilespmem:s16], [sflag:$0x1] =	stream.indirect.gather [hbm4b:s1+s22], $0x40, s22, s22, $0xb8;
	[tilespmem:$0x18580] =	vst v63  }
0x296: {  	s17 =	simm.s32 $0x8500  }
0x297: {  	[tilespmem:s17], [sflag:$0x1] =	stream.indirect.gather [hbm4b:s1+s22], $0x40, s23, s22, $0xb8;
	[tilespmem:$0x18580] =	vst v63  }
0x298: {  	s18 =	simm.s32 $0xC500  }
0x299: {  	[tilespmem:s18], [sflag:$0x1] =	stream.indirect.gather [hbm4b:s1+s22], $0x40, s24, s22, $0xb8;
	[tilespmem:$0x18580] =	vst v63  }
0x29a: {  	s21 =	simm.s32 $0x10500  }
0x29b: {  	[tilespmem:s21], [sflag:$0x1] =	stream.indirect.gather [hbm4b:s1+s22], $0x40, s25, s22, $0xb8;
	[tilespmem:$0x18580] =	vst v63  }
0x29c: {  	_ =	swait.ge [sflag:s0], $0x4000  }
0x29d: {  	[sflag:s0] =	ssyncset.done $0x0  }
0x29e: {  	[sflag:s0] =	ssyncadd.s32 $0xFFFFC000  }
0x29f: {  	_ =	swait.ge [sflag:s0], $0x4000  }
0x2a0: {  	[sflag:s0] =	ssyncset.done $0x0  }
0x2a1: {  	[sflag:s0] =	ssyncadd.s32 $0xFFFFC000  }
0x2a2: {  	_ =	swait.ge [sflag:s0], $0x4000  }
0x2a3: {  	[sflag:s0] =	ssyncset.done $0x0  }
0x2a4: {  	[sflag:s0] =	ssyncadd.s32 $0xFFFFC000  }
0x2a5: {  	_ =	swait.ge [sflag:s0], $0x4000  }
0x2a6: {  	[sflag:s0] =	ssyncset.done $0x0  }
0x2a7: {  	[sflag:s0] =	ssyncadd.s32 $0xFFFFC000  }
0x2a8: {  	_ =	swait.ge [sflag:s0], $0x4000  }
0x2a9: {  	[sflag:s0] =	ssyncset.done $0x0  }
0x2aa: {  	s26 =	simm.s32 $0x105F0;
	[sflag:s0] =	ssyncadd.s32 $0xFFFFC000  }
0x2ab: {  	v0 =	vld [tilespmem:s26+$0xFFFFFFD0]  }
0x2ac: {  	v1 =	vld [tilespmem:s26+$0xFFFFFFE0]  }
0x2ad: {  	v2 =	vld [tilespmem:s26+$0xFFFFBFD0]  }
0x2ae: {  	v3 =	vld [tilespmem:s26+$0xFFFFBFE0]  }
0x2af: {  	v59 =	vld [tilespmem:s26+$0xFFFEFFD0]  }
0x2b0: {  	v52 =	vld [tilespmem:s26+$0xFFFF3FD0]  }
0x2b1: {  	v12 =	vld [tilespmem:s26+$0xFFFEFFE0]  }
0x2b2: {  	v13 =	vld [tilespmem:s26+$0xFFFF3FE0]  }
0x2b3: {  	v14 =	vld [tilespmem:s26+$0xFFFEFFF0]  }
0x2b4: {  	v15 =	vld [tilespmem:s26+$0xFFFF3FF0]  }
0x2b5: {  	v16 =	vld [tilespmem:s26+$0xFFFF0000]  }
0x2b6: {  	v17 =	vld [tilespmem:s26+$0xFFFF4000]  }
0x2b7: {  	v18 =	vld [tilespmem:s26+$0xFFFF7FD0]  }
0x2b8: {  	v19 =	vld [tilespmem:s26+$0xFFFF7FE0]  }
0x2b9: {  	v20 =	vld [tilespmem:s26+$0xFFFF7FF0]  }
0x2ba: {  	v21 =	vld [tilespmem:s26+$0xFFFF8000]  }
0x2bb: {  	v22 =	vld [tilespmem:s26+$0xFFFFBFF0]  }
0x2bc: {  	v23 =	vld [tilespmem:s26+$0xFFFFC000]  }
0x2bd: {  	v24 =	vld [tilespmem:s26+$0xFFFFFFF0]  }
0x2be: {  	v25 =	vld [tilespmem:s26+$0x0]  }
0x2bf: {  	v26 =	vld [tilespmem:s26+$0xFFFF3F10]  }
0x2c0: {  	v27 =	vld [tilespmem:s26+$0xFFFEFF20]  }
0x2c1: {  	v28 =	vld [tilespmem:s26+$0xFFFF3F20]  }
0x2c2: {  	v29 =	vld [tilespmem:s26+$0xFFFEFF30]  }
0x2c3: {  	v30 =	vld [tilespmem:s26+$0xFFFF3F30]  }
0x2c4: {  	v31 =	vld [tilespmem:s26+$0xFFFEFF40]  }
0x2c5: {  	v32 =	vld [tilespmem:s26+$0xFFFF3F40]  }
0x2c6: {  	v33 =	vld [tilespmem:s26+$0xFFFEFF50]  }
0x2c7: {  	v34 =	vld [tilespmem:s26+$0xFFFF3F50]  }
0x2c8: {  	v35 =	vld [tilespmem:s26+$0xFFFEFF60]  }
0x2c9: {  	v36 =	vld [tilespmem:s26+$0xFFFF3F60]  }
0x2ca: {  	v37 =	vld [tilespmem:s26+$0xFFFEFF70]  }
0x2cb: {  	v38 =	vld [tilespmem:s26+$0xFFFF3F70]  }
0x2cc: {  	v39 =	vld [tilespmem:s26+$0xFFFEFF80]  }
0x2cd: {  	v40 =	vld [tilespmem:s26+$0xFFFF3F80]  }
0x2ce: {  	v41 =	vld [tilespmem:s26+$0xFFFEFF90]  }
0x2cf: {  	v42 =	vld [tilespmem:s26+$0xFFFF3F90]  }
0x2d0: {  	v10 =	vmov v43;
	v43 =	vld [tilespmem:s26+$0xFFFEFFA0]  }
0x2d1: {  	v62 =	vmov v63;
	v63 =	vmov v44;
	v44 =	vld [tilespmem:s26+$0xFFFF3FA0]  }
0x2d2: {  	v45 =	vld [tilespmem:s26+$0xFFFEFFB0]  }
0x2d3: {  	v60 =	vmov v46;
	v46 =	vld [tilespmem:s26+$0xFFFF3FB0]  }
0x2d4: {  	v47 =	vld [tilespmem:s26+$0xFFFEFFC0]  }
0x2d5: {  	v11 =	vmov v48;
	v48 =	vld [tilespmem:s26+$0xFFFF3FC0]  }
0x2d6: {  	v57 =	vld [tilespmem:s26+$0xFFFEFF10]  }
0x2d7: {  	v50 =	vld [tilespmem:s26+$0xFFFFBF50]  }
0x2d8: {  	v51 =	vld [tilespmem:s26+$0xFFFFBF60]  }
0x2d9: {  	s21 =	simm.s32 $0x106F0;
	v49 =	vld [tilespmem:s26+$0xFFFFFF20]  }
0x2da: {  	v58 =	vmov v9;
	v9 =	vmov v6;
	v6 =	vld [tilespmem:s21+$0xFFFF8000]  }
0x2db: {  	v54 =	vadd.f32 v13, v12;
	v13 =	vadd.f32 v17, v16;
	v16 =	vld [tilespmem:s26+$0xFFFF7F10]  }
0x2dc: {  	v17 =	vld [tilespmem:s26+$0xFFFF7F20]  }
0x2dd: {  	v4 =	vadd.f32 v52, v59;
	v52 =	vld [tilespmem:s26+$0xFFFFBF70]  }
0x2de: {  	v27 =	vadd.f32 v28, v27;
	v28 =	vld [tilespmem:s26+$0xFFFFBF80]  }
0x2df: {  	v29 =	vadd.f32 v30, v29;
	v30 =	vadd.f32 v32, v31;
	v31 =	vld [tilespmem:s26+$0xFFFFBF90]  }
0x2e0: {  	v32 =	vadd.f32 v34, v33;
	v34 =	vld [tilespmem:s26+$0xFFFFBFA0]  }
0x2e1: {  	v33 =	vadd.f32 v36, v35;
	v35 =	vadd.f32 v38, v37;
	v37 =	vld [tilespmem:s26+$0xFFFFBFB0]  }
0x2e2: {  	v36 =	vadd.f32 v40, v39;
	v39 =	vadd.f32 v42, v41;
	v41 =	vld [tilespmem:s26+$0xFFFFBFC0]  }
0x2e3: {  	v42 =	vld [tilespmem:s26+$0xFFFFFF10]  }
0x2e4: {  	v12 =	vadd.f32 v15, v14;
	v40 =	vadd.f32 v44, v43;
	v38 =	vld [tilespmem:s26+$0xFFFFFFC0]  }
0x2e5: {  	v26 =	vadd.f32 v26, v57;
	v57 =	vadd.f32 v46, v45;
	v44 =	vld [tilespmem:s21+$0xFFFEFFF0]  }
0x2e6: {  	v43 =	vld [tilespmem:s21+$0xFFFF7FD0];
	v4 =	vadd.f32 v18, v4;
	v5 =	vadd.f32 v19, v54  }
0x2e7: {  	v12 =	vadd.f32 v20, v12;
	v13 =	vadd.f32 v21, v13;
	v18 =	vld [tilespmem:s26+$0xFFFF7F30]  }
0x2e8: {  	v19 =	vld [tilespmem:s26+$0xFFFF7F50];
	v2 =	vadd.f32 v2, v4;
	v3 =	vadd.f32 v3, v5  }
0x2e9: {  	v4 =	vld [tilespmem:s26+$0xFFFF7F40];
	v59 =	vadd.f32 v22, v12;
	v12 =	vadd.f32 v23, v13  }
0x2ea: {  	v5 =	vld [tilespmem:s26+$0xFFFF7F80];
	v16 =	vadd.f32 v16, v26;
	v17 =	vadd.f32 v17, v27  }
0x2eb: {  	v22 =	vld [tilespmem:s26+$0xFFFF7F90];
	v15 =	vadd.f32 v0, v2;
	v13 =	vadd.f32 v1, v3  }
0x2ec: {  	v26 =	vld [tilespmem:s26+$0xFFFFFF30];
	v14 =	vadd.f32 v24, v59;
	v12 =	vadd.f32 v25, v12  }
0x2ed: {  	v0 =	vld [tilespmem:s26+$0xFFFF7F60];
	v59 =	vadd.f32 v48, v47;
	v18 =	vadd.f32 v18, v29  }
0x2ee: {  	v1 =	vld [tilespmem:s26+$0xFFFF7F70];
	v19 =	vadd.f32 v19, v32;
	v2 =	vmul.f32 v15, v15;
	v3 =	vmul.f32 v13, v13  }
0x2ef: {  	v25 =	vld [tilespmem:s26+$0xFFFF7FA0];
	v20 =	vmul.f32 v14, v14;
	v21 =	vmul.f32 v12, v12;
	v23 =	vadd.f32 v13, v15  }
0x2f0: {  	v47 =	vld [tilespmem:s26+$0xFFFFFF70];
	v24 =	vadd.f32 v12, v14;
	v4 =	vadd.f32 v4, v30  }
0x2f1: {  	v2 =	vadd.f32 v3, v2;
	v3 =	vadd.f32 v21, v20;
	v20 =	vld [tilespmem:s26+$0xFFFF7FB0]  }
0x2f2: {  	v5 =	vadd.f32 v5, v36;
	v21 =	vadd.f32 v24, v23;
	v23 =	vld [tilespmem:s26+$0xFFFF7FC0]  }
0x2f3: {  	v22 =	vadd.f32 v22, v39;
	v24 =	vld [tilespmem:s26+$0xFFFFBF40];
	v0 =	vadd.f32 v0, v33  }
0x2f4: {  	v1 =	vadd.f32 v1, v35;
	v35 =	vld [tilespmem:s21+$0xFFFF3FF0];
	v2 =	vadd.f32 v3, v2  }
0x2f5: {  	v25 =	vadd.f32 v25, v40;
	v5 =	vadd.f32 v28, v5;
	v3 =	vld [tilespmem:s26+$0xFFFFBF10];
	(xrf2) =	vadd.scan.msk.f32 $0xffff, v21  }
0x2f6: {  	v22 =	vadd.f32 v31, v22;
	v21 =	vld [tilespmem:s26+$0xFFFFBF20];
	v0 =	vadd.f32 v51, v0;
	(xrf2) =	vadd.scan.msk.f32 $0xffff, v2  }
0x2f7: {  	v27 =	vld [tilespmem:s26+$0xFFFFFF40];
	v1 =	vadd.f32 v52, v1;
	v34 =	vadd.f32 v34, v25  }
0x2f8: {  	v2 =	vld [tilespmem:s26+$0xFFFFBF30];
	v20 =	vadd.f32 v20, v57;
	v23 =	vadd.f32 v23, v59  }
0x2f9: {  	v29 =	vld [tilespmem:s26+$0xFFFFFF50];
	v4 =	vadd.f32 v24, v4;
	v28 =	vadd.f32 v47, v1  }
0x2fa: {  	v30 =	vld [tilespmem:s26+$0xFFFFFF60];
	v47 =	vadd.f32 v35, v44;
	v3 =	vadd.f32 v3, v16  }
0x2fb: {  	v32 =	vld [tilespmem:s21+$0xFFFF3FE0];
	v16 =	vadd.f32 v21, v17;
	v17 =	vadd.f32 v50, v19  }
0x2fc: {  	v36 =	vld [tilespmem:s26+$0xFFFFFFB0];
	v37 =	vadd.f32 v37, v20;
	v40 =	vadd.f32 v41, v23  }
0x2fd: {  	v21 =	vld [tilespmem:s26+$0xFFFFFFA0];
	v25 =	vadd.f32 v27, v4;
	v2 =	vadd.f32 v2, v18  }
0x2fe: {  	v31 =	vld [tilespmem:s21+$0xFFFFFFD0];
	v19 =	vadd.f32 v42, v3;
	v16 =	vadd.f32 v49, v16  }
0x2ff: {  	v53 =	vmov v7;
	v57 =	vld [tilespmem:s26+$0xFFFFFF90];
	v27 =	vadd.f32 v29, v17;
	v17 =	vadd.f32 v30, v0;
	v7, _, _ =	vpop (xrf2)  }
0x300: {  	v0 =	vld [tilespmem:s21+$0xFFFEFFE0];
	v18 =	vadd.f32 v26, v2;
	v20 =	vmul.f32 v19, v19;
	(v2sf) =	vpush v7, $0xF;
	v54, _, _ =	vpop (xrf2)  }
0x301: {  	v59 =	vadd.f32 v16, v19;
	v23 =	vmul.f32 v16, v16;
	(v2sf) =	vpush v54, $0xF;
	v54 =	vld [tilespmem:s26+$0xFFFFFF80]  }
0x302: {  	v29 =	vld [tilespmem:s21+$0xFFFF3FD0];
	v1 =	vmul.f32 v27, v27;
	v51 =	vadd.f32 v17, v27;
	v21 =	vadd.f32 v21, v34  }
0x303: {  	v26 =	vld [tilespmem:s21+$0xFFFEFFD0];
	v52 =	vmul.f32 v17, v17;
	v49 =	vadd.f32 v25, v18;
	v30 =	vadd.f32 v23, v20  }
0x304: {  	v50 =	vmul.f32 v25, v25;
	v34 =	vld [tilespmem:s21+$0xFFFF0000];
	v20 =	vadd.f32 v57, v22;
	v23 =	vadd.f32 v36, v37  }
0x305: {  	v48 =	vmul.f32 v18, v18;
	v37 =	vld [tilespmem:s21+$0xFFFF4000];
	v22 =	vadd.f32 v38, v40;
	v1 =	vadd.f32 v52, v1  }
0x306: {  	v52 =	vld [tilespmem:s21+$0xFFFF7FE0];
	v0 =	vadd.f32 v32, v0;
	v24 =	vadd.f32 v54, v5  }
0x307: {  	v3 =	vld [tilespmem:s21+$0xFFFFBFD0];
	v4 =	vadd.f32 v49, v59;
	v41 =	vadd.f32 v50, v48  }
0x308: {  	v2 =	vld [tilespmem:s21+$0xFFFFBFE0];
	v38 =	vadd.f32 v21, v20;
	v54 =	vmul.f32 v28, v28;
	v59 =	vmul.f32 v24, v24  }
0x309: {  	v40 =	vmul.f32 v21, v21;
	v26 =	vadd.f32 v29, v26;
	v29 =	vld [tilespmem:s21+$0xFFFFC000];
	v30 =	vadd.f32 v41, v30  }
0x30a: {  	v36 =	vmul.f32 v20, v20;
	v34 =	vadd.f32 v37, v34;
	v42 =	vadd.f32 v59, v54;
	v59 =	vld [tilespmem:s21+$0xFFFF7FF0]  }
0x30b: {  	v46 =	vld [tilespmem:s21+$0xFFFFBFF0];
	v26 =	vadd.f32 v43, v26;
	v0 =	vadd.f32 v52, v0  }
0x30c: {  	v39 =	vld [tilespmem:s21+$0xFFFFFFE0];
	v36 =	vadd.f32 v40, v36;
	v34 =	vadd.f32 v6, v34  }
0x30d: {  	v49 =	vld [tilespmem:s21+$0xFFFFFFF0];
	v3 =	vadd.f32 v3, v26;
	v0 =	vadd.f32 v2, v0  }
0x30e: {  	v50 =	vld [tilespmem:s21+$0x0];
	v57 =	vadd.f32 v24, v28;
	v29 =	vadd.f32 v29, v34  }
0x30f: {  	v7 =	vmul.f32 v23, v23;
	v33 =	vadd.f32 v31, v3;
	v32 =	vadd.f32 v59, v47  }
0x310: {  	v5 =	vadd.f32 v57, v51;
	v54 =	vadd.f32 v22, v23;
	v57 =	vmul.f32 v22, v22;
	s6 =	spop (v2sf)  }
0x311: {  	v34 =	vadd.f32 v39, v0;
	s2 =	smul.f32 $1.562500000e-02, s6;
	s7 =	spop (v2sf);
	v2 =	vadd.f32 v46, v32  }
0x312: {  	v38 =	vadd.f32 v54, v38;
	v7 =	vadd.f32 v57, v7;
	s6 =	smul.f32 $1.562500000e-02, s7  }
0x313: {  	v32 =	vadd.f32 v50, v29;
	s8 =	smul.f32 s2, s2;
	v26 =	vadd.f32 v49, v2  }
0x314: {  	(xrf2) =	vadd.scan.msk.f32 $0xffff, v4;
	v0 =	vadd.f32 v42, v1;
	v1 =	vmul.f32 v33, v33;
	v2 =	vmul.f32 v34, v34  }
0x315: {  	(xrf2) =	vadd.scan.msk.f32 $0xffff, v5;
	v3 =	vadd.f32 v7, v36;
	v52 =	vmul.f32 v32, v32;
	s6 =	ssub.f32 s6, s8;
	v51 =	vmul.f32 v26, v26  }
0x316: {  	(xrf2) =	vadd.scan.msk.f32 $0xffff, v38;
	v29 =	vadd.f32 v34, v33;
	v31 =	vadd.f32 v32, v26  }
0x317: {  	(xrf2) =	vadd.scan.msk.f32 $0xffff, v30;
	v1 =	vadd.f32 v2, v1;
	s6 =	sadd.f32 $9.999999740e-06, s6;
	v2 =	vadd.f32 v52, v51  }
0x318: {  	v45 =	vld [tilespmem:s21+$0xFFFEFFB0];
	(xrf2) =	vadd.scan.msk.f32 $0xffff, v0;
	v0 =	vadd.f32 v31, v29  }
0x319: {  	v35 =	vld [tilespmem:s21+$0xFFFF3F50];
	(xrf2) =	vadd.scan.msk.f32 $0xffff, v3;
	s9 =	sshra.s32 s6, $0x1;
	s6 =	smul.f32 $5.000000000e-01, s6;
	v1 =	vadd.f32 v2, v1  }
0x31a: {  	v44 =	vld [tilespmem:s21+$0xFFFF3FA0];
	s7 =	ssub.s32 $0x5F3759DF, s9;
	(xrf2) =	vadd.scan.msk.f32 $0xffff, v0  }
0x31b: {  	v48 =	vld [tilespmem:s21+$0xFFFEFFC0];
	s10 =	smul.f32 s7, s6;
	(xrf2) =	vadd.scan.msk.f32 $0xffff, v1  }
0x31c: {  	v4 =	vld [tilespmem:s21+$0xFFFF3F20]  }
0x31d: {  	v40 =	vld [tilespmem:s21+$0xFFFF3F80];
	s8 =	smul.f32 s7, s10  }
0x31e: {  	v41 =	vld [tilespmem:s21+$0xFFFEFF90];
	v0, _, _ =	vpop (xrf2)  }
0x31f: {  	v37 =	vld [tilespmem:s21+$0xFFFEFF70];
	v2, _, _ =	vpop (xrf2);
	(v2sf) =	vpush v0, $0xF;
	s8 =	ssub.f32 $1.500000000e+00, s8  }
0x320: {  	v43 =	vld [tilespmem:s21+$0xFFFEFFA0];
	v0, _, _ =	vpop (xrf2);
	(v2sf) =	vpush v2, $0xF  }
0x321: {  	v39 =	vld [tilespmem:s21+$0xFFFEFF80];
	v2, _, _ =	vpop (xrf2);
	(v2sf) =	vpush v0, $0xF;
	s7 =	smul.f32 s7, s8  }
0x322: {  	v5 =	vld [tilespmem:s21+$0xFFFEFF30];
	v29, _, _ =	vpop (xrf2);
	(v2sf) =	vpush v2, $0xF  }
0x323: {  	v42 =	vld [tilespmem:s21+$0xFFFF3F90];
	v30, _, _ =	vpop (xrf2);
	(v2sf) =	vpush v29, $0xF;
	s8 =	smul.f32 s7, s6  }
0x324: {  	v57 =	vld [tilespmem:s21+$0xFFFF7F50];
	(v2sf) =	vpush v30, $0xF;
	v30, _, _ =	vpop (xrf2)  }
0x325: {  	v36 =	vld [tilespmem:s21+$0xFFFF3F60];
	s8 =	smul.f32 s8, s7;
	(v2sf) =	vpush v30, $0xF;
	v30, _, _ =	vpop (xrf2)  }
0x326: {  	v38 =	vld [tilespmem:s21+$0xFFFF3F70];
	(v2sf) =	vpush v30, $0xF  }
0x327: {  	v47 =	vld [tilespmem:s21+$0xFFFF3FB0];
	s8 =	ssub.f32 $1.500000000e+00, s8  }
0x328: {  	v3 =	vld [tilespmem:s21+$0xFFFEFF20]  }
0x329: {  	v54 =	vmov s2;
	v46 =	vld [tilespmem:s21+$0xFFFEFF10];
	s11 =	smul.f32 s8, s7  }
0x32a: {  	v50 =	vld [tilespmem:s21+$0xFFFF7F10];
	v15 =	vsub.f32 v15, v54;
	v13 =	vsub.f32 v13, v54  }
0x32b: {  	v14 =	vsub.f32 v14, v54;
	v12 =	vsub.f32 v12, v54;
	v54 =	vld [tilespmem:s21+$0xFFFF7F40];
	s6 =	smul.f32 s11, s6  }
0x32c: {  	v31 =	vld [tilespmem:s21+$0xFFFEFF50]  }
0x32d: {  	v0 =	vld [tilespmem:s21+$0xFFFF3F30];
	s6 =	smul.f32 s6, s11  }
0x32e: {  	v2 =	vld [tilespmem:s21+$0xFFFEFF40];
	s12 =	spop (v2sf)  }
0x32f: {  	v29 =	vld [tilespmem:s21+$0xFFFF3F40];
	s14 =	spop (v2sf);
	s6 =	ssub.f32 $1.500000000e+00, s6  }
0x330: {  	v49 =	vld [tilespmem:s21+$0xFFFF3FC0];
	s15 =	spop (v2sf)  }
0x331: {  	v30 =	vld [tilespmem:s21+$0xFFFEFF60];
	s8 =	spop (v2sf);
	s6 =	smul.f32 s6, s11  }
0x332: {  	v3 =	vadd.f32 v4, v3;
	v4 =	vld [tilespmem:s21+$0xFFFF7F60];
	s7 =	spop (v2sf)  }
0x333: {  	v51 =	vld [tilespmem:s21+$0xFFFF7F20];
	v0 =	vadd.f32 v0, v5;
	s2 =	spop (v2sf);
	v14 =	vmul.f32 s6, v14;
	v12 =	vmul.f32 s6, v12  }
0x334: {  	v52 =	vld [tilespmem:s21+$0xFFFF7F30];
	v2 =	vadd.f32 v29, v2;
	v29 =	vadd.f32 v35, v31;
	s26 =	smul.f32 $1.562500000e-02, s12;
	v15 =	vmul.f32 s6, v15;
	s16 =	spop (v2sf)  }
0x335: {  	v1 =	vld [tilespmem:s21+$0xFFFF3F10];
	v35 =	vadd.f32 v38, v37;
	v14 =	vmul.f32 v14, v53;
	v12 =	vmul.f32 v12, v9;
	s9 =	smul.f32 $1.562500000e-02, s16;
	s17 =	spop (v2sf)  }
0x336: {  	v5 =	vld [tilespmem:s21+$0xFFFF7F70];
	v38 =	vadd.f32 v42, v41;
	v30 =	vadd.f32 v36, v30;
	v15 =	vmul.f32 v15, v58;
	s13 =	smul.f32 $1.562500000e-02, s17  }
0x337: {  	v6 =	vmovc v58;
	v31 =	vld [tilespmem:s21+$0xFFFF7F80];
	v56 =	vadd.f32 v14, v56;
	v58 =	vadd.f32 v12, v55;
	v12 =	vmov s26;
	s18 =	smul.f32 s9, s9  }
0x338: {  	v37 =	vld [tilespmem:s21+$0xFFFF7F90];
	s11 =	smul.f32 $1.562500000e-02, s14;
	v14 =	vsub.f32 v19, v12;
	v19 =	vsub.f32 v16, v12  }
0x339: {  	v42 =	vld [tilespmem:s21+$0xFFFF7FA0];
	v13 =	vmul.f32 s6, v13;
	v18 =	vsub.f32 v18, v12;
	v12 =	vsub.f32 v25, v12;
	s6 =	ssub.f32 s13, s18  }
0x33a: {  	v36 =	vadd.f32 v40, v39;
	v39 =	vadd.f32 v44, v43;
	v44 =	vld [tilespmem:s21+$0xFFFF7FB0];
	v55 =	vmov s11  }
0x33b: {  	v43 =	vadd.f32 v47, v45;
	v45 =	vld [tilespmem:s21+$0xFFFF7FC0];
	s12 =	smul.f32 $1.562500000e-02, s15;
	[tilespmem:$0x1FE90] =	vst v12;
	v12 =	vsub.f32 v27, v55;
	s6 =	sadd.f32 $9.999999740e-06, s6  }
0x33c: {  	s8 =	smul.f32 $1.562500000e-02, s8  }
0x33d: {  	v3 =	vadd.f32 v51, v3;
	v47 =	vadd.f32 v49, v48;
	v13 =	vmul.f32 v13, v8;
	v48 =	vld [tilespmem:s21+$0xFFFFBF10];
	[tilespmem:$0x1FEA0] =	vst v12;
	s16 =	sshra.s32 s6, $0x1;
	s10 =	smul.f32 $5.000000000e-01, s6  }
0x33e: {  	v7 =	vmovc v8;
	v1 =	vadd.f32 v1, v46;
	s7 =	smul.f32 $1.562500000e-02, s7;
	v8 =	vmov v53;
	v53 =	vadd.f32 v15, v10;
	v27 =	vld [tilespmem:s21+$0xFFFFBF20];
	s15 =	ssub.s32 $0x5F3759DF, s16  }
0x33f: {  	v59 =	vadd.f32 v13, v60;
	s17 =	simm.s32 $0x3;
	v16 =	vsub.f32 v28, v55;
	v28 =	vld [tilespmem:s21+$0xFFFFBF30];
	s18 =	smul.f32 s15, s10  }
0x340: {  	v15 =	vsub.f32 v17, v55;
	v17 =	vsub.f32 v24, v55;
	v13 =	vmov s17;
	s13 =	smul.f32 s26, s26;
	v24 =	vld [tilespmem:s21+$0xFFFFBF40]  }
0x341: {  	v1 =	vadd.f32 v50, v1;
	v0 =	vadd.f32 v52, v0;
	v13 =	vand.u32 $0xFF, v13;
	v50 =	vld [tilespmem:s21+$0xFFFFBF50];
	s26 =	smul.f32 s15, s18  }
0x342: {  	v2 =	vadd.f32 v54, v2;
	v29 =	vadd.f32 v57, v29;
	v25 =	vbroadcast v13, $0x0;
	v52 =	vld [tilespmem:s21+$0xFFFFBF60];
	s6 =	smul.f32 s11, s11  }
0x343: {  	v5 =	vadd.f32 v5, v35;
	v4 =	vadd.f32 v4, v30;
	s14 =	smul.f32 s12, s12;
	v54 =	vld [tilespmem:s21+$0xFFFFBF70];
	s11 =	ssub.f32 $1.500000000e+00, s26  }
0x344: {  	s2 =	smul.f32 $1.562500000e-02, s2;
	v9 =	vmovc v60;
	v60 =	vmov s12;
	v46 =	vor.u32 v11, v25;
	v51 =	vor.u32 v61, v25;
	v30 =	vld [tilespmem:s21+$0xFFFFBF80];
	s6 =	ssub.f32 s7, s6  }
0x345: {  	s8 =	ssub.f32 s8, s13;
	v40 =	vor.u32 v62, v25;
	v41 =	vor.u32 v63, v25;
	v25 =	vsub.f32 v22, v60;
	v22 =	vld [tilespmem:s21+$0xFFFFBF90];
	s11 =	smul.f32 s15, s11  }
0x346: {  	v57 =	vadd.f32 v37, v38;
	v31 =	vadd.f32 v31, v36;
	v36 =	vld [tilespmem:s21+$0xFFFFBFA0];
	s6 =	sadd.f32 $9.999999740e-06, s6  }
0x347: {  	v38 =	vadd.f32 v42, v39;
	v42 =	vadd.f32 v44, v43;
	v43 =	vld [tilespmem:s21+$0xFFFFBFB0];
	s16 =	ssub.f32 s2, s14;
	s17 =	smul.f32 s11, s10  }
0x348: {  	v45 =	vadd.f32 v45, v47;
	v20 =	vsub.f32 v20, v60;
	v47 =	vld [tilespmem:s21+$0xFFFFBFC0];
	s15 =	sadd.f32 $9.999999740e-06, s8;
	s8 =	smul.f32 $5.000000000e-01, s6  }
0x349: {  	v21 =	vsub.f32 v21, v60;
	v23 =	vsub.f32 v23, v60;
	v13 =	vmovc v63;
	v60 =	vmov s9;
	v63 =	vld [tilespmem:s21+$0xFFFFFF30];
	s13 =	sadd.f32 $9.999999740e-06, s16;
	s12 =	smul.f32 s17, s11  }
0x34a: {  	v37 =	vmov s19;
	s19 =	simm.s32 $0x1;
	v35 =	vld [tilespmem:s21+$0xFFFFFF50];
	v33 =	vsub.f32 v33, v60;
	v34 =	vsub.f32 v34, v60;
	s2 =	smul.f32 $5.000000000e-01, s15;
	s7 =	sshra.s32 s15, $0x1  }
0x34b: {  	v26 =	vsub.f32 v26, v60;
	v0 =	vadd.f32 v28, v0;
	v28 =	vld [tilespmem:s21+$0xFFFFFF10];
	s14 =	ssub.s32 $0x5F3759DF, s7;
	s7 =	smul.f32 $5.000000000e-01, s13;
	s12 =	ssub.f32 $1.500000000e+00, s12  }
0x34c: {  	v39 =	vmov s19;
	v1 =	vadd.f32 v48, v1;
	v2 =	vadd.f32 v24, v2;
	v24 =	vld [tilespmem:s21+$0xFFFFFF20];
	s18 =	sshra.s32 s6, $0x1;
	s26 =	smul.f32 s14, s2  }
0x34d: {  	v53 =	vmax.f32 v53, $0.0e+00;
	v5 =	vadd.f32 v54, v5;
	v54 =	vadd.f32 v30, v31;
	v31 =	vld [tilespmem:s21+$0xFFFFFF40];
	s15 =	ssub.s32 $0x5F3759DF, s18;
	s11 =	smul.f32 s12, s11  }
0x34e: {  	v55 =	vmax.f32 v56, $0.0e+00;
	v3 =	vadd.f32 v27, v3;
	v38 =	vadd.f32 v36, v38;
	v36 =	vld [tilespmem:s21+$0xFFFFFF80];
	s13 =	sshra.s32 s13, $0x1;
	s17 =	smul.f32 s15, s8  }
0x34f: {  	v49 =	vadd.f32 v50, v29;
	v56 =	vadd.f32 v22, v57;
	v22 =	vand.u32 $0xFC, v37;
	v37 =	vld [tilespmem:s21+$0xFFFFFF90];
	s13 =	ssub.s32 $0x5F3759DF, s13;
	s10 =	smul.f32 s11, s10  }
0x350: {  	v44 =	vmax.f32 v59, $0.0e+00;
	v42 =	vadd.f32 v43, v42;
	v43 =	vadd.f32 v47, v45;
	v47 =	vld [tilespmem:s21+$0xFFFFFFA0];
	s18 =	smul.f32 s13, s7  }
0x351: {  	v4 =	vadd.f32 v52, v4;
	v52 =	vmax.f32 v58, $0.0e+00;
	v58 =	vld [tilespmem:s21+$0xFFFFFFB0];
	v50 =	vsub.f32 v32, v60;
	s10 =	smul.f32 s10, s11  }
0x352: {  	v30 =	vand.u32 $0xFD, v39;
	v32 =	vadd.f32 v35, v49;
	v28 =	vadd.f32 v28, v1;
	s6 =	smul.f32 s14, s26  }
0x353: {  	s16 =	simm.s32 $0x2;
	v1 =	vld [tilespmem:s21+$0xFFFFFF60];
	v29 =	vadd.f32 v24, v3;
	v24 =	vbroadcast v30, $0x0;
	v30 =	vadd.f32 v63, v0;
	s9 =	smul.f32 s13, s18;
	s10 =	ssub.f32 $1.500000000e+00, s10  }
0x354: {  	v27 =	vmov s16;
	v3 =	vld [tilespmem:s21+$0xFFFFFF70];
	v31 =	vadd.f32 v31, v2;
	v35 =	vadd.f32 v36, v54;
	s12 =	smul.f32 s15, s17  }
0x355: {  	v36 =	vadd.f32 v37, v56;
	v37 =	vadd.f32 v47, v38;
	v0 =	vmul.f32 v28, v28;
	s6 =	ssub.f32 $1.500000000e+00, s6;
	s10 =	smul.f32 s10, s11  }
0x356: {  	v38 =	vadd.f32 v58, v42;
	v39 =	vmul.f32 v29, v29;
	v57 =	vmul.f32 v30, v30;
	s9 =	ssub.f32 $1.500000000e+00, s9  }
0x357: {  	[tilespmem:v46+s4+$0x0] =	vst.idx.msk $0xffff, v53;
	v2 =	vadd.f32 v29, v28;
	v56 =	vmul.f32 v35, v35;
	s12 =	ssub.f32 $1.500000000e+00, s12;
	s6 =	smul.f32 s14, s6;
	v12 =	vmul.f32 s10, v50  }
0x358: {  	v46 =	vld [tilespmem:s21+$0xFFFFFFC0];
	[tilespmem:v51+s4+$0x0] =	vst.idx.msk $0xffff, v44;
	v44 =	vadd.f32 v31, v30;
	v42 =	vmul.f32 v36, v36;
	s26 =	simm.s32 $0x107F0;
	s19 =	smul.f32 s13, s9;
	v59 =	vmul.f32 s10, v33  }
0x359: {  	v48 =	vld [tilespmem:s26+$0xFFFFFFD0];
	s12 =	smul.f32 s15, s12;
	v60 =	vmul.f32 s10, v34;
	v33 =	vadd.f32 v1, v4;
	v34 =	vadd.f32 v3, v5;
	[tilespmem:$0x1FEB0] =	vst v12  }
0x35a: {  	v0 =	vadd.f32 v39, v0;
	v2 =	vadd.f32 v44, v2;
	s14 =	simm.s32 $0x7;
	s15 =	smul.f32 s6, s2;
	v1 =	vmul.f32 v31, v31;
	v49 =	vld [tilespmem:s26+$0xFFFFFFE0]  }
0x35b: {  	v53 =	vmov s14;
	s17 =	smul.f32 s19, s7;
	v4 =	vadd.f32 v33, v32;
	v39 =	vadd.f32 v35, v34;
	v50 =	vld [tilespmem:s26+$0xFFFFBFD0]  }
0x35c: {  	s16 =	smul.f32 s12, s8;
	v3 =	vmul.f32 v32, v32;
	v5 =	vmul.f32 v33, v33;
	v1 =	vadd.f32 v1, v57;
	v51 =	vld [tilespmem:s26+$0xFFFFBFE0]  }
0x35d: {  	(xrf2) =	vadd.scan.msk.f32 $0xffff, v2;
	s13 =	smul.f32 s15, s6;
	v44 =	vmul.f32 v34, v34;
	v54 =	vld [tilespmem:s26+$0xFFFEFFD0];
	v4 =	vadd.f32 v39, v4;
	v39 =	vadd.f32 v46, v43  }
0x35e: {  	s9 =	smul.f32 s16, s12;
	v47 =	vld [tilespmem:s26+$0xFFFF3FD0];
	v43 =	vadd.f32 v37, v36;
	v46 =	vmul.f32 v37, v37;
	v3 =	vadd.f32 v5, v3  }
0x35f: {  	s13 =	ssub.f32 $1.500000000e+00, s13;
	v57 =	vld [tilespmem:s26+$0xFFFEFFE0];
	v5 =	vmul.f32 v38, v38;
	v44 =	vadd.f32 v56, v44;
	v56 =	vmul.f32 v39, v39  }
0x360: {  	v63 =	vmul.f32 s10, v26;
	s10 =	smul.f32 s17, s19;
	s9 =	ssub.f32 $1.500000000e+00, s9;
	v2 =	vld [tilespmem:s26+$0xFFFF3FE0];
	[tilespmem:v40+s4+$0x0] =	vst.idx.msk $0xffff, v55;
	v0 =	vadd.f32 v1, v0;
	v40 =	vadd.f32 v39, v38  }
0x361: {  	s6 =	smul.f32 s13, s6;
	v1 =	vand.u32 $0xFF, v53;
	v53 =	vld [tilespmem:s26+$0xFFFF0000];
	v42 =	vadd.f32 v46, v42;
	v5 =	vadd.f32 v56, v5  }
0x362: {  	v45 =	vbroadcast v22, $0x0;
	s10 =	ssub.f32 $1.500000000e+00, s10;
	s9 =	smul.f32 s9, s12;
	v46 =	vld [tilespmem:s26+$0xFFFF4000]  }
0x363: {  	s2 =	smul.f32 s6, s2;
	[tilespmem:v41+s4+$0x0] =	vst.idx.msk $0xffff, v52;
	(xrf2) =	vadd.scan.msk.f32 $0xffff, v4;
	v55 =	vadd.f32 v40, v43;
	v52 =	vadd.f32 v5, v42;
	v5 =	vld [tilespmem:s26+$0xFFFF7FE0]  }
0x364: {  	v22 =	vor.u32 v11, v45;
	v26 =	vor.u32 v61, v45;
	v58 =	vld [tilespmem:s26+$0xFFFF3FF0];
	s10 =	smul.f32 s10, s19;
	v1 =	vbroadcast v1, $0x0  }
0x365: {  	s8 =	smul.f32 s9, s8;
	v12 =	vmovc v62;
	v41 =	vor.u32 v62, v45;
	v62 =	vld [tilespmem:s26+$0xFFFF7FD0];
	v3 =	vadd.f32 v44, v3;
	(xrf2) =	vadd.scan.msk.f32 $0xffff, v55  }
0x366: {  	s2 =	smul.f32 s2, s6;
	v4 =	vld [tilespmem:s26+$0xFFFEFFF0];
	v12 =	vor.u32 v12, v1;
	v40 =	vor.u32 v13, v45;
	v2 =	vadd.f32 v2, v57;
	(xrf2) =	vadd.scan.msk.f32 $0xffff, v0  }
0x367: {  	s7 =	smul.f32 s10, s7;
	v42 =	vmov v13;
	v13 =	vor.u32 v61, v1;
	v61 =	vadd.f32 v46, v53;
	v53, _, _ =	vpop (xrf2);
	(xrf2) =	vadd.scan.msk.f32 $0xffff, v3;
	v3 =	vld [tilespmem:$0x1FEB0]  }
0x368: {  	s8 =	smul.f32 s8, s9;
	v45 =	vor.u32 v11, v1;
	v42 =	vor.u32 v42, v1;
	v1 =	vadd.f32 v5, v2;
	v2 =	vld [tilespmem:$0x1FFB0]  }
0x369: {  	s2 =	ssub.f32 $1.500000000e+00, s2;
	v56 =	vld [tilespmem:s26+$0xFFFF7FF0];
	s7 =	smul.f32 s7, s10  }
0x36a: {  	v47 =	vadd.f32 v47, v54;
	v57 =	vld [tilespmem:s26+$0xFFFF8000];
	s8 =	ssub.f32 $1.500000000e+00, s8  }
0x36b: {  	v27 =	vand.u32 $0xFE, v27;
	v11 =	vmul.f32 v59, v6;
	v43 =	vmul.f32 v60, v7;
	s31 =	smul.f32 s2, s6;
	v60 =	vld [tilespmem:s26+$0xFFFFC000];
	s18 =	ssub.f32 $1.500000000e+00, s7  }
0x36c: {  	s28 =	simm.s32 $0xC;
	v63 =	vmul.f32 v63, v8;
	v59 =	vld [tilespmem:s26+$0xFFFFFFF0];
	s30 =	smul.f32 s8, s9;
	v58 =	vadd.f32 v58, v4;
	v0 =	vadd.f32 v62, v47  }
0x36d: {  	s21 =	simm.s32 $0x4;
	s19 =	simm.s32 $0x8;
	v55 =	vld [tilespmem:s26+$0xFFFFBFF0];
	v62 =	vadd.f32 v11, v10;
	v46 =	vadd.f32 v43, v9;
	s29 =	smul.f32 s18, s10;
	v54, _, _ =	vpop (xrf2);
	v47 =	vmul.f32 v3, v2  }
.LBB2_4:
0x36e: {  	v3 =	vld [tilespmem:s26+$0x0]  }
0x36f: {  	v8 =	vld [tilespmem:$0x1FEE0]  }
0x370: {  	(xrf2) =	vadd.scan.msk.f32 $0xffff, v52;
	v52 =	vld [tilespmem:s26+$0xFFFF3F10]  }
0x371: {  	v44 =	vld [tilespmem:$0x1FF40]  }
0x372: {  	v4 =	vmax.f32 v62, $0.0e+00;
	v62 =	vld [tilespmem:$0x1FEF0]  }
0x373: {  	[tilespmem:v45+s4+$0x0] =	vst.idx.msk $0xffff, v4;
	v45 =	vld [tilespmem:s26+$0xFFFEFF30]  }
0x374: {  	(v2sf) =	vpush v53, $0xF;
	v4 =	vld [tilespmem:s26+$0xFFFF3F30]  }
0x375: {  	v2 =	vadd.f32 v56, v58;
	v10 =	vadd.f32 v57, v61;
	v58 =	vld [tilespmem:s26+$0xFFFEFF20]  }
0x376: {  	v6 =	vadd.f32 v50, v0;
	v61 =	vld [tilespmem:s26+$0xFFFF3F20];
	v5 =	vadd.f32 v63, v8  }
0x377: {  	v43 =	vadd.f32 v47, v62;
	v2 =	vadd.f32 v55, v2;
	v55 =	vld [tilespmem:s26+$0xFFFEFF90]  }
0x378: {  	v63 =	vadd.f32 v60, v10;
	v47 =	vadd.f32 v48, v6;
	v6 =	vld [tilespmem:$0x1FFE0]  }
0x379: {  	(v2sf) =	vpush v54, $0xF;
	v57, _, _ =	vpop (xrf2);
	v1 =	vadd.f32 v51, v1;
	v51 =	vmax.f32 v5, $0.0e+00;
	v5 =	vld [tilespmem:s26+$0xFFFEFF50]  }
0x37a: {  	v11 =	vmax.f32 v46, $0.0e+00;
	(v2sf) =	vpush v57, $0xF;
	v46 =	vadd.f32 v3, v63;
	v3 =	vld [tilespmem:s26+$0xFFFEFF40]  }
0x37b: {  	v7 =	vadd.f32 v49, v1;
	v0, _, _ =	vpop (xrf2);
	v10 =	vadd.f32 v59, v2;
	v2 =	vmul.f32 s31, v19;
	v19 =	vld [tilespmem:s26+$0xFFFF3F40]  }
0x37c: {  	[tilespmem:v13+s4+$0x0] =	vst.idx.msk $0xffff, v11;
	(v2sf) =	vpush v0, $0xF;
	v0 =	vmul.f32 s30, v17;
	v17 =	vmul.f32 s29, v20;
	v20 =	vld [tilespmem:s26+$0xFFFEFF80]  }
0x37d: {  	[tilespmem:v12+s4+$0x0] =	vst.idx.msk $0xffff, v51;
	v9 =	vmax.f32 v43, $0.0e+00;
	v43 =	vld [tilespmem:$0x1FF80]  }
0x37e: {  	v1 =	vmul.f32 s31, v14;
	[tilespmem:$0x1FBD0] =	vst v7;
	v14 =	vadd.f32 v7, v47;
	v60 =	vmul.f32 v7, v7;
	v7 =	vld [tilespmem:$0x1FFC0]  }
0x37f: {  	v48 =	vmul.f32 v47, v47;
	[tilespmem:v42+s4+$0x0] =	vst.idx.msk $0xffff, v9;
	v9 =	vld [tilespmem:s26+$0xFFFF3F50]  }
0x380: {  	v49 =	vadd.f32 v61, v58;
	[tilespmem:$0x1FBE0] =	vst v10;
	v11 =	vadd.f32 v46, v10;
	v61 =	vmul.f32 v10, v10;
	v10 =	vld [tilespmem:$0x1FE90]  }
0x381: {  	v63 =	vmul.f32 v46, v46;
	v48 =	vadd.f32 v60, v48;
	v60 =	vld [tilespmem:$0x1FEA0]  }
0x382: {  	v14 =	vadd.f32 v11, v14;
	v11 =	vld [tilespmem:s26+$0xFFFEFF60]  }
0x383: {  	v51, _, _ =	vpop (xrf2);
	v58 =	vadd.f32 v63, v61;
	v61 =	vld [tilespmem:s26+$0xFFFF3F60]  }
0x384: {  	v59, _, _ =	vpop (xrf2);
	(v2sf) =	vpush v51, $0xF;
	v63 =	vld [tilespmem:s26+$0xFFFF3F90]  }
0x385: {  	(v2sf) =	vpush v59, $0xF;
	v59 =	vld [tilespmem:$0x1FFB0]  }
0x386: {  	v53 =	vadd.f32 v19, v3;
	v3 =	vld [tilespmem:s26+$0xFFFEFF70]  }
0x387: {  	v19 =	vld [tilespmem:s26+$0xFFFF3F70]  }
0x388: {  	v5 =	vadd.f32 v9, v5;
	v9 =	vld [tilespmem:$0x1FFA0]  }
0x389: {  	v54 =	vadd.f32 v4, v45;
	v12 =	vmul.f32 s31, v10;
	v10 =	vld [tilespmem:$0x1FF70]  }
0x38a: {  	(xrf2) =	vadd.scan.msk.f32 $0xffff, v14;
	v14 =	vmul.f32 s30, v15;
	v15 =	vadd.f32 v58, v48;
	v4 =	vadd.f32 v61, v11;
	v11 =	vld [tilespmem:$0x1FF20]  }
0x38b: {  	v13 =	vmul.f32 s30, v60;
	v60 =	vld [tilespmem:$0x1FFB0]  }
0x38c: {  	v16 =	vmul.f32 s30, v16;
	(xrf2) =	vadd.scan.msk.f32 $0xffff, v15;
	v15 =	vmul.f32 s29, v21;
	v21 =	vld [tilespmem:s26+$0xFFFF3F80]  }
0x38d: {  	v18 =	vmul.f32 s31, v18;
	v58 =	vmul.f32 v14, v44;
	v14 =	vld [tilespmem:s26+$0xFFFF3FA0]  }
0x38e: {  	v12 =	vmul.f32 v12, v59;
	v59 =	vmul.f32 v16, v43;
	v16 =	vld [tilespmem:s26+$0xFFFEFFB0]  }
0x38f: {  	v23 =	vmul.f32 s29, v23;
	v61 =	vld [tilespmem:$0x1FFB0];
	v1 =	vmul.f32 v1, v11  }
0x390: {  	v25 =	vmul.f32 s29, v25;
	v2 =	vmul.f32 v2, v44;
	v3 =	vadd.f32 v19, v3;
	v19 =	vld [tilespmem:s26+$0xFFFEFFA0]  }
0x391: {  	v18 =	vmul.f32 v18, v43;
	v48 =	vmul.f32 v15, v44;
	v15 =	vld [tilespmem:s26+$0xFFFF3FB0];
	v1 =	vadd.f32 v1, v10  }
0x392: {  	v2 =	vadd.f32 v2, v9;
	v51 =	vmul.f32 v0, v60;
	v0 =	vadd.f32 v21, v20;
	v20 =	vld [tilespmem:s26+$0xFFFEFFC0]  }
0x393: {  	v18 =	vadd.f32 v18, v8;
	v21 =	vld [tilespmem:s26+$0xFFFF3FC0];
	v13 =	vmul.f32 v13, v11;
	v1 =	vmax.f32 v1, $0.0e+00  }
0x394: {  	s2 =	spop (v2sf);
	v50 =	vmul.f32 v17, v11;
	v42 =	vmul.f32 v25, v61;
	v61 =	vld [tilespmem:$0x1FFD0];
	v17, _, _ =	vpop (xrf2);
	[tilespmem:v22+s4+$0x0] =	vst.idx.msk $0xffff, v1;
	v1 =	vmax.f32 v2, $0.0e+00  }
0x395: {  	v45 =	vmul.f32 v23, v43;
	s2 =	smul.f32 $1.562500000e-02, s2;
	v55 =	vadd.f32 v63, v55;
	(v2sf) =	vpush v17, $0xF;
	v23 =	vld [tilespmem:s26+$0xFFFEFF10];
	[tilespmem:v26+s4+$0x0] =	vst.idx.msk $0xffff, v1  }
0x396: {  	v57 =	vor.u32 v6, v24;
	v2 =	vadd.f32 v12, v62;
	v22 =	vadd.f32 v13, v10;
	v12, _, _ =	vpop (xrf2);
	v1 =	vld [tilespmem:s26+$0xFFFF7F10]  }
0x397: {  	s9 =	spop (v2sf);
	s6 =	smul.f32 s2, s2;
	v13 =	vmov s2;
	(v2sf) =	vpush v12, $0xF;
	v12 =	vmax.f32 v18, $0.0e+00;
	v25 =	vld [tilespmem:s26+$0xFFFF7F20]  }
0x398: {  	s2 =	smul.f32 $1.562500000e-02, s9;
	v26 =	vadd.f32 v15, v16;
	v63 =	vsub.f32 v31, v13;
	[tilespmem:v41+s4+$0x0] =	vst.idx.msk $0xffff, v12;
	v16 =	vmax.f32 v22, $0.0e+00;
	v22 =	vld [tilespmem:s26+$0xFFFF7F50]  }
0x399: {  	v56 =	vadd.f32 v14, v19;
	v14 =	vsub.f32 v28, v13;
	v28 =	vld [tilespmem:s26+$0xFFFF7F30]  }
0x39a: {  	v2 =	vmax.f32 v2, $0.0e+00;
	v17 =	vmov s2;
	[tilespmem:$0x1FE90] =	vst v63;
	v63 =	vld [tilespmem:$0x1FFF0]  }
0x39b: {  	[tilespmem:v40+s4+$0x0] =	vst.idx.msk $0xffff, v2;
	v15 =	vsub.f32 v33, v17;
	v33 =	vld [tilespmem:s26+$0xFFFF7FC0]  }
0x39c: {  	s7 =	spop (v2sf);
	v51 =	vadd.f32 v51, v62;
	[tilespmem:v57+s4+$0x0] =	vst.idx.msk $0xffff, v16;
	v2 =	vld [tilespmem:s26+$0xFFFF7F40]  }
0x39d: {  	s7 =	smul.f32 $1.562500000e-02, s7;
	s8 =	spop (v2sf);
	v19 =	vsub.f32 v29, v13;
	v41 =	vsub.f32 v32, v17;
	v31 =	vld [tilespmem:s26+$0xFFFF7F60]  }
0x39e: {  	s8 =	smul.f32 $1.562500000e-02, s8;
	s9 =	spop (v2sf);
	v18 =	vsub.f32 v30, v13;
	v57 =	vadd.f32 v59, v8;
	v59 =	vld [tilespmem:s26+$0xFFFFBF30]  }
0x39f: {  	v29 =	vadd.f32 v21, v20;
	s9 =	smul.f32 $1.562500000e-02, s9;
	[tilespmem:$0x1FEA0] =	vst v41;
	v41 =	vld [tilespmem:s26+$0xFFFFBF10];
	v20 =	vadd.f32 v52, v23  }
0x3a0: {  	s6 =	ssub.f32 s8, s6;
	v30 =	vmov s7;
	s7 =	smul.f32 s7, s7;
	v16 =	vsub.f32 v34, v17;
	v52 =	vld [tilespmem:s26+$0xFFFF7F80];
	v5 =	vadd.f32 v22, v5  }
0x3a1: {  	s10 =	spop (v2sf);
	s2 =	smul.f32 s2, s2;
	v34 =	vor.u32 v7, v24;
	v22 =	vld [tilespmem:s26+$0xFFFF7FA0];
	v1 =	vadd.f32 v1, v20;
	v28 =	vadd.f32 v28, v54  }
0x3a2: {  	s6 =	sadd.f32 $9.999999740e-06, s6;
	s10 =	smul.f32 $1.562500000e-02, s10;
	v20 =	vsub.f32 v36, v30;
	v36 =	vor.u32 v61, v24;
	v2 =	vadd.f32 v2, v53;
	v53 =	vld [tilespmem:s26+$0xFFFF7F90]  }
0x3a3: {  	v27 =	vbroadcast v27, $0x0;
	s2 =	ssub.f32 s9, s2;
	v54 =	vadd.f32 v58, v9;
	v4 =	vadd.f32 v31, v4;
	v31 =	vld [tilespmem:s26+$0xFFFF7FB0]  }
0x3a4: {  	v21 =	vsub.f32 v37, v30;
	s7 =	ssub.f32 s10, s7;
	v32 =	vadd.f32 v25, v49;
	v49 =	vld [tilespmem:s26+$0xFFFF7F70];
	v24 =	vor.u32 v63, v24  }
0x3a5: {  	v37 =	vor.u32 v6, v27;
	v23 =	vsub.f32 v38, v30;
	s2 =	sadd.f32 $9.999999740e-06, s2;
	v58 =	vld [tilespmem:s26+$0xFFFFBF20];
	v38 =	vmax.f32 v54, $0.0e+00  }
0x3a6: {  	s29 =	smul.f32 $5.000000000e-01, s6;
	v60 =	vmax.f32 v57, $0.0e+00;
	s12 =	sadd.f32 $9.999999740e-06, s7;
	[tilespmem:v34+s4+$0x0] =	vst.idx.msk $0xffff, v38;
	v22 =	vadd.f32 v22, v56;
	v56 =	vadd.f32 v42, v62;
	v62 =	vld [tilespmem:s26+$0xFFFFFF40]  }
0x3a7: {  	v25 =	vsub.f32 v39, v30;
	v30 =	vor.u32 v7, v27;
	s30 =	smul.f32 $5.000000000e-01, s2;
	s15 =	spop (v2sf);
	[tilespmem:v36+s4+$0x0] =	vst.idx.msk $0xffff, v60;
	v60 =	vld [tilespmem:s26+$0xFFFFFF20]  }
0x3a8: {  	v40 =	vadd.f32 v53, v55;
	v53 =	vld [tilespmem:s26+$0xFFFFBF40];
	v26 =	vadd.f32 v31, v26;
	s7 =	smul.f32 $1.562500000e-02, s15;
	v31 =	vmax.f32 v51, $0.0e+00  }
0x3a9: {  	v50 =	vadd.f32 v50, v10;
	v39 =	vor.u32 v61, v27;
	s13 =	sshra.s32 s2, $0x1;
	s2 =	smul.f32 $5.000000000e-01, s12;
	v36 =	vld [tilespmem:s26+$0xFFFFBF50];
	[tilespmem:v24+s4+$0x0] =	vst.idx.msk $0xffff, v31  }
0x3aa: {  	v27 =	vor.u32 v63, v27;
	s14 =	sshra.s32 s12, $0x1;
	v54 =	vadd.f32 v48, v9;
	s16 =	spop (v2sf);
	v55 =	vld [tilespmem:s26+$0xFFFFBF60];
	s12 =	smul.f32 s7, s7  }
0x3ab: {  	s11 =	sshra.s32 s6, $0x1;
	v24 =	vmax.f32 v50, $0.0e+00;
	v31 =	vadd.f32 v45, v8;
	v57 =	vld [tilespmem:s26+$0xFFFFBF70];
	s6 =	smul.f32 $1.562500000e-02, s16  }
0x3ac: {  	s9 =	ssub.s32 $0x5F3759DF, s11;
	[tilespmem:v37+s4+$0x0] =	vst.idx.msk $0xffff, v24;
	v24 =	vmax.f32 v54, $0.0e+00;
	v8 =	vld [tilespmem:s26+$0xFFFFFF70]  }
0x3ad: {  	s8 =	smul.f32 s9, s29;
	s11 =	ssub.s32 $0x5F3759DF, s13;
	[tilespmem:v30+s4+$0x0] =	vst.idx.msk $0xffff, v24;
	v24 =	vmax.f32 v31, $0.0e+00;
	v30 =	vadd.f32 v59, v28;
	v28 =	vld [tilespmem:s26+$0xFFFFBF80];
	s6 =	ssub.f32 s6, s12  }
0x3ae: {  	s13 =	smul.f32 s11, s30;
	v59 =	vld [tilespmem:s26+$0xFFFFFF10];
	[tilespmem:v39+s4+$0x0] =	vst.idx.msk $0xffff, v24;
	v24 =	vmax.f32 v56, $0.0e+00  }
0x3af: {  	s8 =	smul.f32 s9, s8;
	v31 =	vld [tilespmem:s26+$0xFFFFBF90];
	[tilespmem:v27+s4+$0x0] =	vst.idx.msk $0xffff, v24;
	s6 =	sadd.f32 $9.999999740e-06, s6  }
0x3b0: {  	s10 =	ssub.s32 $0x5F3759DF, s14;
	s13 =	smul.f32 s11, s13;
	v24 =	vld [tilespmem:s26+$0xFFFFBFA0]  }
0x3b1: {  	s14 =	ssub.f32 $1.500000000e+00, s8;
	v1 =	vadd.f32 v41, v1;
	v3 =	vadd.f32 v49, v3;
	v27 =	vld [tilespmem:s26+$0xFFFFBFB0];
	s15 =	sshra.s32 s6, $0x1;
	s8 =	smul.f32 $5.000000000e-01, s6  }
0x3b2: {  	s17 =	smul.f32 s10, s2;
	v0 =	vadd.f32 v52, v0;
	v32 =	vadd.f32 v58, v32;
	s18 =	ssub.f32 $1.500000000e+00, s13;
	v58 =	vld [tilespmem:s26+$0xFFFFBFC0];
	s13 =	ssub.s32 $0x5F3759DF, s15  }
0x3b3: {  	v17 =	vsub.f32 v35, v17;
	v3 =	vadd.f32 v57, v3;
	v57 =	vld [tilespmem:s26+$0xFFFFFF80];
	s16 =	smul.f32 s13, s8  }
0x3b4: {  	s12 =	smul.f32 s10, s17;
	v0 =	vadd.f32 v28, v0;
	v28 =	vadd.f32 v59, v1;
	v1 =	vld [tilespmem:s26+$0xFFFFFF60]  }
0x3b5: {  	v5 =	vadd.f32 v36, v5;
	v36 =	vadd.f32 v31, v40;
	v31 =	vld [tilespmem:s26+$0xFFFFFF30];
	s17 =	smul.f32 s13, s16  }
0x3b6: {  	v29 =	vadd.f32 v33, v29;
	s9 =	smul.f32 s9, s14;
	s12 =	ssub.f32 $1.500000000e+00, s12;
	v39 =	vadd.f32 v27, v26;
	v26 =	vld [tilespmem:s26+$0xFFFFFF50]  }
0x3b7: {  	s11 =	smul.f32 s11, s18;
	v2 =	vadd.f32 v53, v2;
	v4 =	vadd.f32 v55, v4;
	v59 =	vld [tilespmem:s26+$0xFFFFFF90];
	s6 =	ssub.f32 $1.500000000e+00, s17  }
0x3b8: {  	s10 =	smul.f32 s10, s12;
	v34 =	vadd.f32 v8, v3;
	v56 =	vmul.f32 v28, v28;
	v37 =	vadd.f32 v24, v22  }
0x3b9: {  	s18 =	sadd.s32 $0x1, s21;
	v22 =	vmov s21;
	v40 =	vadd.f32 v58, v29;
	v33 =	vadd.f32 v1, v4;
	v1 =	vld [tilespmem:s26+$0xFFFFFFB0];
	s6 =	smul.f32 s13, s6  }
0x3ba: {  	s15 =	smul.f32 s9, s29;
	v24 =	vmov s18;
	v30 =	vadd.f32 v31, v30;
	v31 =	vadd.f32 v62, v2;
	v62 =	vld [tilespmem:s26+$0xFFFFFFC0]  }
0x3bb: {  	v29 =	vadd.f32 v60, v32;
	v55 =	vmul.f32 v34, v34;
	v32 =	vadd.f32 v26, v5;
	v5 =	vld [tilespmem:s26+$0xFFFFFFA0];
	s18 =	smul.f32 s6, s8  }
0x3bc: {  	v22 =	vand.u32 $0xFC, v22;
	s12 =	smul.f32 s15, s9;
	v35 =	vadd.f32 v57, v0;
	v36 =	vadd.f32 v59, v36  }
0x3bd: {  	v58 =	vmul.f32 v29, v29;
	v2 =	vadd.f32 v29, v28;
	v60 =	vadd.f32 v31, v30;
	s15 =	smul.f32 s18, s6  }
0x3be: {  	v8 =	vadd.f32 v35, v34;
	s17 =	smul.f32 s10, s2;
	v41 =	vmul.f32 v33, v33;
	s26 =	sadd.s32 $0x100, s26;
	v0 =	vadd.f32 v33, v32  }
0x3bf: {  	s16 =	smul.f32 s11, s30;
	v48 =	vld [tilespmem:s26+$0xFFFFFFD0];
	v3 =	vmul.f32 v32, v32;
	v38 =	vadd.f32 v1, v39;
	v2 =	vadd.f32 v60, v2;
	s15 =	ssub.f32 $1.500000000e+00, s15  }
0x3c0: {  	v49 =	vld [tilespmem:s26+$0xFFFFFFE0];
	s13 =	smul.f32 s17, s10;
	v60 =	vmul.f32 v35, v35;
	v39 =	vadd.f32 v62, v40;
	v37 =	vadd.f32 v5, v37  }
0x3c1: {  	v50 =	vld [tilespmem:s26+$0xFFFFBFD0];
	v1 =	vmul.f32 v36, v36;
	v0 =	vadd.f32 v8, v0;
	v3 =	vadd.f32 v41, v3;
	s6 =	smul.f32 s15, s6  }
0x3c2: {  	s14 =	smul.f32 s16, s11;
	v51 =	vld [tilespmem:s26+$0xFFFFBFE0];
	s13 =	ssub.f32 $1.500000000e+00, s13;
	v41 =	vmul.f32 v38, v38;
	v45 =	vadd.f32 v60, v55;
	v62 =	vmul.f32 v37, v37  }
0x3c3: {  	v54 =	vld [tilespmem:s26+$0xFFFEFFE0];
	v8 =	vadd.f32 v39, v38;
	v60 =	vmul.f32 v39, v39;
	v40 =	vadd.f32 v37, v36;
	s17 =	smul.f32 s6, s8  }
0x3c4: {  	s21 =	sadd.s32 $0x2, s21;
	v52 =	vmul.f32 v30, v30;
	v53 =	vmul.f32 v31, v31;
	v57 =	vld [tilespmem:s26+$0xFFFF3FE0];
	(xrf2) =	vadd.scan.msk.f32 $0xffff, v2;
	v1 =	vadd.f32 v62, v1;
	s8 =	smul.f32 s13, s10  }
0x3c5: {  	v27 =	vmov s21;
	s21 =	smov.u32 s19;
	s12 =	ssub.f32 $1.500000000e+00, s12;
	v2 =	vld [tilespmem:s26+$0xFFFEFFD0];
	v40 =	vadd.f32 v8, v40;
	v8 =	vadd.f32 v60, v41;
	s13 =	smul.f32 s17, s6  }
0x3c6: {  	v42 =	vbroadcast v22, $0x0;
	v4 =	vadd.f32 v58, v56;
	s16 =	ssub.f32 $1.500000000e+00, s14;
	v5 =	vadd.f32 v53, v52;
	v53 =	vld [tilespmem:s26+$0xFFFF3FD0];
	s18 =	sadd.s32 $0x3, s21  }
0x3c7: {  	s9 =	smul.f32 s12, s9;
	v55 =	vld [tilespmem:s26+$0xFFFF3FF0];
	v62 =	vmov s18;
	v52 =	vadd.f32 v8, v1;
	v1 =	vmov s7;
	s10 =	ssub.f32 $1.500000000e+00, s13  }
0x3c8: {  	s11 =	smul.f32 s16, s11;
	v4 =	vadd.f32 v5, v4;
	v5 =	vand.u32 $0xFF, v62;
	v56 =	vsub.f32 v47, v1;
	v47 =	vld [tilespmem:$0x1FBD0]  }
0x3c9: {  	v22 =	vand.u32 $0xFD, v24;
	(xrf2) =	vadd.scan.msk.f32 $0xffff, v0;
	v0 =	vld [tilespmem:s26+$0xFFFEFFF0];
	v5 =	vbroadcast v5, $0x0;
	s6 =	smul.f32 s10, s6  }
0x3ca: {  	v24 =	vbroadcast v22, $0x0;
	v22 =	vor.u32 v6, v42;
	s16 =	smul.f32 s11, s30;
	v62 =	vld [tilespmem:s26+$0xFFFF7FD0]  }
0x3cb: {  	s15 =	smul.f32 s9, s29;
	v41 =	vor.u32 v61, v42;
	v12 =	vor.u32 v61, v5;
	v61 =	vmul.f32 s6, v56;
	v56 =	vld [tilespmem:$0x1FBE0]  }
0x3cc: {  	v26 =	vor.u32 v7, v42;
	v59 =	vld [tilespmem:s26+$0xFFFF0000];
	v3 =	vadd.f32 v45, v3;
	s18 =	smul.f32 s16, s11;
	v2 =	vadd.f32 v53, v2  }
0x3cd: {  	v60 =	vld [tilespmem:s26+$0xFFFF4000];
	(xrf2) =	vadd.scan.msk.f32 $0xffff, v40;
	v40 =	vor.u32 v63, v42;
	s2 =	smul.f32 s8, s2;
	v45 =	vor.u32 v6, v5;
	v58 =	vsub.f32 v47, v1  }
0x3ce: {  	v13 =	vor.u32 v7, v5;
	v42 =	vor.u32 v63, v5;
	s17 =	smul.f32 s15, s9;
	v5 =	vld [tilespmem:s26+$0xFFFF7FE0];
	v53, _, _ =	vpop (xrf2);
	(xrf2) =	vadd.scan.msk.f32 $0xffff, v4;
	v4 =	vadd.f32 v57, v54  }
0x3cf: {  	p0 =	slt.u32 s28, $0xFC;
	s2 =	smul.f32 s2, s8;
	v8 =	vmul.f32 s6, v58;
	v58 =	vadd.f32 v55, v0;
	v0 =	vadd.f32 v62, v2;
	v2 =	vld [tilespmem:$0x1FFB0]  }
.Ltmp1:
0x3d0: {  	s7 =	ssub.f32 $1.500000000e+00, s17;
	v57 =	vld [tilespmem:s26+$0xFFFF8000];
	v63 =	vsub.f32 v56, v1;
	v1 =	vsub.f32 v46, v1;
	(pc) =	sbr.rel @p0 .LBB2_4-.Ltmp1, $4  }
0x3d1: {  	s10 =	ssub.f32 $1.500000000e+00, s18;
	v55 =	vld [tilespmem:s26+$0xFFFFBFF0];
	v44 =	vmul.f32 v8, v44;
	v46 =	vmul.f32 v61, v11  }
0x3d2: {  	s31 =	smul.f32 s7, s9;
	s2 =	ssub.f32 $1.500000000e+00, s2;
	v56 =	vld [tilespmem:s26+$0xFFFF7FF0];
	v61 =	vadd.f32 v60, v59;
	v47 =	vmul.f32 s6, v63;
	v11 =	vmul.f32 s6, v1  }
0x3d3: {  	v27 =	vand.u32 $0xFE, v27;
	s30 =	smul.f32 s10, s11;
	v60 =	vld [tilespmem:s26+$0xFFFFC000];
	v62 =	vadd.f32 v46, v10;
	v1 =	vadd.f32 v5, v4  }
0x3d4: {  	s19 =	smov.u32 s28;
	s28 =	sadd.s32 $0x4, s28;
	(xrf2) =	vadd.scan.msk.f32 $0xffff, v3;
	v54, _, _ =	vpop (xrf2);
	s29 =	smul.f32 s2, s8;
	v59 =	vld [tilespmem:s26+$0xFFFFFFF0];
	v46 =	vadd.f32 v44, v9;
	v63 =	vmul.f32 v47, v43;
	v47 =	vmul.f32 v11, v2  }
0x3d5: {  	v2 =	vld [tilespmem:s26+$0x0]  }
0x3d6: {  	v8 =	vld [tilespmem:s26+$0xFFFF3F10]  }
0x3d7: {  	v5 =	vld [tilespmem:s26+$0xFFFEFF20]  }
0x3d8: {  	v7 =	vld [tilespmem:s26+$0xFFFF3F20]  }
0x3d9: {  	v3 =	vld [tilespmem:s26+$0xFFFF3F50]  }
0x3da: {  	v6 =	vld [tilespmem:s26+$0xFFFEFF30]  }
0x3db: {  	v10 =	vld [tilespmem:s26+$0xFFFF3F30]  }
0x3dc: {  	v11 =	vld [tilespmem:s26+$0xFFFEFF40]  }
0x3dd: {  	v44 =	vld [tilespmem:s26+$0xFFFF3F40]  }
0x3de: {  	v43 =	vld [tilespmem:s26+$0xFFFEFF50];
	[tilespmem:$0x1F960] =	vst v3  }
0x3df: {  	v3 =	vld [tilespmem:s26+$0xFFFEFF60];
	_ =	sdelay $0x4  }
0x3e0: {  	[tilespmem:$0x1F970] =	vst v3  }
0x3e1: {  	v3 =	vld [tilespmem:s26+$0xFFFF3F60];
	_ =	sdelay $0x4  }
0x3e2: {  	[tilespmem:$0x1F980] =	vst v3  }
0x3e3: {  	v3 =	vld [tilespmem:s26+$0xFFFEFF70];
	_ =	sdelay $0x4  }
0x3e4: {  	[tilespmem:$0x1F990] =	vst v3  }
0x3e5: {  	v3 =	vld [tilespmem:s26+$0xFFFF3F70];
	_ =	sdelay $0x4  }
0x3e6: {  	[tilespmem:$0x1F9A0] =	vst v3  }
0x3e7: {  	v3 =	vld [tilespmem:s26+$0xFFFEFF80];
	_ =	sdelay $0x4  }
0x3e8: {  	[tilespmem:$0x1F9B0] =	vst v3  }
0x3e9: {  	v3 =	vld [tilespmem:s26+$0xFFFF3F80];
	_ =	sdelay $0x4  }
0x3ea: {  	[tilespmem:$0x1F9C0] =	vst v3  }
0x3eb: {  	v3 =	vld [tilespmem:s26+$0xFFFEFF90];
	_ =	sdelay $0x4  }
0x3ec: {  	[tilespmem:$0x1F9D0] =	vst v3  }
0x3ed: {  	v3 =	vld [tilespmem:s26+$0xFFFF3F90];
	_ =	sdelay $0x4  }
0x3ee: {  	[tilespmem:$0x1F9E0] =	vst v3  }
0x3ef: {  	v3 =	vld [tilespmem:s26+$0xFFFEFFA0];
	_ =	sdelay $0x4  }
0x3f0: {  	[tilespmem:$0x1F9F0] =	vst v3  }
0x3f1: {  	v3 =	vld [tilespmem:s26+$0xFFFF3FA0];
	_ =	sdelay $0x2  }
0x3f2: {  	v56 =	vadd.f32 v56, v58  }
0x3f3: {  	v57 =	vadd.f32 v57, v61  }
0x3f4: {  	v1 =	vadd.f32 v51, v1;
	v51 =	vadd.f32 v55, v56;
	[tilespmem:$0x1FA00] =	vst v3  }
0x3f5: {  	v0 =	vadd.f32 v50, v0;
	v50 =	vadd.f32 v60, v57;
	v9 =	vld [tilespmem:s26+$0xFFFEFFB0]  }
0x3f6: {  	v4 =	vadd.f32 v59, v51;
	v58 =	vld [tilespmem:s26+$0xFFFF3FB0]  }
0x3f7: {  	v60 =	vadd.f32 v2, v50;
	v56 =	vld [tilespmem:s26+$0xFFFEFFC0]  }
0x3f8: {  	v3 =	vadd.f32 v48, v0;
	v61 =	vld [tilespmem:s26+$0xFFFF3FC0];
	[tilespmem:$0x1FAB0] =	vst v4  }
0x3f9: {  	v0 =	vadd.f32 v49, v1;
	[tilespmem:$0x1FAC0] =	vst v60  }
0x3fa: {  	v55 =	vld [tilespmem:s26+$0xFFFEFF10];
	[tilespmem:$0x1FA90] =	vst v3  }
0x3fb: {  	[tilespmem:$0x1FAA0] =	vst v0  }
0x3fc: {  	v57 =	vld [tilespmem:s26+$0xFFFF7F20];
	_ =	sdelay $0x4  }
0x3fd: {  	v51 =	vld [tilespmem:s26+$0xFFFF7F10];
	[tilespmem:$0x1FA10] =	vst v57  }
0x3fe: {  	(v2sf) =	vpush v53, $0xF;
	v53 =	vmul.f32 v60, v60;
	v59 =	vadd.f32 v60, v4;
	v60 =	vld [tilespmem:s26+$0xFFFF7F30];
	_ =	sdelay $0x3  }
0x3ff: {  	v57 =	vadd.f32 v0, v3  }
0x400: {  	[tilespmem:$0x1FA20] =	vst v60  }
0x401: {  	v49 =	vmul.f32 v0, v0;
	v0 =	vadd.f32 v59, v57;
	v59 =	vld [tilespmem:s26+$0xFFFF7F70]  }
0x402: {  	(xrf2) =	vadd.scan.msk.f32 $0xffff, v52;
	v52 =	vmul.f32 v4, v4;
	_ =	sdelay $0x1  }
0x403: {  	v4 =	vadd.f32 v53, v52;
	v52 =	vld [tilespmem:s26+$0xFFFF7F40]  }
0x404: {  	v53 =	vld [tilespmem:s26+$0xFFFF7F50]  }
0x405: {  	(v2sf) =	vpush v54, $0xF;
	v54 =	vld [tilespmem:s26+$0xFFFF7F60];
	[tilespmem:$0x1FA30] =	vst v59  }
0x406: {  	(xrf2) =	vadd.scan.msk.f32 $0xffff, v0;
	v0 =	vld [tilespmem:s26+$0xFFFF7F80];
	_ =	sdelay $0x2  }
0x407: {  	v2 =	vadd.f32 v7, v5;
	v7 =	vld [tilespmem:$0x1F980];
	v48 =	vmul.f32 v3, v3  }
0x408: {  	v5 =	vadd.f32 v44, v11;
	v11 =	vld [tilespmem:$0x1F990]  }
0x409: {  	v44 =	vld [tilespmem:$0x1F9A0];
	v48 =	vadd.f32 v49, v48;
	[tilespmem:$0x1FA40] =	vst v0  }
0x40a: {  	v0 =	vld [tilespmem:s26+$0xFFFF7FA0]  }
0x40b: {  	v50 =	vld [tilespmem:$0x1F9D0];
	v48 =	vadd.f32 v4, v48  }
0x40c: {  	v1 =	vadd.f32 v10, v6;
	v6 =	vld [tilespmem:$0x1F970]  }
0x40d: {  	v49 =	vld [tilespmem:$0x1F9C0];
	(xrf2) =	vadd.scan.msk.f32 $0xffff, v48  }
0x40e: {  	v48 =	vld [tilespmem:$0x1F9B0]  }
0x40f: {  	v57, _, _ =	vpop (xrf2);
	v59 =	vld [tilespmem:s26+$0xFFFF7F90];
	[tilespmem:$0x1FA50] =	vst v0  }
0x410: {  	(v2sf) =	vpush v57, $0xF;
	v60, _, _ =	vpop (xrf2);
	v0 =	vld [tilespmem:s26+$0xFFFF7FC0]  }
0x411: {  	v57 =	vld [tilespmem:$0x1F9E0];
	(v2sf) =	vpush v60, $0xF;
	v4, _, _ =	vpop (xrf2)  }
0x412: {  	(v2sf) =	vpush v4, $0xF;
	v4 =	vld [tilespmem:$0x1F960]  }
0x413: {  	v7 =	vadd.f32 v7, v6;
	v6 =	vadd.f32 v44, v11;
	v44 =	vld [tilespmem:$0x1F9F0]  }
0x414: {  	v3 =	vadd.f32 v61, v56;
	v56 =	vld [tilespmem:$0x1FA10];
	v60, _, _ =	vpop (xrf2)  }
0x415: {  	(v2sf) =	vpush v60, $0xF;
	v60 =	vld [tilespmem:s26+$0xFFFF7FB0];
	[tilespmem:$0x1FA60] =	vst v0  }
0x416: {  	v49 =	vadd.f32 v49, v48;
	v48 =	vadd.f32 v57, v50;
	v57, _, _ =	vpop (xrf2);
	v0 =	vld [tilespmem:s26+$0xFFFFBF10]  }
0x417: {  	v50 =	vld [tilespmem:$0x1FA00];
	v4 =	vadd.f32 v4, v43;
	(v2sf) =	vpush v57, $0xF;
	v57, _, _ =	vpop (xrf2)  }
0x418: {  	s2 =	spop (v2sf);
	(v2sf) =	vpush v57, $0xF;
	v57 =	vld [tilespmem:$0x1FA20]  }
0x419: {  	v5 =	vadd.f32 v52, v5;
	v52 =	vadd.f32 v53, v4;
	v53 =	vld [tilespmem:$0x1FA40]  }
0x41a: {  	v4 =	vld [tilespmem:$0x1FA50]  }
0x41b: {  	[tilespmem:$0x1FA70] =	vst v0;
	v0 =	vadd.f32 v8, v55;
	v55 =	vadd.f32 v58, v9;
	v9 =	vld [tilespmem:$0x1FA30]  }
0x41c: {  	v10 =	vld [tilespmem:s26+$0xFFFFBF20]  }
0x41d: {  	v8 =	vld [tilespmem:s26+$0xFFFFBF60]  }
0x41e: {  	v43 =	vld [tilespmem:s26+$0xFFFFBF30]  }
0x41f: {  	v11 =	vld [tilespmem:s26+$0xFFFFBF40]  }
0x420: {  	v50 =	vadd.f32 v50, v44;
	v44 =	vld [tilespmem:s26+$0xFFFFBF50]  }
0x421: {  	v6 =	vadd.f32 v9, v6;
	v9 =	vld [tilespmem:$0x1FA70]  }
0x422: {  	[tilespmem:$0x1FA80] =	vst v8;
	v8 =	vld [tilespmem:$0x1FA60]  }
0x423: {  	v58 =	vld [tilespmem:s26+$0xFFFFBF70]  }
0x424: {  	v61 =	vld [tilespmem:s26+$0xFFFFBF80]  }
0x425: {  	v0 =	vadd.f32 v51, v0;
	v51 =	vadd.f32 v57, v1;
	v57 =	vld [tilespmem:s26+$0xFFFFBF90]  }
0x426: {  	v2 =	vadd.f32 v56, v2;
	v56 =	vld [tilespmem:s26+$0xFFFFBFA0]  }
0x427: {  	v7 =	vadd.f32 v54, v7;
	v54 =	vld [tilespmem:s26+$0xFFFFBFB0]  }
0x428: {  	v49 =	vadd.f32 v53, v49;
	v52 =	vadd.f32 v44, v52;
	v44 =	vld [tilespmem:$0x1FA80]  }
0x429: {  	s2 =	smul.f32 $1.562500000e-02, s2;
	s6 =	spop (v2sf);
	v48 =	vadd.f32 v59, v48;
	v50 =	vadd.f32 v4, v50;
	v59 =	vld [tilespmem:s26+$0xFFFFBFC0]  }
0x42a: {  	s8 =	smul.f32 $1.562500000e-02, s6;
	v55 =	vadd.f32 v60, v55;
	v2 =	vadd.f32 v10, v2;
	v60 =	vld [tilespmem:s26+$0xFFFFFF10]  }
0x42b: {  	s9 =	smul.f32 s2, s2;
	v51 =	vadd.f32 v43, v51;
	v53 =	vadd.f32 v8, v3;
	v3 =	vld [tilespmem:s26+$0xFFFFFF20]  }
0x42c: {  	s28 =	smul.f32 s8, s8;
	s18 =	spop (v2sf);
	v5 =	vadd.f32 v11, v5;
	v1 =	vld [tilespmem:s26+$0xFFFFFF30];
	v4 =	vadd.f32 v9, v0  }
0x42d: {  	s7 =	smul.f32 $1.562500000e-02, s18;
	s10 =	spop (v2sf);
	v0 =	vld [tilespmem:s26+$0xFFFFFF40];
	v7 =	vadd.f32 v44, v7;
	v6 =	vadd.f32 v58, v6  }
0x42e: {  	s10 =	smul.f32 $1.562500000e-02, s10;
	v58 =	vld [tilespmem:s26+$0xFFFFFF50];
	v61 =	vadd.f32 v61, v49;
	v57 =	vadd.f32 v57, v48  }
0x42f: {  	s11 =	spop (v2sf);
	s14 =	smul.f32 s7, s7;
	v48 =	vld [tilespmem:s26+$0xFFFFFF60];
	v56 =	vadd.f32 v56, v50;
	v44 =	vadd.f32 v60, v4  }
0x430: {  	s11 =	smul.f32 $1.562500000e-02, s11;
	v49 =	vadd.f32 v54, v55;
	v54 =	vld [tilespmem:s26+$0xFFFFFF70];
	v50 =	vadd.f32 v3, v2  }
0x431: {  	s12 =	spop (v2sf);
	s9 =	ssub.f32 s10, s9;
	v2 =	vadd.f32 v59, v53;
	v53 =	vadd.f32 v1, v51;
	v1 =	vld [tilespmem:s26+$0xFFFFFF80];
	[tilespmem:$0x1FB00] =	vst v44  }
0x432: {  	s13 =	smul.f32 $1.562500000e-02, s12;
	s6 =	ssub.f32 s11, s28;
	[tilespmem:$0x1FB10] =	vst v50  }
0x433: {  	s15 =	sadd.f32 $9.999999740e-06, s9;
	v55 =	vadd.f32 v0, v5;
	v59 =	vmul.f32 v44, v44;
	v3 =	vmul.f32 v50, v50;
	v5 =	vld [tilespmem:s26+$0xFFFFFF90]  }
0x434: {  	s10 =	ssub.f32 s13, s14;
	v9 =	vadd.f32 v48, v7;
	v7 =	vld [tilespmem:s26+$0xFFFFFFA0]  }
0x435: {  	s6 =	sadd.f32 $9.999999740e-06, s6;
	v0 =	vadd.f32 v3, v59;
	v3 =	vld [tilespmem:s26+$0xFFFFFFB0];
	[tilespmem:$0x1FB20] =	vst v53  }
0x436: {  	s9 =	smul.f32 $5.000000000e-01, s15;
	s13 =	sadd.f32 $9.999999740e-06, s10;
	v43 =	vadd.f32 v58, v52;
	v60 =	vadd.f32 v54, v6;
	v48 =	vmov v53;
	[tilespmem:$0x1FB30] =	vst v55  }
0x437: {  	s10 =	smul.f32 $5.000000000e-01, s6;
	v44 =	vadd.f32 v50, v44;
	v51 =	vadd.f32 v55, v48;
	v50 =	vmov v55;
	v58 =	vld [tilespmem:s26+$0xFFFFFFC0]  }
0x438: {  	s17 =	spop (v2sf);
	s11 =	smul.f32 $5.000000000e-01, s13;
	v52 =	vmul.f32 v48, v48;
	v10 =	vadd.f32 v1, v61;
	v53 =	vmul.f32 v50, v50  }
0x439: {  	v15 =	vmul.f32 s30, v15;
	s28 =	smul.f32 $1.562500000e-02, s17;
	s18 =	spop (v2sf);
	v54 =	vadd.f32 v9, v43;
	v6 =	vadd.f32 v51, v44;
	[tilespmem:$0x1FB60] =	vst v9  }
0x43a: {  	v17 =	vmul.f32 s30, v17;
	s16 =	sshra.s32 s15, $0x1;
	s12 =	smul.f32 $1.562500000e-02, s18;
	v55 =	vmovc v60;
	[tilespmem:$0x1FB70] =	vst v60;
	v1 =	vadd.f32 v53, v52;
	v60 =	vadd.f32 v10, v60  }
0x43b: {  	s14 =	ssub.s32 $0x5F3759DF, s16;
	s6 =	sshra.s32 s6, $0x1;
	s16 =	smul.f32 s28, s28;
	[tilespmem:$0x1FB40] =	vst v43;
	v43 =	vmul.f32 v43, v43;
	v48 =	vadd.f32 v5, v57;
	v50 =	vadd.f32 v7, v56  }
0x43c: {  	s15 =	smul.f32 s14, s9;
	s6 =	ssub.s32 $0x5F3759DF, s6;
	[tilespmem:$0x1FB80] =	vst v10;
	v53 =	vmul.f32 v9, v9;
	v61 =	vadd.f32 v3, v49;
	v57 =	vadd.f32 v58, v2  }
0x43d: {  	s17 =	smul.f32 s6, s10;
	s12 =	ssub.f32 s12, s16;
	(xrf2) =	vadd.scan.msk.f32 $0xffff, v6;
	v52 =	vadd.f32 v60, v54;
	v54 =	vmul.f32 v55, v55;
	v55 =	vmul.f32 v10, v10  }
0x43e: {  	s13 =	sshra.s32 s13, $0x1;
	s15 =	smul.f32 s14, s15;
	[tilespmem:$0x1FB90] =	vst v48;
	v9 =	vadd.f32 v50, v48;
	v10 =	vmul.f32 v48, v48;
	v48 =	vld [tilespmem:$0x1FEF0];
	v58 =	vadd.f32 v57, v61  }
0x43f: {  	v27 =	vbroadcast v27, $0x0;
	s13 =	ssub.s32 $0x5F3759DF, s13;
	s17 =	smul.f32 s6, s17;
	s12 =	sadd.f32 $9.999999740e-06, s12;
	v8 =	vld [tilespmem:$0x1FF40];
	v2 =	vadd.f32 v53, v43;
	v43 =	vmul.f32 v50, v50;
	(xrf2) =	vadd.scan.msk.f32 $0xffff, v52  }
0x440: {  	s26 =	smul.f32 s13, s11;
	[tilespmem:$0x1FBA0] =	vst v50;
	v50 =	vmul.f32 v61, v61;
	v51 =	vmul.f32 v57, v57;
	v49 =	vadd.f32 v58, v9;
	v9 =	vld [tilespmem:$0x1FF20]  }
0x441: {  	s15 =	ssub.f32 $1.500000000e+00, s15;
	s18 =	sshra.s32 s12, $0x1;
	s12 =	smul.f32 $5.000000000e-01, s12;
	v56 =	vmul.f32 s31, v18;
	v18 =	vld [tilespmem:$0x1FE90];
	v0 =	vadd.f32 v1, v0;
	v6 =	vadd.f32 v55, v54  }
0x442: {  	v25 =	vmul.f32 s29, v25;
	s16 =	smul.f32 s13, s26;
	v52 =	vadd.f32 v43, v10;
	v53 =	vadd.f32 v51, v50;
	v50 =	vld [tilespmem:$0x1FEE0]  }
0x443: {  	s17 =	ssub.f32 $1.500000000e+00, s17;
	s18 =	ssub.s32 $0x5F3759DF, s18;
	s26 =	smul.f32 s14, s15;
	v54 =	vmul.f32 s31, v14;
	v55 =	vmul.f32 s31, v19;
	v58 =	vadd.f32 v47, v48;
	v47 =	vld [tilespmem:$0x1FFE0]  }
0x444: {  	s15 =	smul.f32 s18, s12;
	v43 =	vmul.f32 s29, v20;
	v2 =	vadd.f32 v6, v2;
	(xrf2) =	vadd.scan.msk.f32 $0xffff, v49;
	v1 =	vadd.f32 v53, v52;
	v52 =	vld [tilespmem:$0x1FF70]  }
0x445: {  	s14 =	smul.f32 s6, s17;
	v20 =	vmul.f32 s29, v21;
	(xrf2) =	vadd.scan.msk.f32 $0xffff, v0;
	v60 =	vmul.f32 v54, v9;
	v54 =	vld [tilespmem:$0x1FFB0]  }
0x446: {  	s17 =	ssub.f32 $1.500000000e+00, s16;
	s15 =	smul.f32 s18, s15;
	v21 =	vmul.f32 s29, v23;
	v7 =	vmul.f32 s31, v18;
	v18 =	vmax.f32 v62, $0.0e+00;
	(xrf2) =	vadd.scan.msk.f32 $0xffff, v2  }
0x447: {  	s16 =	smul.f32 s26, s9;
	[tilespmem:$0x1FBB0] =	vst v61;
	v6 =	vmul.f32 v55, v8;
	v55 =	vmov s7;
	v20 =	vmul.f32 v20, v8;
	v61, _, _ =	vpop (xrf2)  }
0x448: {  	s13 =	smul.f32 s13, s17;
	s15 =	ssub.f32 $1.500000000e+00, s15;
	v19 =	vld [tilespmem:$0x1FEA0];
	v36 =	vsub.f32 v36, v55;
	v62 =	vmax.f32 v58, $0.0e+00;
	(v2sf) =	vpush v61, $0xF  }
0x449: {  	v44 =	vld [tilespmem:$0x1FF80];
	s17 =	smul.f32 s14, s10;
	(xrf2) =	vadd.scan.msk.f32 $0xffff, v1;
	v14 =	vadd.f32 v63, v50;
	v63 =	vor.u32 v47, v24;
	v61, _, _ =	vpop (xrf2);
	v1 =	vadd.f32 v60, v52  }
0x44a: {  	s6 =	smul.f32 s18, s15;
	v53 =	vld [tilespmem:$0x1FFA0];
	(v2sf) =	vpush v61, $0xF;
	v23 =	vmul.f32 v25, v54;
	v25 =	vmov s2  }
0x44b: {  	s31 =	smul.f32 s13, s11;
	v59 =	vmax.f32 v14, $0.0e+00;
	[tilespmem:$0x1FAF0] =	vst v63;
	v63 =	vld [tilespmem:$0x1FA90];
	v4 =	vsub.f32 v28, v25;
	v58 =	vsub.f32 v29, v25  }
0x44c: {  	s15 =	smul.f32 s16, s26;
	[tilespmem:$0x1FAD0] =	vst v59;
	v59 =	vsub.f32 v30, v25;
	v60 =	vsub.f32 v31, v25;
	v31 =	vmov s8;
	v25 =	vld [tilespmem:$0x1FFC0]  }
0x44d: {  	s16 =	smul.f32 s17, s14;
	v3 =	vmul.f32 s30, v19;
	[tilespmem:$0x1FAE0] =	vst v62;
	v30 =	vld [tilespmem:$0x1FFD0];
	v61 =	vsub.f32 v32, v31;
	v62 =	vsub.f32 v33, v31  }
0x44e: {  	s18 =	smul.f32 s6, s12;
	v2 =	vmul.f32 s30, v16;
	v10, _, _ =	vpop (xrf2);
	v34 =	vsub.f32 v34, v31;
	v35 =	vsub.f32 v35, v31;
	v31 =	vld [tilespmem:$0x1FFF0]  }
0x44f: {  	v37 =	vsub.f32 v37, v55;
	s15 =	ssub.f32 $1.500000000e+00, s15;
	s17 =	smul.f32 s31, s13;
	v3 =	vmul.f32 v3, v9;
	(v2sf) =	vpush v10, $0xF;
	v11, _, _ =	vpop (xrf2);
	v10 =	vld [tilespmem:$0x1FAA0]  }
0x450: {  	v49 =	vmul.f32 v21, v44;
	s18 =	smul.f32 s18, s6;
	s30 =	ssub.f32 $1.500000000e+00, s16;
	v2 =	vmul.f32 v2, v44;
	(v2sf) =	vpush v11, $0xF;
	v14, _, _ =	vpop (xrf2);
	v11 =	vld [tilespmem:$0x1FAB0]  }
0x451: {  	v0 =	vmul.f32 v56, v44;
	s26 =	smul.f32 s15, s26;
	s31 =	ssub.f32 $1.500000000e+00, s17;
	v3 =	vadd.f32 v3, v52;
	(v2sf) =	vpush v14, $0xF;
	v14 =	vld [tilespmem:$0x1FAC0]  }
0x452: {  	v56 =	vmov s28;
	s29 =	smul.f32 s30, s14;
	v6 =	vadd.f32 v6, v53;
	v2 =	vadd.f32 v2, v50  }
0x453: {  	s18 =	ssub.f32 $1.500000000e+00, s18;
	s30 =	smul.f32 s31, s13;
	v29 =	vmax.f32 v3, $0.0e+00;
	v32 =	vsub.f32 v38, v55;
	v33 =	vsub.f32 v39, v55;
	v21, _, _ =	vpop (xrf2)  }
0x454: {  	s14 =	smul.f32 s26, s9;
	v3 =	vsub.f32 v63, v56;
	(v2sf) =	vpush v21, $0xF;
	v19 =	vor.u32 v30, v24  }
0x455: {  	s6 =	smul.f32 s18, s6;
	v55 =	vor.u32 v25, v27;
	v21 =	vor.u32 v31, v24;
	v38 =	vsub.f32 v10, v56  }
0x456: {  	s15 =	smul.f32 s29, s10;
	v39 =	vsub.f32 v11, v56;
	v63 =	vsub.f32 v14, v56;
	v14 =	vor.u32 v25, v24  }
0x457: {  	s12 =	smul.f32 s6, s12;
	v24 =	vor.u32 v47, v27;
	v56 =	vor.u32 v30, v27;
	v27 =	vor.u32 v31, v27  }
0x458: {  	v51 =	vmax.f32 v46, $0.0e+00;
	v0 =	vadd.f32 v0, v50;
	v20 =	vadd.f32 v20, v53;
	s16 =	smul.f32 s30, s11;
	[tilespmem:$0x1FB50] =	vst v27  }
0x459: {  	v16 =	vmax.f32 v6, $0.0e+00;
	s13 =	smul.f32 s12, s6;
	v11 =	vmax.f32 v2, $0.0e+00;
	v2 =	vmov s21;
	[tilespmem:v45+s4+$0x0] =	vst.idx.msk $0xffff, v18  }
0x45a: {  	s10 =	smul.f32 s16, s30;
	v28 =	vmax.f32 v20, $0.0e+00;
	v20 =	vadd.f32 v23, v48;
	v23 =	vand.u32 $0xFC, v2;
	[tilespmem:v13+s4+$0x0] =	vst.idx.msk $0xffff, v51  }
0x45b: {  	s17 =	smul.f32 s14, s26;
	v6 =	vmax.f32 v0, $0.0e+00;
	v0 =	vadd.f32 v49, v50;
	s2 =	ssub.f32 $1.500000000e+00, s13;
	v49 =	vbroadcast v23, $0x0;
	v13 =	vld [tilespmem:$0x1FAD0]  }
0x45c: {  	s18 =	smul.f32 s15, s29;
	s10 =	ssub.f32 $1.500000000e+00, s10  }
0x45d: {  	s9 =	smul.f32 s2, s6;
	s28 =	spop (v2sf);
	v23 =	vor.u32 v47, v49  }
0x45e: {  	s7 =	smul.f32 $1.562500000e-02, s28;
	s14 =	spop (v2sf);
	v18 =	vor.u32 v25, v49;
	v51 =	vor.u32 v30, v49;
	v49 =	vor.u32 v31, v49  }
0x45f: {  	s13 =	ssub.f32 $1.500000000e+00, s17;
	s8 =	smul.f32 $1.562500000e-02, s14;
	[tilespmem:$0x1FBC0] =	vst v49  }
0x460: {  	v7 =	vmul.f32 v7, v54;
	s6 =	ssub.f32 $1.500000000e+00, s18;
	s31 =	smul.f32 s7, s7;
	[tilespmem:v12+s4+$0x0] =	vst.idx.msk $0xffff, v13  }
0x461: {  	v46 =	vmax.f32 v1, $0.0e+00;
	s12 =	smul.f32 s8, s8;
	s15 =	spop (v2sf);
	v12 =	vld [tilespmem:$0x1FAE0]  }
0x462: {  	v7 =	vadd.f32 v7, v48;
	s2 =	smul.f32 $1.562500000e-02, s15;
	s16 =	spop (v2sf);
	[tilespmem:v22+s4+$0x0] =	vst.idx.msk $0xffff, v46  }
0x463: {  	s14 =	smul.f32 $1.562500000e-02, s16;
	s17 =	spop (v2sf);
	[tilespmem:v26+s4+$0x0] =	vst.idx.msk $0xffff, v16  }
0x464: {  	v7 =	vmax.f32 v7, $0.0e+00;
	s15 =	smul.f32 $1.562500000e-02, s17;
	s28 =	spop (v2sf);
	[tilespmem:v41+s4+$0x0] =	vst.idx.msk $0xffff, v6  }
0x465: {  	v43 =	vmul.f32 v43, v9;
	s16 =	smul.f32 s2, s2;
	s11 =	ssub.f32 s14, s31;
	[tilespmem:v40+s4+$0x0] =	vst.idx.msk $0xffff, v7  }
0x466: {  	v15 =	vmul.f32 v15, v8;
	s17 =	smul.f32 $1.562500000e-02, s28;
	s12 =	ssub.f32 s15, s12;
	[tilespmem:v42+s4+$0x0] =	vst.idx.msk $0xffff, v12  }
0x467: {  	v43 =	vadd.f32 v43, v52;
	s18 =	sadd.s32 $0x1, s21;
	s13 =	smul.f32 s13, s26;
	s11 =	sadd.f32 $9.999999740e-06, s11;
	v12 =	vld [tilespmem:$0x1FAF0]  }
0x468: {  	v5 =	vmul.f32 v17, v54;
	v17 =	vadd.f32 v15, v53;
	s6 =	smul.f32 s6, s29;
	v10 =	vmov s18;
	s15 =	ssub.f32 s17, s16  }
0x469: {  	v15 =	vmax.f32 v43, $0.0e+00;
	v3 =	vmul.f32 s9, v3;
	v43 =	vand.u32 $0xFD, v10;
	s16 =	smul.f32 s10, s30;
	s12 =	sadd.f32 $9.999999740e-06, s12  }
0x46a: {  	v5 =	vadd.f32 v5, v48;
	s18 =	sadd.s32 $0x2, s21;
	v27 =	vbroadcast v43, $0x0;
	v43 =	vmul.f32 s9, v38;
	s10 =	smul.f32 $5.000000000e-01, s11;
	s21 =	sadd.f32 $9.999999740e-06, s15  }
0x46b: {  	v1 =	vmax.f32 v17, $0.0e+00;
	v39 =	vmul.f32 s9, v39;
	v63 =	vmul.f32 s9, v63;
	s11 =	sshra.s32 s11, $0x1;
	s9 =	smul.f32 $5.000000000e-01, s12  }
0x46c: {  	v17 =	vmax.f32 v0, $0.0e+00;
	v4 =	vmul.f32 s13, v4;
	v45 =	vmov s18;
	s26 =	ssub.s32 $0x5F3759DF, s11;
	s12 =	sshra.s32 s12, $0x1;
	s11 =	smul.f32 $5.000000000e-01, s21  }
0x46d: {  	v38 =	vmul.f32 v3, v9;
	v3 =	vand.u32 $0xFE, v45;
	v45 =	vmul.f32 v43, v8;
	s12 =	ssub.s32 $0x5F3759DF, s12;
	s14 =	sshra.s32 s21, $0x1;
	s28 =	smul.f32 s26, s10  }
0x46e: {  	v5 =	vmax.f32 v5, $0.0e+00;
	v4 =	vmul.f32 v4, v9;
	v43 =	vmul.f32 s13, v58;
	[tilespmem:v24+s4+$0x0] =	vst.idx.msk $0xffff, v15;
	s14 =	ssub.s32 $0x5F3759DF, s14;
	s29 =	smul.f32 s12, s9  }
0x46f: {  	v58 =	vmul.f32 s13, v60;
	v60 =	vadd.f32 v45, v53;
	v45 =	vmul.f32 s6, v61;
	s30 =	smul.f32 s14, s11;
	[tilespmem:v12+s4+$0x0] =	vst.idx.msk $0xffff, v29  }
0x470: {  	v20 =	vmax.f32 v20, $0.0e+00;
	v4 =	vadd.f32 v4, v52;
	v39 =	vmul.f32 v39, v44;
	s31 =	sadd.s32 $0x3, s19;
	s17 =	smul.f32 s26, s28;
	[tilespmem:v14+s4+$0x0] =	vst.idx.msk $0xffff, v1  }
0x471: {  	v10 =	vmov s31;
	v42 =	vmul.f32 s13, v59;
	s31 =	smul.f32 s12, s29;
	v1 =	vmul.f32 v45, v9;
	[tilespmem:v19+s4+$0x0] =	vst.idx.msk $0xffff, v11  }
0x472: {  	v38 =	vadd.f32 v38, v52;
	v46 =	vmul.f32 s6, v62;
	v26 =	vmul.f32 s6, v34;
	s17 =	ssub.f32 $1.500000000e+00, s17;
	[tilespmem:v21+s4+$0x0] =	vst.idx.msk $0xffff, v5  }
0x473: {  	v34 =	vmul.f32 s6, v35;
	v61 =	vmul.f32 v42, v44;
	s13 =	smul.f32 s14, s30;
	s6 =	ssub.f32 $1.500000000e+00, s31;
	v42 =	vadd.f32 v1, v52;
	v1 =	vld [tilespmem:$0x1FB00]  }
0x474: {  	v4 =	vmax.f32 v4, $0.0e+00;
	v49 =	vmul.f32 v63, v54;
	v62 =	vadd.f32 v39, v50;
	s15 =	smul.f32 s26, s17;
	v45 =	vld [tilespmem:$0x1FB10];
	[tilespmem:v55+s4+$0x0] =	vst.idx.msk $0xffff, v28  }
0x475: {  	v39 =	vmul.f32 v46, v8;
	v7 =	vmax.f32 v60, $0.0e+00;
	v60 =	vmul.f32 v43, v8;
	s13 =	ssub.f32 $1.500000000e+00, s13;
	s6 =	smul.f32 s12, s6;
	v46 =	vld [tilespmem:$0x1FB20]  }
0x476: {  	v13 =	vmax.f32 v38, $0.0e+00;
	v38 =	vor.u32 v30, v27;
	v6 =	vmax.f32 v62, $0.0e+00;
	s21 =	smul.f32 s15, s10;
	v55 =	vld [tilespmem:$0x1FB30];
	[tilespmem:v56+s4+$0x0] =	vst.idx.msk $0xffff, v17  }
0x477: {  	v35 =	vmul.f32 s16, v36;
	v36 =	vmul.f32 s16, v37;
	v37 =	vadd.f32 v60, v53;
	s18 =	smul.f32 s14, s13;
	v60 =	vld [tilespmem:$0x1FB50]  }
0x478: {  	v62 =	vmul.f32 v58, v54;
	v58 =	vmov s8;
	v26 =	vmul.f32 v26, v44;
	s13 =	smul.f32 s21, s15  }
0x479: {  	v34 =	vmul.f32 v34, v54;
	v40 =	vor.u32 v47, v27;
	v0 =	vand.u32 $0xFF, v10;
	s26 =	smul.f32 s6, s9  }
0x47a: {  	v41 =	vadd.f32 v62, v48;
	v39 =	vadd.f32 v39, v53;
	v0 =	vbroadcast v0, $0x0;
	s28 =	smul.f32 s18, s11;
	s13 =	ssub.f32 $1.500000000e+00, s13  }
0x47b: {  	v43 =	vmov s7;
	v59 =	vadd.f32 v49, v48;
	v26 =	vadd.f32 v26, v50;
	s29 =	smul.f32 s26, s6  }
0x47c: {  	v34 =	vadd.f32 v34, v48;
	v22 =	vmul.f32 s16, v32;
	v63 =	vor.u32 v47, v0;
	s31 =	smul.f32 s13, s15  }
0x47d: {  	v16 =	vmul.f32 s16, v33;
	v33 =	vor.u32 v25, v27;
	v27 =	vor.u32 v31, v27;
	s30 =	smul.f32 s28, s18;
	s7 =	ssub.f32 $1.500000000e+00, s29  }
0x47e: {  	v2 =	vor.u32 v25, v0;
	v10 =	vor.u32 v30, v0;
	v0 =	vor.u32 v31, v0;
	s17 =	smul.f32 s31, s10  }
0x47f: {  	v26 =	vmax.f32 v26, $0.0e+00;
	v35 =	vmul.f32 v35, v9;
	v14 =	vmax.f32 v59, $0.0e+00;
	v59 =	vld [tilespmem:$0x1FB40];
	s15 =	smul.f32 s7, s6;
	[tilespmem:v60+s4+$0x0] =	vst.idx.msk $0xffff, v20  }
0x480: {  	v36 =	vmul.f32 v36, v8;
	v11 =	vadd.f32 v61, v50;
	s14 =	ssub.f32 $1.500000000e+00, s30;
	v24 =	vsub.f32 v1, v43;
	s7 =	smul.f32 s17, s31;
	v1 =	vld [tilespmem:$0x1FB60]  }
0x481: {  	v22 =	vmul.f32 v22, v44;
	v32 =	vmul.f32 v16, v54;
	v16 =	vmax.f32 v37, $0.0e+00;
	v62 =	vld [tilespmem:$0x1FB70];
	[tilespmem:v63+s4+$0x0] =	vst.idx.msk $0xffff, v13  }
0x482: {  	v61 =	vmov s2;
	v12 =	vmax.f32 v11, $0.0e+00;
	v11 =	vbroadcast v3, $0x0;
	s16 =	smul.f32 s14, s18;
	s7 =	ssub.f32 $1.500000000e+00, s7;
	v63 =	vld [tilespmem:$0x1FB80]  }
0x483: {  	v5 =	vmax.f32 v41, $0.0e+00;
	v21 =	vmax.f32 v42, $0.0e+00;
	v28 =	vsub.f32 v55, v43;
	s9 =	smul.f32 s15, s9;
	v55 =	vld [tilespmem:$0x1FB90]  }
0x484: {  	v49 =	vsub.f32 v45, v43;
	v45 =	vor.u32 v30, v11;
	v19 =	vsub.f32 v46, v43;
	v56 =	vld [tilespmem:$0x1FBA0];
	s7 =	smul.f32 s7, s31  }
0x485: {  	v43 =	vor.u32 v47, v11;
	v17 =	vsub.f32 v59, v58;
	v59 =	vmax.f32 v39, $0.0e+00;
	s9 =	smul.f32 s9, s15  }
0x486: {  	s18 =	smul.f32 s16, s11;
	v20 =	vsub.f32 v57, v61;
	v60 =	vadd.f32 v35, v52;
	v35 =	vmul.f32 s7, v24  }
0x487: {  	s9 =	ssub.f32 $1.500000000e+00, s9;
	v39 =	vmul.f32 s7, v19;
	v28 =	vmul.f32 s7, v28;
	v15 =	vsub.f32 v1, v58  }
0x488: {  	s10 =	smul.f32 s18, s16;
	v46 =	vsub.f32 v62, v58;
	v1 =	vor.u32 v31, v11;
	v13 =	vsub.f32 v63, v58  }
0x489: {  	s21 =	sadd.s32 $0x1, s19;
	s2 =	smul.f32 s9, s15;
	v62 =	vmov s19;
	v37 =	vsub.f32 v55, v61;
	v41 =	vsub.f32 v56, v61;
	v58 =	vld [tilespmem:$0x1FBB0];
	[tilespmem:v2+s4+$0x0] =	vst.idx.msk $0xffff, v7  }
0x48a: {  	s26 =	ssub.f32 $1.500000000e+00, s10;
	v55 =	vor.u32 v25, v11;
	v63 =	vadd.f32 v36, v53;
	v11 =	vmov s21;
	[tilespmem:v23+s4+$0x0] =	vst.idx.msk $0xffff, v4  }
0x48b: {  	v36 =	vmul.f32 s7, v49;
	[tilespmem:v10+s4+$0x0] =	vst.idx.msk $0xffff, v6;
	v10 =	vand.u32 $0xFC, v62;
	v15 =	vmul.f32 s2, v15  }
0x48c: {  	s6 =	smul.f32 s26, s16;
	v29 =	vand.u32 $0xFD, v11;
	[tilespmem:v18+s4+$0x0] =	vst.idx.msk $0xffff, v16;
	v56 =	vmul.f32 s2, v46;
	v18 =	vmul.f32 v39, v44  }
0x48d: {  	v2 =	vmax.f32 v60, $0.0e+00;
	[tilespmem:v0+s4+$0x0] =	vst.idx.msk $0xffff, v14;
	v4 =	vbroadcast v10, $0x0;
	v14 =	vbroadcast v29, $0x0  }
0x48e: {  	s28 =	sadd.s32 $0x2, s19;
	v49 =	vadd.f32 v32, v48;
	[tilespmem:v51+s4+$0x0] =	vst.idx.msk $0xffff, v12;
	v51 =	vmul.f32 s2, v17;
	v57 =	vmul.f32 s6, v37  }
0x48f: {  	v60 =	vmov s28;
	v12 =	vmul.f32 v36, v8;
	v10 =	vld [tilespmem:$0x1FBC0];
	[tilespmem:v40+s4+$0x0] =	vst.idx.msk $0xffff, v21;
	v15 =	vmul.f32 v15, v8  }
0x490: {  	v0 =	vmax.f32 v63, $0.0e+00;
	v17 =	vmul.f32 v56, v44;
	[tilespmem:v43+s4+$0x0] =	vst.idx.msk $0xffff, v2;
	v16 =	vmul.f32 v51, v9  }
0x491: {  	v62 =	vmul.f32 v57, v9;
	v63 =	vor.u32 v47, v4;
	v24 =	vor.u32 v25, v4  }
0x492: {  	v29 =	vor.u32 v31, v4;
	v12 =	vadd.f32 v12, v53;
	v42 =	vsub.f32 v58, v61  }
0x493: {  	[tilespmem:v33+s4+$0x0] =	vst.idx.msk $0xffff, v59;
	v61 =	vmax.f32 v34, $0.0e+00;
	v34 =	vadd.f32 v22, v50;
	v22 =	vmul.f32 v35, v9  }
0x494: {  	v32 =	vmul.f32 s2, v13;
	v36 =	vor.u32 v47, v14;
	v43 =	vor.u32 v30, v14;
	[tilespmem:v38+s4+$0x0] =	vst.idx.msk $0xffff, v26  }
0x495: {  	v58 =	vmul.f32 s6, v41;
	[tilespmem:v55+s4+$0x0] =	vst.idx.msk $0xffff, v0;
	v35 =	vmul.f32 v28, v54;
	v33 =	vadd.f32 v22, v52  }
0x496: {  	v38 =	vadd.f32 v18, v50;
	v46 =	vadd.f32 v15, v53;
	[tilespmem:v27+s4+$0x0] =	vst.idx.msk $0xffff, v61;
	v3 =	vmax.f32 v34, $0.0e+00  }
0x497: {  	v61 =	vand.u32 $0xFE, v60;
	v27 =	vor.u32 v30, v4;
	[tilespmem:v45+s4+$0x0] =	vst.idx.msk $0xffff, v3;
	v37 =	vmax.f32 v33, $0.0e+00  }
0x498: {  	v4 =	vmul.f32 v32, v54;
	v39 =	vmax.f32 v12, $0.0e+00;
	v41 =	vadd.f32 v16, v52;
	[tilespmem:v63+s4+$0x0] =	vst.idx.msk $0xffff, v37  }
0x499: {  	v57 =	vadd.f32 v62, v52;
	v59 =	vmul.f32 s6, v42;
	v42 =	vor.u32 v25, v14;
	[tilespmem:v10+s4+$0x0] =	vst.idx.msk $0xffff, v5  }
0x49a: {  	v7 =	vmul.f32 v58, v8;
	v6 =	vbroadcast v61, $0x0;
	v5 =	vmax.f32 v49, $0.0e+00;
	[tilespmem:v24+s4+$0x0] =	vst.idx.msk $0xffff, v39  }
0x49b: {  	v34 =	vmul.f32 s6, v20;
	v40 =	vadd.f32 v35, v48;
	v49 =	vmax.f32 v41, $0.0e+00;
	[tilespmem:v1+s4+$0x0] =	vst.idx.msk $0xffff, v5  }
0x49c: {  	v45 =	vor.u32 v31, v14;
	v51 =	vor.u32 v47, v6;
	v5 =	vmax.f32 v38, $0.0e+00;
	[tilespmem:v36+s4+$0x0] =	vst.idx.msk $0xffff, v49  }
0x49d: {  	v56 =	vmax.f32 v46, $0.0e+00;
	v3 =	vmul.f32 v34, v54;
	v54 =	vadd.f32 v17, v50;
	[tilespmem:v27+s4+$0x0] =	vst.idx.msk $0xffff, v5  }
0x49e: {  	v26 =	vmul.f32 v59, v44;
	v44 =	vmax.f32 v40, $0.0e+00;
	v55 =	vor.u32 v25, v6;
	[tilespmem:v42+s4+$0x0] =	vst.idx.msk $0xffff, v56  }
0x49f: {  	v4 =	vadd.f32 v4, v48;
	v58 =	vor.u32 v30, v6;
	v59 =	vmax.f32 v54, $0.0e+00;
	[tilespmem:v29+s4+$0x0] =	vst.idx.msk $0xffff, v44  }
0x4a0: {  	v7 =	vadd.f32 v7, v53;
	v6 =	vor.u32 v31, v6;
	v1 =	vmax.f32 v57, $0.0e+00;
	[tilespmem:v43+s4+$0x0] =	vst.idx.msk $0xffff, v59  }
0x4a1: {  	v4 =	vmax.f32 v4, $0.0e+00;
	v2 =	vadd.f32 v26, v50;
	[tilespmem:v51+s4+$0x0] =	vst.idx.msk $0xffff, v1  }
0x4a2: {  	v60 =	vadd.f32 v3, v48;
	v61 =	vmax.f32 v7, $0.0e+00;
	[tilespmem:v45+s4+$0x0] =	vst.idx.msk $0xffff, v4  }
0x4a3: {  	v62 =	vmax.f32 v2, $0.0e+00;
	[tilespmem:v55+s4+$0x0] =	vst.idx.msk $0xffff, v61  }
0x4a4: {  	v63 =	vmax.f32 v60, $0.0e+00;
	[tilespmem:v58+s4+$0x0] =	vst.idx.msk $0xffff, v62  }
0x4a5: {  	[tilespmem:v6+s4+$0x0] =	vst.idx.msk $0xffff, v63  }
0x4a6: {  	s30 =	simm.s32 $0x4000;
	s29 =	rddreg [dreg:$0x10]  }
0x4a7: {  	[hbm4b:s29+s22] =	stream.strided.scatter [tilespmem:s4], [sflag:$0x2], $0x4000, s30, s22, $0x38;
	[tilespmem:$0x18580] =	vst v63  }
0x4a8: {  	_ =	swait.ge [sflag:s20], $0x4000  }
0x4a9: {  	s3 =	sadd.s32 $0x1, s3;
	s31 =	rddreg [dreg:$0x11]  }
0x4aa: {  	p0 =	sne.s32 s3, s31  }
.Ltmp2:
0x4ab: {  	_ = 	snop;
	(pc) =	sbr.rel @p0 .LBB2_1-.Ltmp2, $3  }
0x4ac: {  	_ =	sdelay $0x1  }
0x4ad: {  	[sflag:s20] =	ssyncset.done $0x0  }
0x4ae: {  	[sflag:s20] =	ssyncadd.s32 $0xFFFFC000  }
0x4af: {  	_ =	sfence.sel $0x180000  }
0x4b0: {  	[bflag:$0x0] =	sbarrier.arrive $0xFFFF  }
0x4b1: {  	_ =	strace $0x90000047  }
0x4b2: {  	s0 =	stileid.u32;
	[bflag:$0x2] =	sbarrier.arrive $0xFFFF  }
0x4b3: {  	p0 =	sne.s32 s0, $0x0;
	s0 =	rddreg [dreg:$0x4]  }
0x4b4: {  	s0 =	sadd.s32 @!p0 $0x100000, s0  }
0x4b5: {  	[sflag:s0] =	ssyncadd.tile.s32 @!p0 $0x1;
	_ =	shalt  }
.Lfunc_end2:
_tile_overlayer_lowered:
.L_overlay_start_2:
0x4b6: {  	(tag) =	ssettag $0x2  }
0x4b7: {  	s0 =	rddreg [dreg:$0x0];
	s2 =	stileid.u32  }
0x4b8: {  	s1 =	rddreg [dreg:$0x1];
	p0 =	sne.s32 s2, $0x0  }
0x4b9: {  	s3 =	rddreg [dreg:$0x2];
	[bflag:$0x3] =	sbarrier.arrive $0xFFFF;
	s2 =	simm.s32 @!p0 $0x1C02  }
0x4ba: {  	[timem:s3], [sflag:s2] =	dma.local @!p0 [hbm:s0], s1  }
0x4bb: {  	s0 =	simm.s32 @!p0 $0x2  }
0x4bc: {  	_ =	swait.ge @!p0 [sflag:s0], s1  }
0x4bd: {  	s1 =	ssub.s32 @!p0 $0x0, s1;
	[sflag:s0] =	ssyncset.done @!p0 $0x0  }
0x4be: {  	[sflag:s0] =	ssyncadd.s32 @!p0 s1  }
0x4bf: {  	[bflag:$0x3] =	sbarrier.arrive $0xFFFF  }
0x4c0: {  	_ =	shalt  }

</sc_bundles>
